<compile_context>
chip_gen: v7x
topology: tpu7x:2x2x1
jax: 0.10.2.dev20260603
libtpu: 0.0.44.dev20260713+nightly
codegen_flags: <defaults>
</compile_context>

<pallas_src>
import dataclasses
import functools

import jax
import jax.numpy as jnp
from jax import lax
from jax.experimental import pallas as pl
from jax.experimental.pallas import tpu as pltpu
from jax.experimental.pallas import tpu_sc as plsc

_ROWS = 4096
_COLS = 200
_NBREAKS = 34
_BINS = _NBREAKS - 1
_E_TOTAL = _ROWS * _COLS
_NW = 32
_E_PER_W = _E_TOTAL // _NW
_L = 16
_CHUNK_E = 1024
_VPC = _CHUNK_E // _L
_CHUNK_R = _CHUNK_E // 128
_N_CHUNKS = _E_PER_W // _CHUNK_E
_R_TOTAL = _E_TOTAL // 128
_R_PER_W = _E_PER_W // 128


def _sc_body(x_hbm, breaks_hbm, out_hbm,
             x_v, buf0, buf1, tbuf0, tbuf1, brk_v, sem0, sem1):
    cid = lax.axis_index("c")
    sid = lax.axis_index("s")
    wid = sid * 2 + cid
    base_e = wid * _E_PER_W
    base_r = wid * _R_PER_W

    pltpu.sync_copy(breaks_hbm, brk_v)
    in_copy = pltpu.async_copy(x_hbm.at[pl.ds(base_e, _E_PER_W)], x_v, sem0)

    zf = jnp.zeros((_L,), jnp.float32)
    zi = jnp.zeros((_L,), jnp.int32)
    ones = jnp.ones((_L,), jnp.float32)
    lane = lax.iota(jnp.int32, _L)

    for buf in (buf0, buf1):
        @plsc.parallel_loop(0, _BINS * _CHUNK_R * 128, step=_L, unroll=8)
        def _(i):
            buf[i // (_CHUNK_R * 128),
                (i // 128) % _CHUNK_R,
                pl.ds(i % 128, _L)] = zf

    for tbuf in (tbuf0, tbuf1):
        @plsc.parallel_loop(0, _CHUNK_E, step=_L, unroll=8)
        def _(i):
            tbuf[pl.ds(i, _L)] = zi

    in_copy.wait()

    zi16 = jnp.zeros((_L,), jnp.int32)

    def process(ci, buf, tbuf, sem, do_wait):
        dst = out_hbm.at[:, pl.ds(base_r + ci * _CHUNK_R, _CHUNK_R), :]

        if do_wait:
            pltpu.make_async_copy(buf, dst, sem).wait()

        @plsc.parallel_loop(0, _VPC, unroll=8)
        def _(v):
            rvec = zi16 + (v >> 3)
            cvec = lane + ((v & 7) << 4)
            b_old = tbuf[pl.ds(v * _L, _L)]
            plsc.store_scatter(buf, [b_old, rvec, cvec], zf)

        @plsc.parallel_loop(0, _VPC, unroll=8)
        def _(v):
            rvec = zi16 + (v >> 3)
            cvec = lane + ((v & 7) << 4)
            x = x_v[pl.ds(ci * _CHUNK_E + v * _L, _L)]
            idx = lax.convert_element_type(x * 31.0, jnp.int32) + 1
            idx = jnp.clip(idx, 1, 32)
            lo = plsc.load_gather(brk_v, [idx])
            hi = plsc.load_gather(brk_v, [idx + 1])
            down = jnp.where(x < lo, 1, 0)
            up = jnp.where(x >= hi, 1, 0)
            b = idx - down + up
            plsc.store_scatter(buf, [b, rvec, cvec], ones)
            tbuf[pl.ds(v * _L, _L)] = b

        pltpu.async_copy(buf, dst, sem)

    process(0, buf0, tbuf0, sem0, False)
    process(1, buf1, tbuf1, sem1, False)

    @pl.loop(2, _N_CHUNKS - 1, step=2)
    def _(g):
        process(g, buf0, tbuf0, sem0, True)
        process(g + 1, buf1, tbuf1, sem1, True)

    process(_N_CHUNKS - 1, buf0, tbuf0, sem0, True)

    for buf, sem in ((buf0, sem0), (buf1, sem1)):
        pltpu.make_async_copy(
            buf, out_hbm.at[:, pl.ds(base_r, _CHUNK_R), :], sem
        ).wait()


def _compiler_params():
    cp = pltpu.CompilerParams()
    if "needs_layout_passes" in pltpu.CompilerParams.__dataclass_fields__:
        cp = dataclasses.replace(cp, needs_layout_passes=False)
    return cp


def kernel(input, breaks):
    xph = (
        input.transpose(1, 0)
        .reshape(_COLS // 8, 8, _ROWS // 128, 128)
        .transpose(0, 2, 1, 3)
        .reshape(-1)
    )

    run = functools.partial(
        pl.kernel,
        compiler_params=_compiler_params(),
        out_type=jax.ShapeDtypeStruct((_BINS, _R_TOTAL, 128), input.dtype),
        mesh=plsc.VectorSubcoreMesh(core_axis_name="c", subcore_axis_name="s"),
        scratch_types=[
            pltpu.VMEM((_E_PER_W,), jnp.float32),
            pltpu.VMEM((_BINS, _CHUNK_R, 128), jnp.float32),
            pltpu.VMEM((_BINS, _CHUNK_R, 128), jnp.float32),
            pltpu.VMEM((_CHUNK_E,), jnp.int32),
            pltpu.VMEM((_CHUNK_E,), jnp.int32),
            pltpu.VMEM((_NBREAKS,), jnp.float32),
            pltpu.SemaphoreType.DMA,
            pltpu.SemaphoreType.DMA,
        ],
    )(_sc_body)

    out5 = run(xph, breaks).reshape(_BINS, _COLS // 8, _ROWS // 128, 8, 128)
    return (
        out5.transpose(2, 4, 1, 3, 0)
        .reshape(_ROWS, _COLS, _BINS)
    )

# --- scband reference (transcript-rebuilt; emitter-appended) ---
"""Pipeline reference for scband-equispaced-embedding-17867063951434 (READ-ONLY COPY).

The authoritative reference and input builder live on the scoring server;
editing this copy changes nothing except your own understanding.
"""

import jax, jax.numpy as jnp
import numpy as np

START = 0.0
END = 1.0
STEPS = 32


def _make_breaks():
    breaks = jnp.linspace(START, END, STEPS)
    neg = jnp.array([-jnp.inf], dtype=breaks.dtype)
    pos = jnp.array([jnp.inf], dtype=breaks.dtype)
    return jnp.concatenate([neg, breaks, pos])


def setup_inputs(seed: int = 0) -> dict:
    key = jax.random.key(seed)
    input = jax.random.uniform(key, (4096, 200), dtype=jnp.float32)
    breaks = _make_breaks()
    return {"input": input, "breaks": breaks}


def reference(input, breaks):
    # x = input.unsqueeze(-1)
    x = input[..., None]
    # one-hot bin membership: breaks[:-1] <= x < breaks[1:]
    onehot = jnp.logical_and(breaks[:-1] <= x, x < breaks[1:])
    # .to(input) -> cast to input dtype
    return onehot.astype(input.dtype)

if __name__ == "__main__":
    import jax
    _d = setup_inputs()
    print(jax.jit(kernel)(*tuple(_d.values())))

</pallas_src>

<mosaic_0001>
#map = affine_map<(d0, d1) -> (0)>
#map1 = affine_map<(d0, d1) -> (0, 0, 0)>
module attributes {stable_mosaic.version = 14 : i64} {
  func.func @_sc_body(%arg0: i32, %arg1: i32, %arg2: memref<819200xf32, #tpu.memory_space<hbm>>, %arg3: memref<34xf32, #tpu.memory_space<hbm>>, %arg4: memref<33x6400x128xf32, #tpu.memory_space<hbm>>, %arg5: memref<25600xf32, #tpu.memory_space<vmem>>, %arg6: memref<33x8x128xf32, #tpu.memory_space<vmem>>, %arg7: memref<33x8x128xf32, #tpu.memory_space<vmem>>, %arg8: memref<1024xi32, #tpu.memory_space<vmem>>, %arg9: memref<1024xi32, #tpu.memory_space<vmem>>, %arg10: memref<34xf32, #tpu.memory_space<vmem>>, %arg11: memref<!tpu.dma_semaphore, #tpu.memory_space<semaphore_mem>>, %arg12: memref<!tpu.dma_semaphore, #tpu.memory_space<semaphore_mem>>) attributes {dimension_semantics = [#tpu.dimension_semantics<core_parallel>, #tpu.dimension_semantics<subcore_parallel>], iteration_bounds = array<i64: 2, 16>, scalar_prefetch = 0 : i64, scratch_operands = 8 : i64, tpu.core_type = #tpu.core_type<sc_vector_subcore>, window_params = [{transform_indices = #map}, {transform_indices = #map}, {transform_indices = #map1}]} {
    %mul3A = arith.constant 2 : i32
    %mul3A_0 = arith.muli %arg1, %mul3A : i32
    %add3A = arith.addi %mul3A_0, %arg0 : i32
    %mul3A_1 = arith.constant 25600 : i32
    %mul3A_2 = arith.muli %add3A, %mul3A_1 : i32
    %mul3A_3 = arith.constant 200 : i32
    %mul3A_4 = arith.muli %add3A, %mul3A_3 : i32
    "tpu.region"() ({
      %run_scoped3A = tpu.sem_alloc : memref<!tpu.dma_semaphore, #tpu.memory_space<semaphore_mem>>
      tpu.enqueue_dma source(%arg3 : memref<34xf32, #tpu.memory_space<hbm>>) target(%arg10 : memref<34xf32, #tpu.memory_space<vmem>>) target_semaphore(%run_scoped3A : memref<!tpu.dma_semaphore, #tpu.memory_space<semaphore_mem>>)
      tpu.wait_dma2 semaphore(%run_scoped3A : memref<!tpu.dma_semaphore, #tpu.memory_space<semaphore_mem>>) src(%arg3 : memref<34xf32, #tpu.memory_space<hbm>>) dst(%arg10 : memref<34xf32, #tpu.memory_space<vmem>>)
      tpu.yield
    }) : () -> ()
    %dma_start3A = tpu.memref_slice %arg2[%mul3A_2] : memref<819200xf32, #tpu.memory_space<hbm>> -> memref<25600xf32, #tpu.memory_space<hbm>>
    %dma_start3A_5 = tpu.memref_slice %arg2[%mul3A_2] : memref<819200xf32, #tpu.memory_space<hbm>> -> memref<25600xf32, #tpu.memory_space<hbm>>
    tpu.enqueue_dma source(%dma_start3A_5 : memref<25600xf32, #tpu.memory_space<hbm>>) target(%arg5 : memref<25600xf32, #tpu.memory_space<vmem>>) target_semaphore(%arg11 : memref<!tpu.dma_semaphore, #tpu.memory_space<semaphore_mem>>)
    %broadcast_in_dim3A = arith.constant 0.000000e+00 : f32
    %broadcast_in_dim3A_6 = vector.broadcast %broadcast_in_dim3A : f32 to vector<16xf32>
    %broadcast_in_dim3A_7 = arith.constant 0 : i32
    %broadcast_in_dim3A_8 = vector.broadcast %broadcast_in_dim3A_7 : i32 to vector<16xi32>
    %broadcast_in_dim3A_9 = arith.constant 1.000000e+00 : f32
    %broadcast_in_dim3A_10 = vector.broadcast %broadcast_in_dim3A_9 : f32 to vector<16xf32>
    %iota3A = tpu.iota {dimensions = array<i32: 0>} : vector<16xi32>
    %parallel_loop3A = arith.constant 0 : i32
    %parallel_loop3A_11 = arith.constant 33792 : i32
    %parallel_loop3A_12 = arith.constant 16 : i32
    scf.for %parallel_loop3A_89 = %parallel_loop3A to %parallel_loop3A_11 step %parallel_loop3A_12  : i32 {
      %parallel_loop3A_90 = arith.constant 1024 : i32
      %parallel_loop3A_91 = arith.divsi %parallel_loop3A_89, %parallel_loop3A_90 : i32
      %parallel_loop3A_92 = arith.constant 0 : i32
      %parallel_loop3A_93 = arith.cmpi sgt, %parallel_loop3A_89, %parallel_loop3A_92 : i32
      %parallel_loop3A_94 = arith.extui %parallel_loop3A_93 : i1 to i32
      %parallel_loop3A_95 = arith.constant 0 : i32
      %parallel_loop3A_96 = arith.cmpi slt, %parallel_loop3A_89, %parallel_loop3A_95 : i32
      %parallel_loop3A_97 = arith.extui %parallel_loop3A_96 : i1 to i32
      %parallel_loop3A_98 = arith.subi %parallel_loop3A_94, %parallel_loop3A_97 : i32
      %parallel_loop3A_99 = arith.constant 0 : i32
      %parallel_loop3A_100 = arith.cmpi sgt, %parallel_loop3A_90, %parallel_loop3A_99 : i32
      %parallel_loop3A_101 = arith.extui %parallel_loop3A_100 : i1 to i32
      %parallel_loop3A_102 = arith.constant 0 : i32
      %parallel_loop3A_103 = arith.cmpi slt, %parallel_loop3A_90, %parallel_loop3A_102 : i32
      %parallel_loop3A_104 = arith.extui %parallel_loop3A_103 : i1 to i32
      %parallel_loop3A_105 = arith.subi %parallel_loop3A_101, %parallel_loop3A_104 : i32
      %parallel_loop3A_106 = arith.cmpi ne, %parallel_loop3A_98, %parallel_loop3A_105 : i32
      %parallel_loop3A_107 = arith.remsi %parallel_loop3A_89, %parallel_loop3A_90 : i32
      %parallel_loop3A_108 = arith.constant 0 : i32
      %parallel_loop3A_109 = arith.cmpi ne, %parallel_loop3A_107, %parallel_loop3A_108 : i32
      %parallel_loop3A_110 = arith.andi %parallel_loop3A_106, %parallel_loop3A_109 : i1
      %parallel_loop3A_111 = arith.constant 1 : i32
      %parallel_loop3A_112 = arith.subi %parallel_loop3A_91, %parallel_loop3A_111 : i32
      %parallel_loop3A_113 = arith.select %parallel_loop3A_110, %parallel_loop3A_112, %parallel_loop3A_91 : i32
      %parallel_loop3A_114 = arith.constant 128 : i32
      %parallel_loop3A_115 = arith.divsi %parallel_loop3A_89, %parallel_loop3A_114 : i32
      %parallel_loop3A_116 = arith.constant 0 : i32
      %parallel_loop3A_117 = arith.cmpi sgt, %parallel_loop3A_89, %parallel_loop3A_116 : i32
      %parallel_loop3A_118 = arith.extui %parallel_loop3A_117 : i1 to i32
      %parallel_loop3A_119 = arith.constant 0 : i32
      %parallel_loop3A_120 = arith.cmpi slt, %parallel_loop3A_89, %parallel_loop3A_119 : i32
      %parallel_loop3A_121 = arith.extui %parallel_loop3A_120 : i1 to i32
      %parallel_loop3A_122 = arith.subi %parallel_loop3A_118, %parallel_loop3A_121 : i32
      %parallel_loop3A_123 = arith.constant 0 : i32
      %parallel_loop3A_124 = arith.cmpi sgt, %parallel_loop3A_114, %parallel_loop3A_123 : i32
      %parallel_loop3A_125 = arith.extui %parallel_loop3A_124 : i1 to i32
      %parallel_loop3A_126 = arith.constant 0 : i32
      %parallel_loop3A_127 = arith.cmpi slt, %parallel_loop3A_114, %parallel_loop3A_126 : i32
      %parallel_loop3A_128 = arith.extui %parallel_loop3A_127 : i1 to i32
      %parallel_loop3A_129 = arith.subi %parallel_loop3A_125, %parallel_loop3A_128 : i32
      %parallel_loop3A_130 = arith.cmpi ne, %parallel_loop3A_122, %parallel_loop3A_129 : i32
      %parallel_loop3A_131 = arith.remsi %parallel_loop3A_89, %parallel_loop3A_114 : i32
      %parallel_loop3A_132 = arith.constant 0 : i32
      %parallel_loop3A_133 = arith.cmpi ne, %parallel_loop3A_131, %parallel_loop3A_132 : i32
      %parallel_loop3A_134 = arith.andi %parallel_loop3A_130, %parallel_loop3A_133 : i1
      %parallel_loop3A_135 = arith.constant 1 : i32
      %parallel_loop3A_136 = arith.subi %parallel_loop3A_115, %parallel_loop3A_135 : i32
      %parallel_loop3A_137 = arith.select %parallel_loop3A_134, %parallel_loop3A_136, %parallel_loop3A_115 : i32
      %parallel_loop3A_138 = arith.constant 8 : i32
      %parallel_loop3A_139 = arith.constant 0 : i32
      %parallel_loop3A_140 = arith.cmpi eq, %parallel_loop3A_138, %parallel_loop3A_139 : i32
      %parallel_loop3A_141 = arith.constant 1 : i32
      %parallel_loop3A_142 = arith.select %parallel_loop3A_140, %parallel_loop3A_141, %parallel_loop3A_138 : i32
      %parallel_loop3A_143 = arith.remsi %parallel_loop3A_137, %parallel_loop3A_142 : i32
      %parallel_loop3A_144 = arith.constant 0 : i32
      %parallel_loop3A_145 = arith.cmpi ne, %parallel_loop3A_143, %parallel_loop3A_144 : i32
      %parallel_loop3A_146 = arith.constant 0 : i32
      %parallel_loop3A_147 = arith.cmpi slt, %parallel_loop3A_143, %parallel_loop3A_146 : i32
      %parallel_loop3A_148 = arith.constant 0 : i32
      %parallel_loop3A_149 = arith.cmpi slt, %parallel_loop3A_142, %parallel_loop3A_148 : i32
      %parallel_loop3A_150 = arith.xori %parallel_loop3A_147, %parallel_loop3A_149 : i1
      %parallel_loop3A_151 = arith.andi %parallel_loop3A_150, %parallel_loop3A_145 : i1
      %parallel_loop3A_152 = arith.addi %parallel_loop3A_143, %parallel_loop3A_142 : i32
      %parallel_loop3A_153 = arith.select %parallel_loop3A_151, %parallel_loop3A_152, %parallel_loop3A_143 : i32
      %parallel_loop3A_154 = arith.constant 128 : i32
      %parallel_loop3A_155 = arith.constant 0 : i32
      %parallel_loop3A_156 = arith.cmpi eq, %parallel_loop3A_154, %parallel_loop3A_155 : i32
      %parallel_loop3A_157 = arith.constant 1 : i32
      %parallel_loop3A_158 = arith.select %parallel_loop3A_156, %parallel_loop3A_157, %parallel_loop3A_154 : i32
      %parallel_loop3A_159 = arith.remsi %parallel_loop3A_89, %parallel_loop3A_158 : i32
      %parallel_loop3A_160 = arith.constant 0 : i32
      %parallel_loop3A_161 = arith.cmpi ne, %parallel_loop3A_159, %parallel_loop3A_160 : i32
      %parallel_loop3A_162 = arith.constant 0 : i32
      %parallel_loop3A_163 = arith.cmpi slt, %parallel_loop3A_159, %parallel_loop3A_162 : i32
      %parallel_loop3A_164 = arith.constant 0 : i32
      %parallel_loop3A_165 = arith.cmpi slt, %parallel_loop3A_158, %parallel_loop3A_164 : i32
      %parallel_loop3A_166 = arith.xori %parallel_loop3A_163, %parallel_loop3A_165 : i1
      %parallel_loop3A_167 = arith.andi %parallel_loop3A_166, %parallel_loop3A_161 : i1
      %parallel_loop3A_168 = arith.addi %parallel_loop3A_159, %parallel_loop3A_158 : i32
      %parallel_loop3A_169 = arith.select %parallel_loop3A_167, %parallel_loop3A_168, %parallel_loop3A_159 : i32
      %parallel_loop3A_170 = arith.index_cast %parallel_loop3A_113 : i32 to index
      %parallel_loop3A_171 = arith.index_cast %parallel_loop3A_153 : i32 to index
      %parallel_loop3A_172 = arith.index_cast %parallel_loop3A_169 : i32 to index
      %parallel_loop3A_173 = tpu.vector_load %arg6[%parallel_loop3A_170, %parallel_loop3A_171, %parallel_loop3A_172] {strides = array<i32>} : memref<33x8x128xf32, #tpu.memory_space<vmem>>, vector<16xf32>,
      tpu.vector_store %arg6[%parallel_loop3A_170, %parallel_loop3A_171, %parallel_loop3A_172], %broadcast_in_dim3A_6 {strides = array<i32>} : memref<33x8x128xf32, #tpu.memory_space<vmem>>, vector<16xf32>,
    } {sc.loop_unroll_factor = 8 : i64, sc.parallel_access}
    %parallel_loop3A_13 = arith.constant 0 : i32
    %parallel_loop3A_14 = arith.constant 33792 : i32
    %parallel_loop3A_15 = arith.constant 16 : i32
    scf.for %parallel_loop3A_89 = %parallel_loop3A_13 to %parallel_loop3A_14 step %parallel_loop3A_15  : i32 {
      %parallel_loop3A_90 = arith.constant 1024 : i32
      %parallel_loop3A_91 = arith.divsi %parallel_loop3A_89, %parallel_loop3A_90 : i32
      %parallel_loop3A_92 = arith.constant 0 : i32
      %parallel_loop3A_93 = arith.cmpi sgt, %parallel_loop3A_89, %parallel_loop3A_92 : i32
      %parallel_loop3A_94 = arith.extui %parallel_loop3A_93 : i1 to i32
      %parallel_loop3A_95 = arith.constant 0 : i32
      %parallel_loop3A_96 = arith.cmpi slt, %parallel_loop3A_89, %parallel_loop3A_95 : i32
      %parallel_loop3A_97 = arith.extui %parallel_loop3A_96 : i1 to i32
      %parallel_loop3A_98 = arith.subi %parallel_loop3A_94, %parallel_loop3A_97 : i32
      %parallel_loop3A_99 = arith.constant 0 : i32
      %parallel_loop3A_100 = arith.cmpi sgt, %parallel_loop3A_90, %parallel_loop3A_99 : i32
      %parallel_loop3A_101 = arith.extui %parallel_loop3A_100 : i1 to i32
      %parallel_loop3A_102 = arith.constant 0 : i32
      %parallel_loop3A_103 = arith.cmpi slt, %parallel_loop3A_90, %parallel_loop3A_102 : i32
      %parallel_loop3A_104 = arith.extui %parallel_loop3A_103 : i1 to i32
      %parallel_loop3A_105 = arith.subi %parallel_loop3A_101, %parallel_loop3A_104 : i32
      %parallel_loop3A_106 = arith.cmpi ne, %parallel_loop3A_98, %parallel_loop3A_105 : i32
      %parallel_loop3A_107 = arith.remsi %parallel_loop3A_89, %parallel_loop3A_90 : i32
      %parallel_loop3A_108 = arith.constant 0 : i32
      %parallel_loop3A_109 = arith.cmpi ne, %parallel_loop3A_107, %parallel_loop3A_108 : i32
      %parallel_loop3A_110 = arith.andi %parallel_loop3A_106, %parallel_loop3A_109 : i1
      %parallel_loop3A_111 = arith.constant 1 : i32
      %parallel_loop3A_112 = arith.subi %parallel_loop3A_91, %parallel_loop3A_111 : i32
      %parallel_loop3A_113 = arith.select %parallel_loop3A_110, %parallel_loop3A_112, %parallel_loop3A_91 : i32
      %parallel_loop3A_114 = arith.constant 128 : i32
      %parallel_loop3A_115 = arith.divsi %parallel_loop3A_89, %parallel_loop3A_114 : i32
      %parallel_loop3A_116 = arith.constant 0 : i32
      %parallel_loop3A_117 = arith.cmpi sgt, %parallel_loop3A_89, %parallel_loop3A_116 : i32
      %parallel_loop3A_118 = arith.extui %parallel_loop3A_117 : i1 to i32
      %parallel_loop3A_119 = arith.constant 0 : i32
      %parallel_loop3A_120 = arith.cmpi slt, %parallel_loop3A_89, %parallel_loop3A_119 : i32
      %parallel_loop3A_121 = arith.extui %parallel_loop3A_120 : i1 to i32
      %parallel_loop3A_122 = arith.subi %parallel_loop3A_118, %parallel_loop3A_121 : i32
      %parallel_loop3A_123 = arith.constant 0 : i32
      %parallel_loop3A_124 = arith.cmpi sgt, %parallel_loop3A_114, %parallel_loop3A_123 : i32
      %parallel_loop3A_125 = arith.extui %parallel_loop3A_124 : i1 to i32
      %parallel_loop3A_126 = arith.constant 0 : i32
      %parallel_loop3A_127 = arith.cmpi slt, %parallel_loop3A_114, %parallel_loop3A_126 : i32
      %parallel_loop3A_128 = arith.extui %parallel_loop3A_127 : i1 to i32
      %parallel_loop3A_129 = arith.subi %parallel_loop3A_125, %parallel_loop3A_128 : i32
      %parallel_loop3A_130 = arith.cmpi ne, %parallel_loop3A_122, %parallel_loop3A_129 : i32
      %parallel_loop3A_131 = arith.remsi %parallel_loop3A_89, %parallel_loop3A_114 : i32
      %parallel_loop3A_132 = arith.constant 0 : i32
      %parallel_loop3A_133 = arith.cmpi ne, %parallel_loop3A_131, %parallel_loop3A_132 : i32
      %parallel_loop3A_134 = arith.andi %parallel_loop3A_130, %parallel_loop3A_133 : i1
      %parallel_loop3A_135 = arith.constant 1 : i32
      %parallel_loop3A_136 = arith.subi %parallel_loop3A_115, %parallel_loop3A_135 : i32
      %parallel_loop3A_137 = arith.select %parallel_loop3A_134, %parallel_loop3A_136, %parallel_loop3A_115 : i32
      %parallel_loop3A_138 = arith.constant 8 : i32
      %parallel_loop3A_139 = arith.constant 0 : i32
      %parallel_loop3A_140 = arith.cmpi eq, %parallel_loop3A_138, %parallel_loop3A_139 : i32
      %parallel_loop3A_141 = arith.constant 1 : i32
      %parallel_loop3A_142 = arith.select %parallel_loop3A_140, %parallel_loop3A_141, %parallel_loop3A_138 : i32
      %parallel_loop3A_143 = arith.remsi %parallel_loop3A_137, %parallel_loop3A_142 : i32
      %parallel_loop3A_144 = arith.constant 0 : i32
      %parallel_loop3A_145 = arith.cmpi ne, %parallel_loop3A_143, %parallel_loop3A_144 : i32
      %parallel_loop3A_146 = arith.constant 0 : i32
      %parallel_loop3A_147 = arith.cmpi slt, %parallel_loop3A_143, %parallel_loop3A_146 : i32
      %parallel_loop3A_148 = arith.constant 0 : i32
      %parallel_loop3A_149 = arith.cmpi slt, %parallel_loop3A_142, %parallel_loop3A_148 : i32
      %parallel_loop3A_150 = arith.xori %parallel_loop3A_147, %parallel_loop3A_149 : i1
      %parallel_loop3A_151 = arith.andi %parallel_loop3A_150, %parallel_loop3A_145 : i1
      %parallel_loop3A_152 = arith.addi %parallel_loop3A_143, %parallel_loop3A_142 : i32
      %parallel_loop3A_153 = arith.select %parallel_loop3A_151, %parallel_loop3A_152, %parallel_loop3A_143 : i32
      %parallel_loop3A_154 = arith.constant 128 : i32
      %parallel_loop3A_155 = arith.constant 0 : i32
      %parallel_loop3A_156 = arith.cmpi eq, %parallel_loop3A_154, %parallel_loop3A_155 : i32
      %parallel_loop3A_157 = arith.constant 1 : i32
      %parallel_loop3A_158 = arith.select %parallel_loop3A_156, %parallel_loop3A_157, %parallel_loop3A_154 : i32
      %parallel_loop3A_159 = arith.remsi %parallel_loop3A_89, %parallel_loop3A_158 : i32
      %parallel_loop3A_160 = arith.constant 0 : i32
      %parallel_loop3A_161 = arith.cmpi ne, %parallel_loop3A_159, %parallel_loop3A_160 : i32
      %parallel_loop3A_162 = arith.constant 0 : i32
      %parallel_loop3A_163 = arith.cmpi slt, %parallel_loop3A_159, %parallel_loop3A_162 : i32
      %parallel_loop3A_164 = arith.constant 0 : i32
      %parallel_loop3A_165 = arith.cmpi slt, %parallel_loop3A_158, %parallel_loop3A_164 : i32
      %parallel_loop3A_166 = arith.xori %parallel_loop3A_163, %parallel_loop3A_165 : i1
      %parallel_loop3A_167 = arith.andi %parallel_loop3A_166, %parallel_loop3A_161 : i1
      %parallel_loop3A_168 = arith.addi %parallel_loop3A_159, %parallel_loop3A_158 : i32
      %parallel_loop3A_169 = arith.select %parallel_loop3A_167, %parallel_loop3A_168, %parallel_loop3A_159 : i32
      %parallel_loop3A_170 = arith.index_cast %parallel_loop3A_113 : i32 to index
      %parallel_loop3A_171 = arith.index_cast %parallel_loop3A_153 : i32 to index
      %parallel_loop3A_172 = arith.index_cast %parallel_loop3A_169 : i32 to index
      %parallel_loop3A_173 = tpu.vector_load %arg7[%parallel_loop3A_170, %parallel_loop3A_171, %parallel_loop3A_172] {strides = array<i32>} : memref<33x8x128xf32, #tpu.memory_space<vmem>>, vector<16xf32>,
      tpu.vector_store %arg7[%parallel_loop3A_170, %parallel_loop3A_171, %parallel_loop3A_172], %broadcast_in_dim3A_6 {strides = array<i32>} : memref<33x8x128xf32, #tpu.memory_space<vmem>>, vector<16xf32>,
    } {sc.loop_unroll_factor = 8 : i64, sc.parallel_access}
    %parallel_loop3A_16 = arith.constant 0 : i32
    %parallel_loop3A_17 = arith.constant 1024 : i32
    %parallel_loop3A_18 = arith.constant 16 : i32
    scf.for %parallel_loop3A_89 = %parallel_loop3A_16 to %parallel_loop3A_17 step %parallel_loop3A_18  : i32 {
      %parallel_loop3A_90 = arith.index_cast %parallel_loop3A_89 : i32 to index
      %parallel_loop3A_91 = tpu.vector_load %arg8[%parallel_loop3A_90] {strides = array<i32>} : memref<1024xi32, #tpu.memory_space<vmem>>, vector<16xi32>,
      tpu.vector_store %arg8[%parallel_loop3A_90], %broadcast_in_dim3A_8 {strides = array<i32>} : memref<1024xi32, #tpu.memory_space<vmem>>, vector<16xi32>,
    } {sc.loop_unroll_factor = 8 : i64, sc.parallel_access}
    %parallel_loop3A_19 = arith.constant 0 : i32
    %parallel_loop3A_20 = arith.constant 1024 : i32
    %parallel_loop3A_21 = arith.constant 16 : i32
    scf.for %parallel_loop3A_89 = %parallel_loop3A_19 to %parallel_loop3A_20 step %parallel_loop3A_21  : i32 {
      %parallel_loop3A_90 = arith.index_cast %parallel_loop3A_89 : i32 to index
      %parallel_loop3A_91 = tpu.vector_load %arg9[%parallel_loop3A_90] {strides = array<i32>} : memref<1024xi32, #tpu.memory_space<vmem>>, vector<16xi32>,
      tpu.vector_store %arg9[%parallel_loop3A_90], %broadcast_in_dim3A_8 {strides = array<i32>} : memref<1024xi32, #tpu.memory_space<vmem>>, vector<16xi32>,
    } {sc.loop_unroll_factor = 8 : i64, sc.parallel_access}
    %dma_wait3A = tpu.memref_slice %arg2[%mul3A_2] : memref<819200xf32, #tpu.memory_space<hbm>> -> memref<25600xf32, #tpu.memory_space<hbm>>
    %dma_wait3A_22 = tpu.memref_slice %arg2[%mul3A_2] : memref<819200xf32, #tpu.memory_space<hbm>> -> memref<25600xf32, #tpu.memory_space<hbm>>
    tpu.wait_dma2 semaphore(%arg11 : memref<!tpu.dma_semaphore, #tpu.memory_space<semaphore_mem>>) src(%dma_wait3A_22 : memref<25600xf32, #tpu.memory_space<hbm>>) dst(%arg5 : memref<25600xf32, #tpu.memory_space<vmem>>)
    %broadcast_in_dim3A_23 = arith.constant 0 : i32
    %broadcast_in_dim3A_24 = vector.broadcast %broadcast_in_dim3A_23 : i32 to vector<16xi32>
    %add3A_25 = arith.constant 0 : i32
    %add3A_26 = arith.addi %mul3A_4, %add3A_25 : i32
    %parallel_loop3A_27 = arith.constant 0 : i32
    %parallel_loop3A_28 = arith.constant 64 : i32
    %parallel_loop3A_29 = arith.constant 1 : i32
    scf.for %parallel_loop3A_89 = %parallel_loop3A_27 to %parallel_loop3A_28 step %parallel_loop3A_29  : i32 {
      %parallel_loop3A_90 = arith.constant 3 : i32
      %parallel_loop3A_91 = arith.shrsi %parallel_loop3A_89, %parallel_loop3A_90 : i32
      %parallel_loop3A_92 = vector.broadcast %parallel_loop3A_91 : i32 to vector<16xi32>
      %parallel_loop3A_93 = arith.addi %broadcast_in_dim3A_24, %parallel_loop3A_92 : vector<16xi32>
      %parallel_loop3A_94 = arith.constant 7 : i32
      %parallel_loop3A_95 = arith.andi %parallel_loop3A_89, %parallel_loop3A_94 : i32
      %parallel_loop3A_96 = arith.constant 4 : i32
      %parallel_loop3A_97 = arith.shli %parallel_loop3A_95, %parallel_loop3A_96 : i32
      %parallel_loop3A_98 = vector.broadcast %parallel_loop3A_97 : i32 to vector<16xi32>
      %parallel_loop3A_99 = arith.addi %iota3A, %parallel_loop3A_98 : vector<16xi32>
      %parallel_loop3A_100 = arith.constant 16 : i32
      %parallel_loop3A_101 = arith.muli %parallel_loop3A_89, %parallel_loop3A_100 : i32
      %parallel_loop3A_102 = arith.index_cast %parallel_loop3A_101 : i32 to index
      %parallel_loop3A_103 = tpu.vector_load %arg8[%parallel_loop3A_102] {strides = array<i32>} : memref<1024xi32, #tpu.memory_space<vmem>>, vector<16xi32>,
      tpu.vector_store_idx %arg6[%parallel_loop3A_103, %parallel_loop3A_93, %parallel_loop3A_99], %broadcast_in_dim3A_6 : memref<33x8x128xf32, #tpu.memory_space<vmem>>[vector<16xi32>, vector<16xi32>, vector<16xi32>], vector<16xf32>,
    } {sc.loop_unroll_factor = 8 : i64, sc.parallel_access}
    %parallel_loop3A_30 = arith.constant 0 : i32
    %parallel_loop3A_31 = arith.constant 64 : i32
    %parallel_loop3A_32 = arith.constant 1 : i32
    scf.for %parallel_loop3A_89 = %parallel_loop3A_30 to %parallel_loop3A_31 step %parallel_loop3A_32  : i32 {
      %parallel_loop3A_90 = arith.constant 3 : i32
      %parallel_loop3A_91 = arith.shrsi %parallel_loop3A_89, %parallel_loop3A_90 : i32
      %parallel_loop3A_92 = vector.broadcast %parallel_loop3A_91 : i32 to vector<16xi32>
      %parallel_loop3A_93 = arith.addi %broadcast_in_dim3A_24, %parallel_loop3A_92 : vector<16xi32>
      %parallel_loop3A_94 = arith.constant 7 : i32
      %parallel_loop3A_95 = arith.andi %parallel_loop3A_89, %parallel_loop3A_94 : i32
      %parallel_loop3A_96 = arith.constant 4 : i32
      %parallel_loop3A_97 = arith.shli %parallel_loop3A_95, %parallel_loop3A_96 : i32
      %parallel_loop3A_98 = vector.broadcast %parallel_loop3A_97 : i32 to vector<16xi32>
      %parallel_loop3A_99 = arith.addi %iota3A, %parallel_loop3A_98 : vector<16xi32>
      %parallel_loop3A_100 = arith.constant 16 : i32
      %parallel_loop3A_101 = arith.muli %parallel_loop3A_89, %parallel_loop3A_100 : i32
      %parallel_loop3A_102 = arith.constant 0 : i32
      %parallel_loop3A_103 = arith.addi %parallel_loop3A_102, %parallel_loop3A_101 : i32
      %parallel_loop3A_104 = arith.index_cast %parallel_loop3A_103 : i32 to index
      %parallel_loop3A_105 = tpu.vector_load %arg5[%parallel_loop3A_104] {strides = array<i32>} : memref<25600xf32, #tpu.memory_space<vmem>>, vector<16xf32>,
      %parallel_loop3A_106 = arith.constant 3.100000e+01 : f32
      %parallel_loop3A_107 = vector.broadcast %parallel_loop3A_106 : f32 to vector<16xf32>
      %parallel_loop3A_108 = arith.mulf %parallel_loop3A_105, %parallel_loop3A_107 : vector<16xf32>
      %parallel_loop3A_109 = arith.fptosi %parallel_loop3A_108 : vector<16xf32> to vector<16xi32>
      %parallel_loop3A_110 = arith.constant 1 : i32
      %parallel_loop3A_111 = vector.broadcast %parallel_loop3A_110 : i32 to vector<16xi32>
      %parallel_loop3A_112 = arith.addi %parallel_loop3A_109, %parallel_loop3A_111 : vector<16xi32>
      %parallel_loop3A_113 = arith.constant 1 : i32
      %parallel_loop3A_114 = arith.constant 32 : i32
      %parallel_loop3A_115 = vector.broadcast %parallel_loop3A_113 : i32 to vector<16xi32>
      %parallel_loop3A_116 = arith.maxsi %parallel_loop3A_115, %parallel_loop3A_112 : vector<16xi32>
      %parallel_loop3A_117 = vector.broadcast %parallel_loop3A_114 : i32 to vector<16xi32>
      %parallel_loop3A_118 = arith.minsi %parallel_loop3A_117, %parallel_loop3A_116 : vector<16xi32>
      %parallel_loop3A_119 = tpu.vector_load_idx %arg10[%parallel_loop3A_118] : memref<34xf32, #tpu.memory_space<vmem>>[vector<16xi32>], vector<16xf32>,
      %parallel_loop3A_120 = arith.constant 1 : i32
      %parallel_loop3A_121 = vector.broadcast %parallel_loop3A_120 : i32 to vector<16xi32>
      %parallel_loop3A_122 = arith.addi %parallel_loop3A_118, %parallel_loop3A_121 : vector<16xi32>
      %parallel_loop3A_123 = tpu.vector_load_idx %arg10[%parallel_loop3A_122] : memref<34xf32, #tpu.memory_space<vmem>>[vector<16xi32>], vector<16xf32>,
      %parallel_loop3A_124 = arith.cmpf olt, %parallel_loop3A_105, %parallel_loop3A_119 : vector<16xf32>
      %parallel_loop3A_125 = arith.constant 1 : i32
      %parallel_loop3A_126 = arith.constant 0 : i32
      %parallel_loop3A_127 = vector.broadcast %parallel_loop3A_125 : i32 to vector<16xi32>
      %parallel_loop3A_128 = vector.broadcast %parallel_loop3A_126 : i32 to vector<16xi32>
      %parallel_loop3A_129 = arith.select %parallel_loop3A_124, %parallel_loop3A_127, %parallel_loop3A_128 : vector<16xi1>, vector<16xi32>
      %parallel_loop3A_130 = arith.cmpf oge, %parallel_loop3A_105, %parallel_loop3A_123 : vector<16xf32>
      %parallel_loop3A_131 = arith.constant 1 : i32
      %parallel_loop3A_132 = arith.constant 0 : i32
      %parallel_loop3A_133 = vector.broadcast %parallel_loop3A_131 : i32 to vector<16xi32>
      %parallel_loop3A_134 = vector.broadcast %parallel_loop3A_132 : i32 to vector<16xi32>
      %parallel_loop3A_135 = arith.select %parallel_loop3A_130, %parallel_loop3A_133, %parallel_loop3A_134 : vector<16xi1>, vector<16xi32>
      %parallel_loop3A_136 = arith.subi %parallel_loop3A_118, %parallel_loop3A_129 : vector<16xi32>
      %parallel_loop3A_137 = arith.addi %parallel_loop3A_136, %parallel_loop3A_135 : vector<16xi32>
      tpu.vector_store_idx %arg6[%parallel_loop3A_137, %parallel_loop3A_93, %parallel_loop3A_99], %broadcast_in_dim3A_10 : memref<33x8x128xf32, #tpu.memory_space<vmem>>[vector<16xi32>, vector<16xi32>, vector<16xi32>], vector<16xf32>,
      %parallel_loop3A_138 = arith.constant 16 : i32
      %parallel_loop3A_139 = arith.muli %parallel_loop3A_89, %parallel_loop3A_138 : i32
      %parallel_loop3A_140 = arith.index_cast %parallel_loop3A_139 : i32 to index
      %parallel_loop3A_141 = tpu.vector_load %arg8[%parallel_loop3A_140] {strides = array<i32>} : memref<1024xi32, #tpu.memory_space<vmem>>, vector<16xi32>,
      tpu.vector_store %arg8[%parallel_loop3A_140], %parallel_loop3A_137 {strides = array<i32>} : memref<1024xi32, #tpu.memory_space<vmem>>, vector<16xi32>,
    } {sc.loop_unroll_factor = 8 : i64, sc.parallel_access}
    %dma_start3A_33 = arith.constant 0 : i32
    %dma_start3A_34 = arith.constant 0 : i32
    %dma_start3A_35 = tpu.memref_slice %arg4[%dma_start3A_33, %add3A_26, %dma_start3A_34] : memref<33x6400x128xf32, #tpu.memory_space<hbm>> -> memref<33x8x128xf32, #tpu.memory_space<hbm>>
    %dma_start3A_36 = arith.constant 0 : i32
    %dma_start3A_37 = arith.constant 0 : i32
    %dma_start3A_38 = tpu.memref_slice %arg4[%dma_start3A_36, %add3A_26, %dma_start3A_37] : memref<33x6400x128xf32, #tpu.memory_space<hbm>> -> memref<33x8x128xf32, #tpu.memory_space<hbm>>
    tpu.enqueue_dma source(%arg6 : memref<33x8x128xf32, #tpu.memory_space<vmem>>) target(%dma_start3A_38 : memref<33x8x128xf32, #tpu.memory_space<hbm>>) target_semaphore(%arg11 : memref<!tpu.dma_semaphore, #tpu.memory_space<semaphore_mem>>)
    %add3A_39 = arith.constant 8 : i32
    %add3A_40 = arith.addi %mul3A_4, %add3A_39 : i32
    %parallel_loop3A_41 = arith.constant 0 : i32
    %parallel_loop3A_42 = arith.constant 64 : i32
    %parallel_loop3A_43 = arith.constant 1 : i32
    scf.for %parallel_loop3A_89 = %parallel_loop3A_41 to %parallel_loop3A_42 step %parallel_loop3A_43  : i32 {
      %parallel_loop3A_90 = arith.constant 3 : i32
      %parallel_loop3A_91 = arith.shrsi %parallel_loop3A_89, %parallel_loop3A_90 : i32
      %parallel_loop3A_92 = vector.broadcast %parallel_loop3A_91 : i32 to vector<16xi32>
      %parallel_loop3A_93 = arith.addi %broadcast_in_dim3A_24, %parallel_loop3A_92 : vector<16xi32>
      %parallel_loop3A_94 = arith.constant 7 : i32
      %parallel_loop3A_95 = arith.andi %parallel_loop3A_89, %parallel_loop3A_94 : i32
      %parallel_loop3A_96 = arith.constant 4 : i32
      %parallel_loop3A_97 = arith.shli %parallel_loop3A_95, %parallel_loop3A_96 : i32
      %parallel_loop3A_98 = vector.broadcast %parallel_loop3A_97 : i32 to vector<16xi32>
      %parallel_loop3A_99 = arith.addi %iota3A, %parallel_loop3A_98 : vector<16xi32>
      %parallel_loop3A_100 = arith.constant 16 : i32
      %parallel_loop3A_101 = arith.muli %parallel_loop3A_89, %parallel_loop3A_100 : i32
      %parallel_loop3A_102 = arith.index_cast %parallel_loop3A_101 : i32 to index
      %parallel_loop3A_103 = tpu.vector_load %arg9[%parallel_loop3A_102] {strides = array<i32>} : memref<1024xi32, #tpu.memory_space<vmem>>, vector<16xi32>,
      tpu.vector_store_idx %arg7[%parallel_loop3A_103, %parallel_loop3A_93, %parallel_loop3A_99], %broadcast_in_dim3A_6 : memref<33x8x128xf32, #tpu.memory_space<vmem>>[vector<16xi32>, vector<16xi32>, vector<16xi32>], vector<16xf32>,
    } {sc.loop_unroll_factor = 8 : i64, sc.parallel_access}
    %parallel_loop3A_44 = arith.constant 0 : i32
    %parallel_loop3A_45 = arith.constant 64 : i32
    %parallel_loop3A_46 = arith.constant 1 : i32
    scf.for %parallel_loop3A_89 = %parallel_loop3A_44 to %parallel_loop3A_45 step %parallel_loop3A_46  : i32 {
      %parallel_loop3A_90 = arith.constant 3 : i32
      %parallel_loop3A_91 = arith.shrsi %parallel_loop3A_89, %parallel_loop3A_90 : i32
      %parallel_loop3A_92 = vector.broadcast %parallel_loop3A_91 : i32 to vector<16xi32>
      %parallel_loop3A_93 = arith.addi %broadcast_in_dim3A_24, %parallel_loop3A_92 : vector<16xi32>
      %parallel_loop3A_94 = arith.constant 7 : i32
      %parallel_loop3A_95 = arith.andi %parallel_loop3A_89, %parallel_loop3A_94 : i32
      %parallel_loop3A_96 = arith.constant 4 : i32
      %parallel_loop3A_97 = arith.shli %parallel_loop3A_95, %parallel_loop3A_96 : i32
      %parallel_loop3A_98 = vector.broadcast %parallel_loop3A_97 : i32 to vector<16xi32>
      %parallel_loop3A_99 = arith.addi %iota3A, %parallel_loop3A_98 : vector<16xi32>
      %parallel_loop3A_100 = arith.constant 16 : i32
      %parallel_loop3A_101 = arith.muli %parallel_loop3A_89, %parallel_loop3A_100 : i32
      %parallel_loop3A_102 = arith.constant 1024 : i32
      %parallel_loop3A_103 = arith.addi %parallel_loop3A_102, %parallel_loop3A_101 : i32
      %parallel_loop3A_104 = arith.index_cast %parallel_loop3A_103 : i32 to index
      %parallel_loop3A_105 = tpu.vector_load %arg5[%parallel_loop3A_104] {strides = array<i32>} : memref<25600xf32, #tpu.memory_space<vmem>>, vector<16xf32>,
      %parallel_loop3A_106 = arith.constant 3.100000e+01 : f32
      %parallel_loop3A_107 = vector.broadcast %parallel_loop3A_106 : f32 to vector<16xf32>
      %parallel_loop3A_108 = arith.mulf %parallel_loop3A_105, %parallel_loop3A_107 : vector<16xf32>
      %parallel_loop3A_109 = arith.fptosi %parallel_loop3A_108 : vector<16xf32> to vector<16xi32>
      %parallel_loop3A_110 = arith.constant 1 : i32
      %parallel_loop3A_111 = vector.broadcast %parallel_loop3A_110 : i32 to vector<16xi32>
      %parallel_loop3A_112 = arith.addi %parallel_loop3A_109, %parallel_loop3A_111 : vector<16xi32>
      %parallel_loop3A_113 = arith.constant 1 : i32
      %parallel_loop3A_114 = arith.constant 32 : i32
      %parallel_loop3A_115 = vector.broadcast %parallel_loop3A_113 : i32 to vector<16xi32>
      %parallel_loop3A_116 = arith.maxsi %parallel_loop3A_115, %parallel_loop3A_112 : vector<16xi32>
      %parallel_loop3A_117 = vector.broadcast %parallel_loop3A_114 : i32 to vector<16xi32>
      %parallel_loop3A_118 = arith.minsi %parallel_loop3A_117, %parallel_loop3A_116 : vector<16xi32>
      %parallel_loop3A_119 = tpu.vector_load_idx %arg10[%parallel_loop3A_118] : memref<34xf32, #tpu.memory_space<vmem>>[vector<16xi32>], vector<16xf32>,
      %parallel_loop3A_120 = arith.constant 1 : i32
      %parallel_loop3A_121 = vector.broadcast %parallel_loop3A_120 : i32 to vector<16xi32>
      %parallel_loop3A_122 = arith.addi %parallel_loop3A_118, %parallel_loop3A_121 : vector<16xi32>
      %parallel_loop3A_123 = tpu.vector_load_idx %arg10[%parallel_loop3A_122] : memref<34xf32, #tpu.memory_space<vmem>>[vector<16xi32>], vector<16xf32>,
      %parallel_loop3A_124 = arith.cmpf olt, %parallel_loop3A_105, %parallel_loop3A_119 : vector<16xf32>
      %parallel_loop3A_125 = arith.constant 1 : i32
      %parallel_loop3A_126 = arith.constant 0 : i32
      %parallel_loop3A_127 = vector.broadcast %parallel_loop3A_125 : i32 to vector<16xi32>
      %parallel_loop3A_128 = vector.broadcast %parallel_loop3A_126 : i32 to vector<16xi32>
      %parallel_loop3A_129 = arith.select %parallel_loop3A_124, %parallel_loop3A_127, %parallel_loop3A_128 : vector<16xi1>, vector<16xi32>
      %parallel_loop3A_130 = arith.cmpf oge, %parallel_loop3A_105, %parallel_loop3A_123 : vector<16xf32>
      %parallel_loop3A_131 = arith.constant 1 : i32
      %parallel_loop3A_132 = arith.constant 0 : i32
      %parallel_loop3A_133 = vector.broadcast %parallel_loop3A_131 : i32 to vector<16xi32>
      %parallel_loop3A_134 = vector.broadcast %parallel_loop3A_132 : i32 to vector<16xi32>
      %parallel_loop3A_135 = arith.select %parallel_loop3A_130, %parallel_loop3A_133, %parallel_loop3A_134 : vector<16xi1>, vector<16xi32>
      %parallel_loop3A_136 = arith.subi %parallel_loop3A_118, %parallel_loop3A_129 : vector<16xi32>
      %parallel_loop3A_137 = arith.addi %parallel_loop3A_136, %parallel_loop3A_135 : vector<16xi32>
      tpu.vector_store_idx %arg7[%parallel_loop3A_137, %parallel_loop3A_93, %parallel_loop3A_99], %broadcast_in_dim3A_10 : memref<33x8x128xf32, #tpu.memory_space<vmem>>[vector<16xi32>, vector<16xi32>, vector<16xi32>], vector<16xf32>,
      %parallel_loop3A_138 = arith.constant 16 : i32
      %parallel_loop3A_139 = arith.muli %parallel_loop3A_89, %parallel_loop3A_138 : i32
      %parallel_loop3A_140 = arith.index_cast %parallel_loop3A_139 : i32 to index
      %parallel_loop3A_141 = tpu.vector_load %arg9[%parallel_loop3A_140] {strides = array<i32>} : memref<1024xi32, #tpu.memory_space<vmem>>, vector<16xi32>,
      tpu.vector_store %arg9[%parallel_loop3A_140], %parallel_loop3A_137 {strides = array<i32>} : memref<1024xi32, #tpu.memory_space<vmem>>, vector<16xi32>,
    } {sc.loop_unroll_factor = 8 : i64, sc.parallel_access}
    %dma_start3A_47 = arith.constant 0 : i32
    %dma_start3A_48 = arith.constant 0 : i32
    %dma_start3A_49 = tpu.memref_slice %arg4[%dma_start3A_47, %add3A_40, %dma_start3A_48] : memref<33x6400x128xf32, #tpu.memory_space<hbm>> -> memref<33x8x128xf32, #tpu.memory_space<hbm>>
    %dma_start3A_50 = arith.constant 0 : i32
    %dma_start3A_51 = arith.constant 0 : i32
    %dma_start3A_52 = tpu.memref_slice %arg4[%dma_start3A_50, %add3A_40, %dma_start3A_51] : memref<33x6400x128xf32, #tpu.memory_space<hbm>> -> memref<33x8x128xf32, #tpu.memory_space<hbm>>
    tpu.enqueue_dma source(%arg7 : memref<33x8x128xf32, #tpu.memory_space<vmem>>) target(%dma_start3A_52 : memref<33x8x128xf32, #tpu.memory_space<hbm>>) target_semaphore(%arg12 : memref<!tpu.dma_semaphore, #tpu.memory_space<semaphore_mem>>)
    %scan3A = arith.constant 0 : i32
    %scan3A_53 = arith.constant 11 : i32
    %scan3A_54 = arith.addi %scan3A, %scan3A_53 : i32
    %scan3A_55 = arith.constant 1 : i32
    scf.for %scan3A_89 = %scan3A to %scan3A_54 step %scan3A_55  : i32 {
      %mul3A_90 = arith.constant 2 : i32
      %mul3A_91 = arith.muli %scan3A_89, %mul3A_90 : i32
      %add3A_92 = arith.constant 2 : i32
      %add3A_93 = arith.addi %add3A_92, %mul3A_91 : i32
      %mul3A_94 = arith.constant 8 : i32
      %mul3A_95 = arith.muli %add3A_93, %mul3A_94 : i32
      %add3A_96 = arith.addi %mul3A_4, %mul3A_95 : i32
      %dma_wait3A_97 = arith.constant 0 : i32
      %dma_wait3A_98 = arith.constant 0 : i32
      %dma_wait3A_99 = tpu.memref_slice %arg4[%dma_wait3A_97, %add3A_96, %dma_wait3A_98] : memref<33x6400x128xf32, #tpu.memory_space<hbm>> -> memref<33x8x128xf32, #tpu.memory_space<hbm>>
      %dma_wait3A_100 = arith.constant 0 : i32
      %dma_wait3A_101 = arith.constant 0 : i32
      %dma_wait3A_102 = tpu.memref_slice %arg4[%dma_wait3A_100, %add3A_96, %dma_wait3A_101] : memref<33x6400x128xf32, #tpu.memory_space<hbm>> -> memref<33x8x128xf32, #tpu.memory_space<hbm>>
      tpu.wait_dma2 semaphore(%arg11 : memref<!tpu.dma_semaphore, #tpu.memory_space<semaphore_mem>>) src(%arg6 : memref<33x8x128xf32, #tpu.memory_space<vmem>>) dst(%dma_wait3A_102 : memref<33x8x128xf32, #tpu.memory_space<hbm>>)
      %parallel_loop3A_103 = arith.constant 0 : i32
      %parallel_loop3A_104 = arith.constant 64 : i32
      %parallel_loop3A_105 = arith.constant 1 : i32
      scf.for %parallel_loop3A_138 = %parallel_loop3A_103 to %parallel_loop3A_104 step %parallel_loop3A_105  : i32 {
        %parallel_loop3A_139 = arith.constant 3 : i32
        %parallel_loop3A_140 = arith.shrsi %parallel_loop3A_138, %parallel_loop3A_139 : i32
        %parallel_loop3A_141 = vector.broadcast %parallel_loop3A_140 : i32 to vector<16xi32>
        %parallel_loop3A_142 = arith.addi %broadcast_in_dim3A_24, %parallel_loop3A_141 : vector<16xi32>
        %parallel_loop3A_143 = arith.constant 7 : i32
        %parallel_loop3A_144 = arith.andi %parallel_loop3A_138, %parallel_loop3A_143 : i32
        %parallel_loop3A_145 = arith.constant 4 : i32
        %parallel_loop3A_146 = arith.shli %parallel_loop3A_144, %parallel_loop3A_145 : i32
        %parallel_loop3A_147 = vector.broadcast %parallel_loop3A_146 : i32 to vector<16xi32>
        %parallel_loop3A_148 = arith.addi %iota3A, %parallel_loop3A_147 : vector<16xi32>
        %parallel_loop3A_149 = arith.constant 16 : i32
        %parallel_loop3A_150 = arith.muli %parallel_loop3A_138, %parallel_loop3A_149 : i32
        %parallel_loop3A_151 = arith.index_cast %parallel_loop3A_150 : i32 to index
        %parallel_loop3A_152 = tpu.vector_load %arg8[%parallel_loop3A_151] {strides = array<i32>} : memref<1024xi32, #tpu.memory_space<vmem>>, vector<16xi32>,
        tpu.vector_store_idx %arg6[%parallel_loop3A_152, %parallel_loop3A_142, %parallel_loop3A_148], %broadcast_in_dim3A_6 : memref<33x8x128xf32, #tpu.memory_space<vmem>>[vector<16xi32>, vector<16xi32>, vector<16xi32>], vector<16xf32>,
      } {sc.loop_unroll_factor = 8 : i64, sc.parallel_access}
      %parallel_loop3A_106 = arith.constant 0 : i32
      %parallel_loop3A_107 = arith.constant 64 : i32
      %parallel_loop3A_108 = arith.constant 1 : i32
      scf.for %parallel_loop3A_138 = %parallel_loop3A_106 to %parallel_loop3A_107 step %parallel_loop3A_108  : i32 {
        %parallel_loop3A_139 = arith.constant 3 : i32
        %parallel_loop3A_140 = arith.shrsi %parallel_loop3A_138, %parallel_loop3A_139 : i32
        %parallel_loop3A_141 = vector.broadcast %parallel_loop3A_140 : i32 to vector<16xi32>
        %parallel_loop3A_142 = arith.addi %broadcast_in_dim3A_24, %parallel_loop3A_141 : vector<16xi32>
        %parallel_loop3A_143 = arith.constant 7 : i32
        %parallel_loop3A_144 = arith.andi %parallel_loop3A_138, %parallel_loop3A_143 : i32
        %parallel_loop3A_145 = arith.constant 4 : i32
        %parallel_loop3A_146 = arith.shli %parallel_loop3A_144, %parallel_loop3A_145 : i32
        %parallel_loop3A_147 = vector.broadcast %parallel_loop3A_146 : i32 to vector<16xi32>
        %parallel_loop3A_148 = arith.addi %iota3A, %parallel_loop3A_147 : vector<16xi32>
        %parallel_loop3A_149 = arith.constant 1024 : i32
        %parallel_loop3A_150 = arith.muli %add3A_93, %parallel_loop3A_149 : i32
        %parallel_loop3A_151 = arith.constant 16 : i32
        %parallel_loop3A_152 = arith.muli %parallel_loop3A_138, %parallel_loop3A_151 : i32
        %parallel_loop3A_153 = arith.addi %parallel_loop3A_150, %parallel_loop3A_152 : i32
        %parallel_loop3A_154 = arith.index_cast %parallel_loop3A_153 : i32 to index
        %parallel_loop3A_155 = tpu.vector_load %arg5[%parallel_loop3A_154] {strides = array<i32>} : memref<25600xf32, #tpu.memory_space<vmem>>, vector<16xf32>,
        %parallel_loop3A_156 = arith.constant 3.100000e+01 : f32
        %parallel_loop3A_157 = vector.broadcast %parallel_loop3A_156 : f32 to vector<16xf32>
        %parallel_loop3A_158 = arith.mulf %parallel_loop3A_155, %parallel_loop3A_157 : vector<16xf32>
        %parallel_loop3A_159 = arith.fptosi %parallel_loop3A_158 : vector<16xf32> to vector<16xi32>
        %parallel_loop3A_160 = arith.constant 1 : i32
        %parallel_loop3A_161 = vector.broadcast %parallel_loop3A_160 : i32 to vector<16xi32>
        %parallel_loop3A_162 = arith.addi %parallel_loop3A_159, %parallel_loop3A_161 : vector<16xi32>
        %parallel_loop3A_163 = arith.constant 1 : i32
        %parallel_loop3A_164 = arith.constant 32 : i32
        %parallel_loop3A_165 = vector.broadcast %parallel_loop3A_163 : i32 to vector<16xi32>
        %parallel_loop3A_166 = arith.maxsi %parallel_loop3A_165, %parallel_loop3A_162 : vector<16xi32>
        %parallel_loop3A_167 = vector.broadcast %parallel_loop3A_164 : i32 to vector<16xi32>
        %parallel_loop3A_168 = arith.minsi %parallel_loop3A_167, %parallel_loop3A_166 : vector<16xi32>
        %parallel_loop3A_169 = tpu.vector_load_idx %arg10[%parallel_loop3A_168] : memref<34xf32, #tpu.memory_space<vmem>>[vector<16xi32>], vector<16xf32>,
        %parallel_loop3A_170 = arith.constant 1 : i32
        %parallel_loop3A_171 = vector.broadcast %parallel_loop3A_170 : i32 to vector<16xi32>
        %parallel_loop3A_172 = arith.addi %parallel_loop3A_168, %parallel_loop3A_171 : vector<16xi32>
        %parallel_loop3A_173 = tpu.vector_load_idx %arg10[%parallel_loop3A_172] : memref<34xf32, #tpu.memory_space<vmem>>[vector<16xi32>], vector<16xf32>,
        %parallel_loop3A_174 = arith.cmpf olt, %parallel_loop3A_155, %parallel_loop3A_169 : vector<16xf32>
        %parallel_loop3A_175 = arith.constant 1 : i32
        %parallel_loop3A_176 = arith.constant 0 : i32
        %parallel_loop3A_177 = vector.broadcast %parallel_loop3A_175 : i32 to vector<16xi32>
        %parallel_loop3A_178 = vector.broadcast %parallel_loop3A_176 : i32 to vector<16xi32>
        %parallel_loop3A_179 = arith.select %parallel_loop3A_174, %parallel_loop3A_177, %parallel_loop3A_178 : vector<16xi1>, vector<16xi32>
        %parallel_loop3A_180 = arith.cmpf oge, %parallel_loop3A_155, %parallel_loop3A_173 : vector<16xf32>
        %parallel_loop3A_181 = arith.constant 1 : i32
        %parallel_loop3A_182 = arith.constant 0 : i32
        %parallel_loop3A_183 = vector.broadcast %parallel_loop3A_181 : i32 to vector<16xi32>
        %parallel_loop3A_184 = vector.broadcast %parallel_loop3A_182 : i32 to vector<16xi32>
        %parallel_loop3A_185 = arith.select %parallel_loop3A_180, %parallel_loop3A_183, %parallel_loop3A_184 : vector<16xi1>, vector<16xi32>
        %parallel_loop3A_186 = arith.subi %parallel_loop3A_168, %parallel_loop3A_179 : vector<16xi32>
        %parallel_loop3A_187 = arith.addi %parallel_loop3A_186, %parallel_loop3A_185 : vector<16xi32>
        tpu.vector_store_idx %arg6[%parallel_loop3A_187, %parallel_loop3A_142, %parallel_loop3A_148], %broadcast_in_dim3A_10 : memref<33x8x128xf32, #tpu.memory_space<vmem>>[vector<16xi32>, vector<16xi32>, vector<16xi32>], vector<16xf32>,
        %parallel_loop3A_188 = arith.constant 16 : i32
        %parallel_loop3A_189 = arith.muli %parallel_loop3A_138, %parallel_loop3A_188 : i32
        %parallel_loop3A_190 = arith.index_cast %parallel_loop3A_189 : i32 to index
        %parallel_loop3A_191 = tpu.vector_load %arg8[%parallel_loop3A_190] {strides = array<i32>} : memref<1024xi32, #tpu.memory_space<vmem>>, vector<16xi32>,
        tpu.vector_store %arg8[%parallel_loop3A_190], %parallel_loop3A_187 {strides = array<i32>} : memref<1024xi32, #tpu.memory_space<vmem>>, vector<16xi32>,
      } {sc.loop_unroll_factor = 8 : i64, sc.parallel_access}
      %dma_start3A_109 = arith.constant 0 : i32
      %dma_start3A_110 = arith.constant 0 : i32
      %dma_start3A_111 = tpu.memref_slice %arg4[%dma_start3A_109, %add3A_96, %dma_start3A_110] : memref<33x6400x128xf32, #tpu.memory_space<hbm>> -> memref<33x8x128xf32, #tpu.memory_space<hbm>>
      %dma_start3A_112 = arith.constant 0 : i32
      %dma_start3A_113 = arith.constant 0 : i32
      %dma_start3A_114 = tpu.memref_slice %arg4[%dma_start3A_112, %add3A_96, %dma_start3A_113] : memref<33x6400x128xf32, #tpu.memory_space<hbm>> -> memref<33x8x128xf32, #tpu.memory_space<hbm>>
      tpu.enqueue_dma source(%arg6 : memref<33x8x128xf32, #tpu.memory_space<vmem>>) target(%dma_start3A_114 : memref<33x8x128xf32, #tpu.memory_space<hbm>>) target_semaphore(%arg11 : memref<!tpu.dma_semaphore, #tpu.memory_space<semaphore_mem>>)
      %add3A_115 = arith.constant 1 : i32
      %add3A_116 = arith.addi %add3A_93, %add3A_115 : i32
      %mul3A_117 = arith.constant 8 : i32
      %mul3A_118 = arith.muli %add3A_116, %mul3A_117 : i32
      %add3A_119 = arith.addi %mul3A_4, %mul3A_118 : i32
      %dma_wait3A_120 = arith.constant 0 : i32
      %dma_wait3A_121 = arith.constant 0 : i32
      %dma_wait3A_122 = tpu.memref_slice %arg4[%dma_wait3A_120, %add3A_119, %dma_wait3A_121] : memref<33x6400x128xf32, #tpu.memory_space<hbm>> -> memref<33x8x128xf32, #tpu.memory_space<hbm>>
      %dma_wait3A_123 = arith.constant 0 : i32
      %dma_wait3A_124 = arith.constant 0 : i32
      %dma_wait3A_125 = tpu.memref_slice %arg4[%dma_wait3A_123, %add3A_119, %dma_wait3A_124] : memref<33x6400x128xf32, #tpu.memory_space<hbm>> -> memref<33x8x128xf32, #tpu.memory_space<hbm>>
      tpu.wait_dma2 semaphore(%arg12 : memref<!tpu.dma_semaphore, #tpu.memory_space<semaphore_mem>>) src(%arg7 : memref<33x8x128xf32, #tpu.memory_space<vmem>>) dst(%dma_wait3A_125 : memref<33x8x128xf32, #tpu.memory_space<hbm>>)
      %parallel_loop3A_126 = arith.constant 0 : i32
      %parallel_loop3A_127 = arith.constant 64 : i32
      %parallel_loop3A_128 = arith.constant 1 : i32
      scf.for %parallel_loop3A_138 = %parallel_loop3A_126 to %parallel_loop3A_127 step %parallel_loop3A_128  : i32 {
        %parallel_loop3A_139 = arith.constant 3 : i32
        %parallel_loop3A_140 = arith.shrsi %parallel_loop3A_138, %parallel_loop3A_139 : i32
        %parallel_loop3A_141 = vector.broadcast %parallel_loop3A_140 : i32 to vector<16xi32>
        %parallel_loop3A_142 = arith.addi %broadcast_in_dim3A_24, %parallel_loop3A_141 : vector<16xi32>
        %parallel_loop3A_143 = arith.constant 7 : i32
        %parallel_loop3A_144 = arith.andi %parallel_loop3A_138, %parallel_loop3A_143 : i32
        %parallel_loop3A_145 = arith.constant 4 : i32
        %parallel_loop3A_146 = arith.shli %parallel_loop3A_144, %parallel_loop3A_145 : i32
        %parallel_loop3A_147 = vector.broadcast %parallel_loop3A_146 : i32 to vector<16xi32>
        %parallel_loop3A_148 = arith.addi %iota3A, %parallel_loop3A_147 : vector<16xi32>
        %parallel_loop3A_149 = arith.constant 16 : i32
        %parallel_loop3A_150 = arith.muli %parallel_loop3A_138, %parallel_loop3A_149 : i32
        %parallel_loop3A_151 = arith.index_cast %parallel_loop3A_150 : i32 to index
        %parallel_loop3A_152 = tpu.vector_load %arg9[%parallel_loop3A_151] {strides = array<i32>} : memref<1024xi32, #tpu.memory_space<vmem>>, vector<16xi32>,
        tpu.vector_store_idx %arg7[%parallel_loop3A_152, %parallel_loop3A_142, %parallel_loop3A_148], %broadcast_in_dim3A_6 : memref<33x8x128xf32, #tpu.memory_space<vmem>>[vector<16xi32>, vector<16xi32>, vector<16xi32>], vector<16xf32>,
      } {sc.loop_unroll_factor = 8 : i64, sc.parallel_access}
      %parallel_loop3A_129 = arith.constant 0 : i32
      %parallel_loop3A_130 = arith.constant 64 : i32
      %parallel_loop3A_131 = arith.constant 1 : i32
      scf.for %parallel_loop3A_138 = %parallel_loop3A_129 to %parallel_loop3A_130 step %parallel_loop3A_131  : i32 {
        %parallel_loop3A_139 = arith.constant 3 : i32
        %parallel_loop3A_140 = arith.shrsi %parallel_loop3A_138, %parallel_loop3A_139 : i32
        %parallel_loop3A_141 = vector.broadcast %parallel_loop3A_140 : i32 to vector<16xi32>
        %parallel_loop3A_142 = arith.addi %broadcast_in_dim3A_24, %parallel_loop3A_141 : vector<16xi32>
        %parallel_loop3A_143 = arith.constant 7 : i32
        %parallel_loop3A_144 = arith.andi %parallel_loop3A_138, %parallel_loop3A_143 : i32
        %parallel_loop3A_145 = arith.constant 4 : i32
        %parallel_loop3A_146 = arith.shli %parallel_loop3A_144, %parallel_loop3A_145 : i32
        %parallel_loop3A_147 = vector.broadcast %parallel_loop3A_146 : i32 to vector<16xi32>
        %parallel_loop3A_148 = arith.addi %iota3A, %parallel_loop3A_147 : vector<16xi32>
        %parallel_loop3A_149 = arith.constant 1024 : i32
        %parallel_loop3A_150 = arith.muli %add3A_116, %parallel_loop3A_149 : i32
        %parallel_loop3A_151 = arith.constant 16 : i32
        %parallel_loop3A_152 = arith.muli %parallel_loop3A_138, %parallel_loop3A_151 : i32
        %parallel_loop3A_153 = arith.addi %parallel_loop3A_150, %parallel_loop3A_152 : i32
        %parallel_loop3A_154 = arith.index_cast %parallel_loop3A_153 : i32 to index
        %parallel_loop3A_155 = tpu.vector_load %arg5[%parallel_loop3A_154] {strides = array<i32>} : memref<25600xf32, #tpu.memory_space<vmem>>, vector<16xf32>,
        %parallel_loop3A_156 = arith.constant 3.100000e+01 : f32
        %parallel_loop3A_157 = vector.broadcast %parallel_loop3A_156 : f32 to vector<16xf32>
        %parallel_loop3A_158 = arith.mulf %parallel_loop3A_155, %parallel_loop3A_157 : vector<16xf32>
        %parallel_loop3A_159 = arith.fptosi %parallel_loop3A_158 : vector<16xf32> to vector<16xi32>
        %parallel_loop3A_160 = arith.constant 1 : i32
        %parallel_loop3A_161 = vector.broadcast %parallel_loop3A_160 : i32 to vector<16xi32>
        %parallel_loop3A_162 = arith.addi %parallel_loop3A_159, %parallel_loop3A_161 : vector<16xi32>
        %parallel_loop3A_163 = arith.constant 1 : i32
        %parallel_loop3A_164 = arith.constant 32 : i32
        %parallel_loop3A_165 = vector.broadcast %parallel_loop3A_163 : i32 to vector<16xi32>
        %parallel_loop3A_166 = arith.maxsi %parallel_loop3A_165, %parallel_loop3A_162 : vector<16xi32>
        %parallel_loop3A_167 = vector.broadcast %parallel_loop3A_164 : i32 to vector<16xi32>
        %parallel_loop3A_168 = arith.minsi %parallel_loop3A_167, %parallel_loop3A_166 : vector<16xi32>
        %parallel_loop3A_169 = tpu.vector_load_idx %arg10[%parallel_loop3A_168] : memref<34xf32, #tpu.memory_space<vmem>>[vector<16xi32>], vector<16xf32>,
        %parallel_loop3A_170 = arith.constant 1 : i32
        %parallel_loop3A_171 = vector.broadcast %parallel_loop3A_170 : i32 to vector<16xi32>
        %parallel_loop3A_172 = arith.addi %parallel_loop3A_168, %parallel_loop3A_171 : vector<16xi32>
        %parallel_loop3A_173 = tpu.vector_load_idx %arg10[%parallel_loop3A_172] : memref<34xf32, #tpu.memory_space<vmem>>[vector<16xi32>], vector<16xf32>,
        %parallel_loop3A_174 = arith.cmpf olt, %parallel_loop3A_155, %parallel_loop3A_169 : vector<16xf32>
        %parallel_loop3A_175 = arith.constant 1 : i32
        %parallel_loop3A_176 = arith.constant 0 : i32
        %parallel_loop3A_177 = vector.broadcast %parallel_loop3A_175 : i32 to vector<16xi32>
        %parallel_loop3A_178 = vector.broadcast %parallel_loop3A_176 : i32 to vector<16xi32>
        %parallel_loop3A_179 = arith.select %parallel_loop3A_174, %parallel_loop3A_177, %parallel_loop3A_178 : vector<16xi1>, vector<16xi32>
        %parallel_loop3A_180 = arith.cmpf oge, %parallel_loop3A_155, %parallel_loop3A_173 : vector<16xf32>
        %parallel_loop3A_181 = arith.constant 1 : i32
        %parallel_loop3A_182 = arith.constant 0 : i32
        %parallel_loop3A_183 = vector.broadcast %parallel_loop3A_181 : i32 to vector<16xi32>
        %parallel_loop3A_184 = vector.broadcast %parallel_loop3A_182 : i32 to vector<16xi32>
        %parallel_loop3A_185 = arith.select %parallel_loop3A_180, %parallel_loop3A_183, %parallel_loop3A_184 : vector<16xi1>, vector<16xi32>
        %parallel_loop3A_186 = arith.subi %parallel_loop3A_168, %parallel_loop3A_179 : vector<16xi32>
        %parallel_loop3A_187 = arith.addi %parallel_loop3A_186, %parallel_loop3A_185 : vector<16xi32>
        tpu.vector_store_idx %arg7[%parallel_loop3A_187, %parallel_loop3A_142, %parallel_loop3A_148], %broadcast_in_dim3A_10 : memref<33x8x128xf32, #tpu.memory_space<vmem>>[vector<16xi32>, vector<16xi32>, vector<16xi32>], vector<16xf32>,
        %parallel_loop3A_188 = arith.constant 16 : i32
        %parallel_loop3A_189 = arith.muli %parallel_loop3A_138, %parallel_loop3A_188 : i32
        %parallel_loop3A_190 = arith.index_cast %parallel_loop3A_189 : i32 to index
        %parallel_loop3A_191 = tpu.vector_load %arg9[%parallel_loop3A_190] {strides = array<i32>} : memref<1024xi32, #tpu.memory_space<vmem>>, vector<16xi32>,
        tpu.vector_store %arg9[%parallel_loop3A_190], %parallel_loop3A_187 {strides = array<i32>} : memref<1024xi32, #tpu.memory_space<vmem>>, vector<16xi32>,
      } {sc.loop_unroll_factor = 8 : i64, sc.parallel_access}
      %dma_start3A_132 = arith.constant 0 : i32
      %dma_start3A_133 = arith.constant 0 : i32
      %dma_start3A_134 = tpu.memref_slice %arg4[%dma_start3A_132, %add3A_119, %dma_start3A_133] : memref<33x6400x128xf32, #tpu.memory_space<hbm>> -> memref<33x8x128xf32, #tpu.memory_space<hbm>>
      %dma_start3A_135 = arith.constant 0 : i32
      %dma_start3A_136 = arith.constant 0 : i32
      %dma_start3A_137 = tpu.memref_slice %arg4[%dma_start3A_135, %add3A_119, %dma_start3A_136] : memref<33x6400x128xf32, #tpu.memory_space<hbm>> -> memref<33x8x128xf32, #tpu.memory_space<hbm>>
      tpu.enqueue_dma source(%arg7 : memref<33x8x128xf32, #tpu.memory_space<vmem>>) target(%dma_start3A_137 : memref<33x8x128xf32, #tpu.memory_space<hbm>>) target_semaphore(%arg12 : memref<!tpu.dma_semaphore, #tpu.memory_space<semaphore_mem>>)
    }
    %scan3A_56 = arith.constant 11 : i32
    %add3A_57 = arith.constant 192 : i32
    %add3A_58 = arith.addi %mul3A_4, %add3A_57 : i32
    %dma_wait3A_59 = arith.constant 0 : i32
    %dma_wait3A_60 = arith.constant 0 : i32
    %dma_wait3A_61 = tpu.memref_slice %arg4[%dma_wait3A_59, %add3A_58, %dma_wait3A_60] : memref<33x6400x128xf32, #tpu.memory_space<hbm>> -> memref<33x8x128xf32, #tpu.memory_space<hbm>>
    %dma_wait3A_62 = arith.constant 0 : i32
    %dma_wait3A_63 = arith.constant 0 : i32
    %dma_wait3A_64 = tpu.memref_slice %arg4[%dma_wait3A_62, %add3A_58, %dma_wait3A_63] : memref<33x6400x128xf32, #tpu.memory_space<hbm>> -> memref<33x8x128xf32, #tpu.memory_space<hbm>>
    tpu.wait_dma2 semaphore(%arg11 : memref<!tpu.dma_semaphore, #tpu.memory_space<semaphore_mem>>) src(%arg6 : memref<33x8x128xf32, #tpu.memory_space<vmem>>) dst(%dma_wait3A_64 : memref<33x8x128xf32, #tpu.memory_space<hbm>>)
    %parallel_loop3A_65 = arith.constant 0 : i32
    %parallel_loop3A_66 = arith.constant 64 : i32
    %parallel_loop3A_67 = arith.constant 1 : i32
    scf.for %parallel_loop3A_89 = %parallel_loop3A_65 to %parallel_loop3A_66 step %parallel_loop3A_67  : i32 {
      %parallel_loop3A_90 = arith.constant 3 : i32
      %parallel_loop3A_91 = arith.shrsi %parallel_loop3A_89, %parallel_loop3A_90 : i32
      %parallel_loop3A_92 = vector.broadcast %parallel_loop3A_91 : i32 to vector<16xi32>
      %parallel_loop3A_93 = arith.addi %broadcast_in_dim3A_24, %parallel_loop3A_92 : vector<16xi32>
      %parallel_loop3A_94 = arith.constant 7 : i32
      %parallel_loop3A_95 = arith.andi %parallel_loop3A_89, %parallel_loop3A_94 : i32
      %parallel_loop3A_96 = arith.constant 4 : i32
      %parallel_loop3A_97 = arith.shli %parallel_loop3A_95, %parallel_loop3A_96 : i32
      %parallel_loop3A_98 = vector.broadcast %parallel_loop3A_97 : i32 to vector<16xi32>
      %parallel_loop3A_99 = arith.addi %iota3A, %parallel_loop3A_98 : vector<16xi32>
      %parallel_loop3A_100 = arith.constant 16 : i32
      %parallel_loop3A_101 = arith.muli %parallel_loop3A_89, %parallel_loop3A_100 : i32
      %parallel_loop3A_102 = arith.index_cast %parallel_loop3A_101 : i32 to index
      %parallel_loop3A_103 = tpu.vector_load %arg8[%parallel_loop3A_102] {strides = array<i32>} : memref<1024xi32, #tpu.memory_space<vmem>>, vector<16xi32>,
      tpu.vector_store_idx %arg6[%parallel_loop3A_103, %parallel_loop3A_93, %parallel_loop3A_99], %broadcast_in_dim3A_6 : memref<33x8x128xf32, #tpu.memory_space<vmem>>[vector<16xi32>, vector<16xi32>, vector<16xi32>], vector<16xf32>,
    } {sc.loop_unroll_factor = 8 : i64, sc.parallel_access}
    %parallel_loop3A_68 = arith.constant 0 : i32
    %parallel_loop3A_69 = arith.constant 64 : i32
    %parallel_loop3A_70 = arith.constant 1 : i32
    scf.for %parallel_loop3A_89 = %parallel_loop3A_68 to %parallel_loop3A_69 step %parallel_loop3A_70  : i32 {
      %parallel_loop3A_90 = arith.constant 3 : i32
      %parallel_loop3A_91 = arith.shrsi %parallel_loop3A_89, %parallel_loop3A_90 : i32
      %parallel_loop3A_92 = vector.broadcast %parallel_loop3A_91 : i32 to vector<16xi32>
      %parallel_loop3A_93 = arith.addi %broadcast_in_dim3A_24, %parallel_loop3A_92 : vector<16xi32>
      %parallel_loop3A_94 = arith.constant 7 : i32
      %parallel_loop3A_95 = arith.andi %parallel_loop3A_89, %parallel_loop3A_94 : i32
      %parallel_loop3A_96 = arith.constant 4 : i32
      %parallel_loop3A_97 = arith.shli %parallel_loop3A_95, %parallel_loop3A_96 : i32
      %parallel_loop3A_98 = vector.broadcast %parallel_loop3A_97 : i32 to vector<16xi32>
      %parallel_loop3A_99 = arith.addi %iota3A, %parallel_loop3A_98 : vector<16xi32>
      %parallel_loop3A_100 = arith.constant 16 : i32
      %parallel_loop3A_101 = arith.muli %parallel_loop3A_89, %parallel_loop3A_100 : i32
      %parallel_loop3A_102 = arith.constant 24576 : i32
      %parallel_loop3A_103 = arith.addi %parallel_loop3A_102, %parallel_loop3A_101 : i32
      %parallel_loop3A_104 = arith.index_cast %parallel_loop3A_103 : i32 to index
      %parallel_loop3A_105 = tpu.vector_load %arg5[%parallel_loop3A_104] {strides = array<i32>} : memref<25600xf32, #tpu.memory_space<vmem>>, vector<16xf32>,
      %parallel_loop3A_106 = arith.constant 3.100000e+01 : f32
      %parallel_loop3A_107 = vector.broadcast %parallel_loop3A_106 : f32 to vector<16xf32>
      %parallel_loop3A_108 = arith.mulf %parallel_loop3A_105, %parallel_loop3A_107 : vector<16xf32>
      %parallel_loop3A_109 = arith.fptosi %parallel_loop3A_108 : vector<16xf32> to vector<16xi32>
      %parallel_loop3A_110 = arith.constant 1 : i32
      %parallel_loop3A_111 = vector.broadcast %parallel_loop3A_110 : i32 to vector<16xi32>
      %parallel_loop3A_112 = arith.addi %parallel_loop3A_109, %parallel_loop3A_111 : vector<16xi32>
      %parallel_loop3A_113 = arith.constant 1 : i32
      %parallel_loop3A_114 = arith.constant 32 : i32
      %parallel_loop3A_115 = vector.broadcast %parallel_loop3A_113 : i32 to vector<16xi32>
      %parallel_loop3A_116 = arith.maxsi %parallel_loop3A_115, %parallel_loop3A_112 : vector<16xi32>
      %parallel_loop3A_117 = vector.broadcast %parallel_loop3A_114 : i32 to vector<16xi32>
      %parallel_loop3A_118 = arith.minsi %parallel_loop3A_117, %parallel_loop3A_116 : vector<16xi32>
      %parallel_loop3A_119 = tpu.vector_load_idx %arg10[%parallel_loop3A_118] : memref<34xf32, #tpu.memory_space<vmem>>[vector<16xi32>], vector<16xf32>,
      %parallel_loop3A_120 = arith.constant 1 : i32
      %parallel_loop3A_121 = vector.broadcast %parallel_loop3A_120 : i32 to vector<16xi32>
      %parallel_loop3A_122 = arith.addi %parallel_loop3A_118, %parallel_loop3A_121 : vector<16xi32>
      %parallel_loop3A_123 = tpu.vector_load_idx %arg10[%parallel_loop3A_122] : memref<34xf32, #tpu.memory_space<vmem>>[vector<16xi32>], vector<16xf32>,
      %parallel_loop3A_124 = arith.cmpf olt, %parallel_loop3A_105, %parallel_loop3A_119 : vector<16xf32>
      %parallel_loop3A_125 = arith.constant 1 : i32
      %parallel_loop3A_126 = arith.constant 0 : i32
      %parallel_loop3A_127 = vector.broadcast %parallel_loop3A_125 : i32 to vector<16xi32>
      %parallel_loop3A_128 = vector.broadcast %parallel_loop3A_126 : i32 to vector<16xi32>
      %parallel_loop3A_129 = arith.select %parallel_loop3A_124, %parallel_loop3A_127, %parallel_loop3A_128 : vector<16xi1>, vector<16xi32>
      %parallel_loop3A_130 = arith.cmpf oge, %parallel_loop3A_105, %parallel_loop3A_123 : vector<16xf32>
      %parallel_loop3A_131 = arith.constant 1 : i32
      %parallel_loop3A_132 = arith.constant 0 : i32
      %parallel_loop3A_133 = vector.broadcast %parallel_loop3A_131 : i32 to vector<16xi32>
      %parallel_loop3A_134 = vector.broadcast %parallel_loop3A_132 : i32 to vector<16xi32>
      %parallel_loop3A_135 = arith.select %parallel_loop3A_130, %parallel_loop3A_133, %parallel_loop3A_134 : vector<16xi1>, vector<16xi32>
      %parallel_loop3A_136 = arith.subi %parallel_loop3A_118, %parallel_loop3A_129 : vector<16xi32>
      %parallel_loop3A_137 = arith.addi %parallel_loop3A_136, %parallel_loop3A_135 : vector<16xi32>
      tpu.vector_store_idx %arg6[%parallel_loop3A_137, %parallel_loop3A_93, %parallel_loop3A_99], %broadcast_in_dim3A_10 : memref<33x8x128xf32, #tpu.memory_space<vmem>>[vector<16xi32>, vector<16xi32>, vector<16xi32>], vector<16xf32>,
      %parallel_loop3A_138 = arith.constant 16 : i32
      %parallel_loop3A_139 = arith.muli %parallel_loop3A_89, %parallel_loop3A_138 : i32
      %parallel_loop3A_140 = arith.index_cast %parallel_loop3A_139 : i32 to index
      %parallel_loop3A_141 = tpu.vector_load %arg8[%parallel_loop3A_140] {strides = array<i32>} : memref<1024xi32, #tpu.memory_space<vmem>>, vector<16xi32>,
      tpu.vector_store %arg8[%parallel_loop3A_140], %parallel_loop3A_137 {strides = array<i32>} : memref<1024xi32, #tpu.memory_space<vmem>>, vector<16xi32>,
    } {sc.loop_unroll_factor = 8 : i64, sc.parallel_access}
    %dma_start3A_71 = arith.constant 0 : i32
    %dma_start3A_72 = arith.constant 0 : i32
    %dma_start3A_73 = tpu.memref_slice %arg4[%dma_start3A_71, %add3A_58, %dma_start3A_72] : memref<33x6400x128xf32, #tpu.memory_space<hbm>> -> memref<33x8x128xf32, #tpu.memory_space<hbm>>
    %dma_start3A_74 = arith.constant 0 : i32
    %dma_start3A_75 = arith.constant 0 : i32
    %dma_start3A_76 = tpu.memref_slice %arg4[%dma_start3A_74, %add3A_58, %dma_start3A_75] : memref<33x6400x128xf32, #tpu.memory_space<hbm>> -> memref<33x8x128xf32, #tpu.memory_space<hbm>>
    tpu.enqueue_dma source(%arg6 : memref<33x8x128xf32, #tpu.memory_space<vmem>>) target(%dma_start3A_76 : memref<33x8x128xf32, #tpu.memory_space<hbm>>) target_semaphore(%arg11 : memref<!tpu.dma_semaphore, #tpu.memory_space<semaphore_mem>>)
    %dma_wait3A_77 = arith.constant 0 : i32
    %dma_wait3A_78 = arith.constant 0 : i32
    %dma_wait3A_79 = tpu.memref_slice %arg4[%dma_wait3A_77, %mul3A_4, %dma_wait3A_78] : memref<33x6400x128xf32, #tpu.memory_space<hbm>> -> memref<33x8x128xf32, #tpu.memory_space<hbm>>
    %dma_wait3A_80 = arith.constant 0 : i32
    %dma_wait3A_81 = arith.constant 0 : i32
    %dma_wait3A_82 = tpu.memref_slice %arg4[%dma_wait3A_80, %mul3A_4, %dma_wait3A_81] : memref<33x6400x128xf32, #tpu.memory_space<hbm>> -> memref<33x8x128xf32, #tpu.memory_space<hbm>>
    tpu.wait_dma2 semaphore(%arg11 : memref<!tpu.dma_semaphore, #tpu.memory_space<semaphore_mem>>) src(%arg6 : memref<33x8x128xf32, #tpu.memory_space<vmem>>) dst(%dma_wait3A_82 : memref<33x8x128xf32, #tpu.memory_space<hbm>>)
    %dma_wait3A_83 = arith.constant 0 : i32
    %dma_wait3A_84 = arith.constant 0 : i32
    %dma_wait3A_85 = tpu.memref_slice %arg4[%dma_wait3A_83, %mul3A_4, %dma_wait3A_84] : memref<33x6400x128xf32, #tpu.memory_space<hbm>> -> memref<33x8x128xf32, #tpu.memory_space<hbm>>
    %dma_wait3A_86 = arith.constant 0 : i32
    %dma_wait3A_87 = arith.constant 0 : i32
    %dma_wait3A_88 = tpu.memref_slice %arg4[%dma_wait3A_86, %mul3A_4, %dma_wait3A_87] : memref<33x6400x128xf32, #tpu.memory_space<hbm>> -> memref<33x8x128xf32, #tpu.memory_space<hbm>>
    tpu.wait_dma2 semaphore(%arg12 : memref<!tpu.dma_semaphore, #tpu.memory_space<semaphore_mem>>) src(%arg7 : memref<33x8x128xf32, #tpu.memory_space<vmem>>) dst(%dma_wait3A_88 : memref<33x8x128xf32, #tpu.memory_space<hbm>>)
    return
  }
}

</mosaic_0001>

<sc_bundles>
// kernel: kernel.3.cloned.1.call-start
scs
__scs_entry_jumppad:
0x0: {  	(pc) =	sbr.rel $0x88, $3  }
0x1: {  	(tag) =	ssettag $0x0;
	lr =	simm.s32 $0x1  }
0x2: {  	[smem:$0x3F9F] =	sst lr;
	_ =	strace $0xD0000000  }
0x3: {  	_ = 	snop  }
0x4: {  	_ = 	snop  }
0x5: {  	_ = 	snop  }
0x6: {  	_ = 	snop  }
0x7: {  	_ = 	snop  }
__scs_overlays_trampoline_lowered:
0x8: {  	[smem:$0x3FAE] =	sst s0  }
0x9: {  	[smem:$0x3FAF] =	sst s1  }
0xa: {  	[smem:$0x3FB0] =	sst s2  }
0xb: {  	[smem:$0x3FB1] =	sst s3  }
0xc: {  	[smem:$0x3FB2] =	sst s4  }
0xd: {  	[smem:$0x3FB3] =	sst s5  }
0xe: {  	[smem:$0x3FB4] =	sst s6  }
0xf: {  	[smem:$0x3FB5] =	sst s7  }
0x10: {  	[smem:$0x3FB6] =	sst s8  }
0x11: {  	[smem:$0x3FB7] =	sst s9;
	s0 =	simm.s32 @!p0 $0x0  }
0x12: {  	s1 =	sld [smem:$0x3F9D];
	s0 =	simm.s32 @p0 $0x1  }
0x13: {  	[smem:$0x3FB8] =	sst s0;
	s0 =	simm.s32 @!p1 $0x0  }
0x14: {  	s2 =	sld [smem:$0x3F9C];
	s0 =	simm.s32 @p1 $0x1  }
0x15: {  	[smem:$0x3FB9] =	sst s0;
	s0 =	simm.s32 @!p2 $0x0  }
0x16: {  	s3 =	sld [smem:$0x3FDB];
	s0 =	simm.s32 @p2 $0x1  }
0x17: {  	s4 =	simm.s32 $0x1BF5;
	[smem:$0x3FBB] =	sst s0  }
0x18: {  	s0 =	sld [smem:$0x3F9E];
	_ =	swait.ge [sflag:s4], $0x0  }
0x19: {  	s7 =	sld [smem:$0x3F9F]  }
0x1a: {  	s8 =	sadd.s32 $0xFFFFE003, lr  }
0x1b: {  	s9 =	sadd.s32 $0xFFFFFEF7, lr;
	s5 =	simm.s32 $0xFFFFFFFF;
	p2 =	slt.u32 s8, $0xFFFFF086  }
0x1c: {  	p1 =	slt.u32 s9, $0xF7A;
	s5 =	simm.s32 @!p2 $0x0  }
0x1d: {  	s5 =	simm.s32 @p1 $0x1;
	p0 =	seq.s32 s7, s2  }
0x1e: {  	s7 =	smul.u32 @!p0 $0xF7A, s2;
	p2 =	seq.s32 @!p0 s5, $0x0  }
0x1f: {  	s9 =	smul.u32 $0xF7A, s1;
	s8 =	simm.s32 @!p0 $0x1BF5;
	p2 =	por !p2, p0  }
0x20: {  	[sflag:s8] =	ssyncset.s32 @!p0 $0xFFFFF086;
	s6 =	sadd.s32 @!p0 s3, s7;
	s7 =	simm.s32 @!p0 $0x108  }
0x21: {  	s3 =	sadd.s32 s3, s9;
	s6 =	sadd.s32 @!p0 $0x88, s6;
	s7 =	simm.s32 @p2 $0x1082  }
0x22: {  	[simem:s7], [sflag:s8] =	dma.local @!p0 [hbm:s6], $0xF7A  }
0x23: {  	s9 =	sor.u32 $0xD0000000, s2;
	s6 =	simm.s32 $0x108;
	_ =	swait.ge @!p0 [sflag:s8], $0x0  }
0x24: {  	s3 =	sadd.s32 $0x88, s3;
	s6 =	simm.s32 @!p1 $0x1082;
	[sflag:s4] =	ssyncset.s32 $0xFFFFF086  }
0x25: {  	[simem:s6], [sflag:s4] =	dma.local [hbm:s3], $0xF7A  }
0x26: {  	[smem:$0x3F9F] =	sst s1;
	(tag) =	ssettag s2;
	_ =	strace s9  }
0x27: {  	s1 =	sld [smem:$0x3FAF]  }
0x28: {  	s2 =	sld [smem:$0x3FB0]  }
0x29: {  	s4 =	sld [smem:$0x3FB2]  }
0x2a: {  	p0 =	seq.s32 s5, $0x0;
	s5 =	sld [smem:$0x3FB3]  }
0x2b: {  	s6 =	sld [smem:$0x3FB4]  }
0x2c: {  	s7 =	sld [smem:$0x3FB5]  }
0x2d: {  	s3 =	simm.s32 $0x108;
	s8 =	sld [smem:$0x3FB6]  }
0x2e: {  	s3 =	simm.s32 @!p0 $0x1082;
	s9 =	sld [smem:$0x3FB7]  }
0x2f: {  	lr =	sadd.s32 s0, s3;
	s0 =	sld [smem:$0x3FAE]  }
0x30: {  	s3 =	sld [smem:$0x3FB1]  }
0x31: {  	[smem:$0x3FBA] =	sst s10  }
0x32: {  	s10 =	sld [smem:$0x3FB8];
	_ =	sdelay $0x3  }
0x33: {  	p0 =	seq.s32 s10, $0x1;
	s10 =	sld [smem:$0x3FBA];
	_ =	sdelay $0x3  }
0x34: {  	[smem:$0x3FBA] =	sst s10  }
0x35: {  	s10 =	sld [smem:$0x3FB9];
	_ =	sdelay $0x3  }
0x36: {  	p1 =	seq.s32 s10, $0x1;
	s10 =	sld [smem:$0x3FBA];
	_ =	sdelay $0x3  }
0x37: {  	[smem:$0x3FBA] =	sst s10  }
0x38: {  	s10 =	sld [smem:$0x3FBB]  }
0x39: {  	_ = 	snop;
	(pc) =	sbr.ind lr, $3  }
0x3a: {  	_ = 	snop  }
0x3b: {  	_ = 	snop  }
0x3c: {  	p2 =	seq.s32 s10, $0x1;
	s10 =	sld [smem:$0x3FBA]  }
0x3d: {  	_ =	shalt  }
0x3e: {  	_ =	shalt  }
0x3f: {  	_ =	shalt  }
0x40: {  	_ =	shalt  }
0x41: {  	_ =	shalt  }
0x42: {  	_ =	shalt  }
0x43: {  	_ =	shalt  }
0x44: {  	_ =	shalt  }
0x45: {  	_ =	shalt  }
0x46: {  	_ =	shalt  }
0x47: {  	_ =	shalt  }
0x48: {  	_ =	shalt  }
0x49: {  	_ =	shalt  }
0x4a: {  	_ =	shalt  }
0x4b: {  	_ =	shalt  }
0x4c: {  	_ =	shalt  }
0x4d: {  	_ =	shalt  }
0x4e: {  	_ =	shalt  }
0x4f: {  	_ =	shalt  }
0x50: {  	_ =	shalt  }
0x51: {  	_ =	shalt  }
0x52: {  	_ =	shalt  }
0x53: {  	_ =	shalt  }
0x54: {  	_ =	shalt  }
0x55: {  	_ =	shalt  }
0x56: {  	_ =	shalt  }
0x57: {  	_ =	shalt  }
0x58: {  	_ =	shalt  }
0x59: {  	_ =	shalt  }
0x5a: {  	_ =	shalt  }
0x5b: {  	_ =	shalt  }
0x5c: {  	_ =	shalt  }
0x5d: {  	_ =	shalt  }
0x5e: {  	_ =	shalt  }
0x5f: {  	_ =	shalt  }
0x60: {  	_ =	shalt  }
0x61: {  	_ =	shalt  }
0x62: {  	_ =	shalt  }
0x63: {  	_ =	shalt  }
0x64: {  	_ =	shalt  }
0x65: {  	_ =	shalt  }
0x66: {  	_ =	shalt  }
0x67: {  	_ =	shalt  }
0x68: {  	_ =	shalt  }
0x69: {  	_ =	shalt  }
0x6a: {  	_ =	shalt  }
0x6b: {  	_ =	shalt  }
0x6c: {  	_ =	shalt  }
0x6d: {  	_ =	shalt  }
0x6e: {  	_ =	shalt  }
0x6f: {  	_ =	shalt  }
0x70: {  	_ =	shalt  }
0x71: {  	_ =	shalt  }
0x72: {  	_ =	shalt  }
0x73: {  	_ =	shalt  }
0x74: {  	_ =	shalt  }
0x75: {  	_ =	shalt  }
0x76: {  	_ =	shalt  }
0x77: {  	_ =	shalt  }
0x78: {  	_ =	shalt  }
0x79: {  	_ =	shalt  }
0x7a: {  	_ =	shalt  }
0x7b: {  	_ =	shalt  }
0x7c: {  	_ =	shalt  }
0x7d: {  	_ =	shalt  }
0x7e: {  	_ =	shalt  }
0x7f: {  	_ =	shalt  }
0x80: {  	_ =	shalt  }
0x81: {  	_ =	shalt  }
0x82: {  	_ =	shalt  }
0x83: {  	_ =	shalt  }
0x84: {  	_ =	shalt  }
0x85: {  	_ =	shalt  }
0x86: {  	_ =	shalt  }
0x87: {  	_ =	shalt  }
.Lfunc_end0:
.L_simem_size_0:
called_computation_lowered:
.L_overlay_start_0:
0x88: {  	s2 =	sld [smem:$0x3FD9]  }
0x89: {  	s3 =	sld [smem:$0x3FFE];
	_ =	sdelay $0x1  }
0x8a: {  	s1 =	srdreg.scid  }
0x8b: {  	s0 =	sand.u32 $0x1, s1  }
0x8c: {  	s18 =	sshll.u32 s0, $0xA;
	s2 =	sadd.s32 s3, s2  }
0x8d: {  	s2 =	sadd.s32 s2, s18  }
0x8e: {  	[smem:$0x3FC6] =	sst s2  }
0x8f: {  	_ = 	snop  }
0x90: {  	s2 =	sld [smem:$0x3FC9]  }
0x91: {  	s19 =	sld [smem:$0x3FC8]  }
0x92: {  	s4 =	sld [smem:$0x3FD0];
	(tm) =	ssettm $0x1  }
0x93: {  	s5 =	sld [smem:$0x3FFB];
	_ =	sdelay $0x3  }
0x94: {  	_ =	strace s5  }
0x95: {  	s5 =	sld [smem:$0x3FFC];
	_ =	sdelay $0x3  }
0x96: {  	_ =	strace s5  }
0x97: {  	s5 =	sld [smem:$0x3FFD];
	_ =	sdelay $0x3  }
0x98: {  	_ =	strace s5  }
0x99: {  	_ =	strace $0x8FFFFFFF  }
0x9a: {  	s20 =	sld [smem:$0x3FDB];
	_ =	sdelay $0x1  }
0x9b: {  	s6 =	simm.s32 $_scs_section_size  }
0x9c: {  	s7 =	simm.s32 $_size__tile_overlayer_lowered;
	s8 =	simm.s32 $_tile_overlayer_lowered  }
0x9d: {  	s23 =	simm.s32 $0x1BFF;
	s22 =	sshll.u32 s8, $0x1;
	s5 =	sadd.s32 s6, s20  }
0x9e: {  	s9 =	simm.s32 $0x0;
	s21 =	sshll.u32 s7, $0x1;
	s7 =	sadd.s32 s22, s5  }
0x9f: {  	[timem:s9], [sflag:s23] =	dma.local [hbm:s7], s21  }
0xa0: {  	_ =	swait.ge [sflag:s23], s21  }
0xa1: {  	s6 =	ssub.s32 $0x0, s21;
	[sflag:s23] =	ssyncset.done $0x0  }
0xa2: {  	[sflag:s23] =	ssyncadd.s32 s6;
	_ =	sdelay $0x1  }
0xa3: {  	s24 =	simm.s32 $0x1B8B  }
0xa4: {  	_ =	swait.ge [sflag:s24], $0x1  }
0xa5: {  	[sflag:s24] =	ssyncset.done $0x0  }
0xa6: {  	s25 =	simm.s32 $0x1B8E;
	[sflag:s24] =	ssyncadd.s32 $0xFFFFFFFF  }
0xa7: {  	s26 =	simm.s32 $execute0_lowered;
	[smem:$0x3FD2] =	sst s25  }
0xa8: {  	s6 =	sshll.u32 s26, $0x1;
	_ =	strace $0x80000046;
	[dreg:$0x1] =	wrdreg $0xFFFFFFFF  }
0xa9: {  	s28 =	simm.s32 $_size_execute0_lowered;
	s5 =	sadd.s32 s5, s6;
	[dreg:$0x0] =	wrdreg $0x0  }
0xaa: {  	s6 =	sshll.u32 s28, $0x1;
	[dreg:$0x2] =	wrdreg s5  }
0xab: {  	[dreg:$0x3] =	wrdreg s6  }
0xac: {  	[dreg:$0x4] =	wrdreg $0xC0  }
0xad: {  	_ =	task [dreg:s9], $0x5FFFF  }
0xae: {  	[dreg:$0x1] =	wrdreg $0xFFFFFFFF  }
0xaf: {  	[dreg:$0x0] =	wrdreg $0x60  }
0xb0: {  	[dreg:$0x2] =	wrdreg s2  }
0xb1: {  	[dreg:$0x3] =	wrdreg s19  }
0xb2: {  	[dreg:$0x4] =	wrdreg s4  }
0xb3: {  	[dreg:$0x5] =	wrdreg $0x9  }
0xb4: {  	_ =	task.clear_ibuf [dreg:s9], $0x6FFFF;
	_ =	strace $0x90000046  }
0xb5: {  	s29 =	simm.s32 $0x9;
	_ =	strace $0x80000048  }
0xb6: {  	_ =	swait.ge [sflag:s29], $0x1  }
0xb7: {  	[sflag:s29] =	ssyncadd.s32 $0xFFFFFFFF  }
0xb8: {  	_ =	strace $0x90000048  }
0xb9: {  	_ =	sfence  }
0xba: {  	s30 =	sld [smem:$0x0];
	_ =	sdelay $0x2  }
0xbb: {  	s31 =	sshll.u32 s1, $0xD;
	s1 =	sshrl.u32 s1, $0x2  }
0xbc: {  	s3 =	sand.u32 $0x4000, s31;
	s1 =	sadd.s32 s1, s30  }
0xbd: {  	s0 =	sor.u32 s3, s0;
	s1 =	sshll.u32 s1, $0x11  }
0xbe: {  	s0 =	sor.u32 s1, s0  }
0xbf: {  	s0 =	sadd.s32 $0x8F2B, s0  }
0xc0: {  	[sflag:s0] =	ssyncadd.remote.s32 $0x1  }
0xc1: {  	_ =	sfence.sel $0xFFFF  }
0xc2: {  	[dreg:$0x0] =	wrdreg $0xFFFFFFFF;
	(pc) =	sbr.abs _section_cstart, $3  }
0xc3: {  	[dreg:$0x1] =	wrdreg $0xFFFFFFFF  }
0xc4: {  	_ =	task.clear_ibuf [dreg:s9], $0x2FFFF;
	_ =	strace $0x9FFFFFFF  }
0xc5: {  	(tm) =	ssettm $0x7FFFFFFF  }
tec
execute0_lowered:
.L_overlay_start_1:
0x0: {  	(tag) =	ssettag $0x1  }
0x1: {  	s5 =	rddreg [dreg:$0x0]  }
0x2: {  	s1 =	srdreg.scid;
	s2 =	rddreg [dreg:$0x1]  }
0x3: {  	s0 =	stileid.u32;
	s3 =	rddreg [dreg:$0x2];
	s4 =	simm.s32 $0x0  }
0x4: {  	s12 =	simm.s32 $0x3;
	s13 =	simm.s32 $0x1;
	s14 =	simm.s32 $0x6400  }
0x5: {  	s15 =	simm.s32 $0x400;
	s6 =	sand.u32 $0x1, s1;
	s30 =	sshll.u32 s0, $0x1  }
0x6: {  	s16 =	simm.s32 $0xC8000;
	s17 =	simm.s32 $0xE800;
	s8 =	sor.u32 s6, s30  }
0x7: {  	s18 =	simm.s32 $0x2;
	s19 =	simm.s32 $0x0;
	s7 =	smul.u32 $0x6400, s8  }
0x8: {  	[smem:$0x7FF] =	sst s4;
	s6 =	ssub.s32 $0x2, s6;
	s10 =	smul.u32 $0xC80, s8  }
0x9: {  	v0 =	vimm.f32 $0.0e+00;
	v1 =	vlaneseq.u32;
	_ =	strace $0x80000047;
	s9 =	sshrl.u32 s6, $0x1;
	s8 =	smul.u32 $0x19, s8  }
0xa: {  	v2 =	vimm.s32 $0x0;
	v10 =	vimm.f32 $1.000000000e+00;
	v3 =	vor.u32 $0x10, v1;
	s11 =	ssub.s32 s6, s9;
	s7 =	sshrl.u32 s7, $0x3;
	s5 =	sadd.s32 s5, s10  }
0xb: {  	v4 =	vor.u32 $0x20, v1;
	v5 =	vor.u32 $0x30, v1;
	v6 =	vor.u32 $0x40, v1;
	s6 =	sadd.s32 s3, s10;
	s10 =	smax.u32 s11, $0x1;
	s31 =	sadd.s32 s3, s7  }
0xc: {  	v7 =	vor.u32 $0x50, v1;
	v8 =	vor.u32 $0x60, v1;
	v9 =	vor.u32 $0x70, v1;
	s11 =	simm.s32 $0x17400;
	s7 =	sadd.s32 $0x80, s31;
	s9 =	sadd.s32 $0xC00, s31  }
.LBB2_1:
0xd: {  	[tilespmem:s11], [sflag:$0x3] =	stream.linear.gather [hbm4b:s2+s4], $0x80, $0x38;
	[tilespmem:$0x17480] =	vst v63  }
0xe: {  	s21 =	simm.s32 $0x0;
	s20 =	sand.u32 $0x3F000, s4;
	_ =	swait.ge [sflag:s12], $0x80  }
0xf: {  	s22 =	sand.u32 $0x380, s21;
	s20 =	sshrl.u32 s20, $0x2;
	[sflag:s12] =	ssyncset.done $0x0  }
0x10: {  	s20 =	sor.u32 s22, s20;
	[sflag:s12] =	ssyncadd.s32 $0xFFFFFF80  }
0x11: {  	[tilespmem:s4], [sflag:$0x1] =	stream.linear.gather [hbm4b:s5+s4], $0x6400, $0x38;
	[tilespmem:$0x17480] =	vst v63  }
0x12: {  	[tilespmem:s20+$0x6470] =	vst v0  }
0x13: {  	[tilespmem:s20+$0x6400] =	vst v0  }
0x14: {  	[tilespmem:s20+$0x6410] =	vst v0  }
0x15: {  	[tilespmem:s20+$0x6420] =	vst v0  }
0x16: {  	s22 =	simm.s32 $0x200;
	[tilespmem:s20+$0x6430] =	vst v0  }
.LBB2_2:
0x17: {  	s21 =	sadd.s32 $0x80, s21;
	s23 =	sand.u32 $0x3F000, s22;
	[tilespmem:s20+$0x6440] =	vst v0  }
0x18: {  	s24 =	sand.u32 $0x380, s21;
	s23 =	sshrl.u32 s23, $0x2;
	p0 =	slt.u32 s21, $0x8380;
	[tilespmem:s20+$0x6450] =	vst v0  }
0x19: {  	[tilespmem:s20+$0x6460] =	vst v0;
	s20 =	sor.u32 s24, s23  }
.Ltmp0:
0x1a: {  	s23 =	simm.s32 $0x0;
	[tilespmem:s20+$0x6470] =	vst v0;
	(pc) =	sbr.rel @p0 .LBB2_2-.Ltmp0, $4  }
0x1b: {  	[tilespmem:s20+$0x6400] =	vst v0  }
0x1c: {  	[tilespmem:s20+$0x6410] =	vst v0  }
0x1d: {  	[tilespmem:s20+$0x6420] =	vst v0  }
0x1e: {  	s22 =	sadd.s32 $0x200, s22;
	[tilespmem:s20+$0x6430] =	vst v0  }
0x1f: {  	[tilespmem:s20+$0x6440] =	vst v0;
	s21 =	simm.s32 $0x0;
	s22 =	sand.u32 $0x3F000, s23  }
0x20: {  	[tilespmem:s20+$0x6450] =	vst v0;
	s31 =	sand.u32 $0x380, s21;
	s22 =	sshrl.u32 s22, $0x2  }
0x21: {  	[tilespmem:s20+$0x6460] =	vst v0;
	s22 =	sor.u32 s31, s22  }
0x22: {  	[tilespmem:s22+$0xE870] =	vst v0  }
0x23: {  	[tilespmem:s22+$0xE800] =	vst v0  }
0x24: {  	[tilespmem:s22+$0xE810] =	vst v0  }
0x25: {  	[tilespmem:s22+$0xE820] =	vst v0  }
0x26: {  	s20 =	simm.s32 $0x16C40;
	s23 =	simm.s32 $0x200;
	[tilespmem:s22+$0xE830] =	vst v0  }
.LBB2_4:
0x27: {  	s21 =	sadd.s32 $0x80, s21;
	s24 =	sand.u32 $0x3F000, s23;
	[tilespmem:s22+$0xE840] =	vst v0  }
0x28: {  	s25 =	sand.u32 $0x380, s21;
	s24 =	sshrl.u32 s24, $0x2;
	p0 =	slt.u32 s21, $0x8380;
	[tilespmem:s22+$0xE850] =	vst v0  }
0x29: {  	[tilespmem:s22+$0xE860] =	vst v0;
	s22 =	sor.u32 s25, s24  }
.Ltmp1:
0x2a: {  	[tilespmem:s22+$0xE870] =	vst v0;
	(pc) =	sbr.rel @p0 .LBB2_4-.Ltmp1, $4  }
0x2b: {  	[tilespmem:s22+$0xE800] =	vst v0  }
0x2c: {  	[tilespmem:s22+$0xE810] =	vst v0  }
0x2d: {  	[tilespmem:s22+$0xE820] =	vst v0  }
0x2e: {  	s23 =	sadd.s32 $0x200, s23;
	[tilespmem:s22+$0xE830] =	vst v0  }
0x2f: {  	[tilespmem:s22+$0xE840] =	vst v0  }
0x30: {  	[tilespmem:s22+$0xE850] =	vst v0  }
0x31: {  	[tilespmem:s22+$0xE860] =	vst v0  }
0x32: {  	[tilespmem:s20+$0xFFFFFFC0] =	vst v2  }
0x33: {  	[tilespmem:s20+$0x30] =	vst v2  }
0x34: {  	[tilespmem:s20+$0x20] =	vst v2  }
0x35: {  	[tilespmem:s20+$0x10] =	vst v2  }
0x36: {  	[tilespmem:s20+$0x0] =	vst v2  }
0x37: {  	[tilespmem:s20+$0xFFFFFFF0] =	vst v2  }
0x38: {  	s22 =	simm.s32 $0x0;
	[tilespmem:s20+$0xFFFFFFE0] =	vst v2  }
.LBB2_6:
0x39: {  	s22 =	sadd.s32 $0x80, s22;
	[tilespmem:s20+$0xFFFFFFD0] =	vst v2;
	s20 =	sadd.s32 $0x80, s20;
	s21 =	simm.s32 $0x17040  }
0x3a: {  	[tilespmem:s20+$0xFFFFFFC0] =	vst v2;
	p0 =	slt.u32 s22, $0x380  }
0x3b: {  	[tilespmem:s20+$0x30] =	vst v2  }
.Ltmp2:
0x3c: {  	[tilespmem:s20+$0x20] =	vst v2;
	(pc) =	sbr.rel @p0 .LBB2_6-.Ltmp2, $4  }
0x3d: {  	[tilespmem:s20+$0x10] =	vst v2  }
0x3e: {  	[tilespmem:s20+$0x0] =	vst v2  }
0x3f: {  	[tilespmem:s20+$0xFFFFFFF0] =	vst v2  }
0x40: {  	[tilespmem:s20+$0xFFFFFFE0] =	vst v2  }
0x41: {  	[tilespmem:s20+$0xFFFFFFD0] =	vst v2  }
0x42: {  	[tilespmem:s21+$0xFFFFFFC0] =	vst v2  }
0x43: {  	[tilespmem:s21+$0x30] =	vst v2  }
0x44: {  	[tilespmem:s21+$0x20] =	vst v2  }
0x45: {  	[tilespmem:s21+$0x10] =	vst v2  }
0x46: {  	[tilespmem:s21+$0x0] =	vst v2  }
0x47: {  	[tilespmem:s21+$0xFFFFFFF0] =	vst v2  }
0x48: {  	s20 =	simm.s32 $0x0;
	[tilespmem:s21+$0xFFFFFFE0] =	vst v2  }
.LBB2_8:
0x49: {  	s20 =	sadd.s32 $0x80, s20;
	[tilespmem:s21+$0xFFFFFFD0] =	vst v2;
	s21 =	sadd.s32 $0x80, s21  }
0x4a: {  	[tilespmem:s21+$0xFFFFFFC0] =	vst v2;
	p0 =	slt.u32 s20, $0x380  }
0x4b: {  	[tilespmem:s21+$0x30] =	vst v2  }
.Ltmp3:
0x4c: {  	[tilespmem:s21+$0x20] =	vst v2;
	(pc) =	sbr.rel @p0 .LBB2_8-.Ltmp3, $4  }
0x4d: {  	[tilespmem:s21+$0x10] =	vst v2  }
0x4e: {  	[tilespmem:s21+$0x0] =	vst v2  }
0x4f: {  	[tilespmem:s21+$0xFFFFFFF0] =	vst v2  }
0x50: {  	[tilespmem:s21+$0xFFFFFFE0] =	vst v2  }
0x51: {  	[tilespmem:s21+$0xFFFFFFD0] =	vst v2  }
0x52: {  	_ =	swait.ge [sflag:s13], $0x6400  }
0x53: {  	[sflag:s13] =	ssyncset.done $0x0  }
0x54: {  	s21 =	simm.s32 $0x16C40;
	[sflag:s13] =	ssyncadd.s32 $0xFFFF9C00  }
0x55: {  	v11 =	vld [tilespmem:s21+$0x30]  }
0x56: {  	v12 =	vld [tilespmem:s21+$0xFFFFFFD0]  }
0x57: {  	v13 =	vld [tilespmem:s21+$0xFFFFFFE0]  }
0x58: {  	v14 =	vld [tilespmem:s21+$0xFFFFFFF0]  }
0x59: {  	v15 =	vld [tilespmem:s21+$0x0]  }
0x5a: {  	s22 =	simm.s32 $0x0;
	v16 =	vld [tilespmem:s21+$0x10];
	v11 =	vshll.u32 v11, $0xA  }
0x5b: {  	v17 =	vld [tilespmem:s21+$0x20];
	v12 =	vshll.u32 v12, $0xA;
	v11 =	vadd.s32 s22, v11  }
0x5c: {  	s20 =	simm.s32 $0x16CC0;
	v18 =	vld [tilespmem:s21+$0xFFFFFFC0];
	v13 =	vshll.u32 v13, $0xA;
	v12 =	vadd.s32 s22, v12;
	v19 =	vor.u32 v9, v11  }
0x5d: {  	v20 =	vld [tilespmem:s20+$0x30];
	v21 =	vor.u32 v3, v12;
	v11 =	vadd.s32 s22, v13;
	v12 =	vshll.u32 v14, $0xA  }
0x5e: {  	v22 =	vld [tilespmem:s20+$0xFFFFFFD0];
	v23 =	vor.u32 v4, v11;
	v11 =	vadd.s32 s22, v12;
	v12 =	vshll.u32 v15, $0xA  }
0x5f: {  	v24 =	vld [tilespmem:s20+$0xFFFFFFE0];
	v14 =	vshll.u32 v16, $0xA;
	v25 =	vor.u32 v5, v11;
	v11 =	vadd.s32 s22, v12  }
0x60: {  	v14 =	vadd.s32 s22, v14;
	v15 =	vshll.u32 v17, $0xA;
	v12 =	vld [tilespmem:s20+$0xFFFFFFF0];
	v13 =	vor.u32 v6, v11  }
0x61: {  	v16 =	vshll.u32 v18, $0xA;
	v14 =	vor.u32 v7, v14;
	v17 =	vadd.s32 s22, v15;
	v11 =	vld [tilespmem:s20+$0x0];
	[tilespmem:v19+s14+$0x0] =	vst.idx.msk $0xffff, v0  }
0x62: {  	s23 =	simm.s32 $0x80;
	v15 =	vld [tilespmem:s20+$0x10];
	v18 =	vor.u32 v8, v17;
	v19 =	vshll.u32 v20, $0xA;
	v20 =	vadd.s32 s22, v16;
	[tilespmem:v21+s14+$0x0] =	vst.idx.msk $0xffff, v0  }
0x63: {  	v21 =	vshll.u32 v22, $0xA;
	v16 =	vld [tilespmem:s20+$0x20];
	v26 =	vadd.s32 s23, v19;
	v17 =	vor.u32 v1, v20;
	[tilespmem:v23+s14+$0x0] =	vst.idx.msk $0xffff, v0  }
0x64: {  	s24 =	simm.s32 $0x8;
	s25 =	simm.s32 $0x1;
	s26 =	simm.s32 $0x16D40;
	v22 =	vshll.u32 v24, $0xA;
	v19 =	vld [tilespmem:s20+$0xFFFFFFC0];
	v21 =	vadd.s32 s23, v21;
	v20 =	vor.u32 v9, v26;
	[tilespmem:v25+s14+$0x0] =	vst.idx.msk $0xffff, v0  }
.LBB2_10:
0x65: {  	v23 =	vld [tilespmem:s26+$0x30];
	s24 =	sadd.s32 $0x8, s24;
	v21 =	vor.u32 v3, v21;
	v22 =	vadd.s32 s23, v22;
	v12 =	vshll.u32 v12, $0xA;
	[tilespmem:v13+s14+$0x0] =	vst.idx.msk $0xffff, v0  }
0x66: {  	v24 =	vld [tilespmem:s26+$0xFFFFFFD0];
	p0 =	slt.u32 s24, $0x38;
	v22 =	vor.u32 v4, v22;
	v12 =	vadd.s32 s23, v12;
	v11 =	vshll.u32 v11, $0xA;
	[tilespmem:v14+s14+$0x0] =	vst.idx.msk $0xffff, v0  }
0x67: {  	v25 =	vld [tilespmem:s26+$0xFFFFFFE0];
	v26 =	vor.u32 v5, v12;
	v11 =	vadd.s32 s23, v11;
	v14 =	vshll.u32 v15, $0xA;
	[tilespmem:v18+s14+$0x0] =	vst.idx.msk $0xffff, v0  }
.Ltmp4:
0x68: {  	v12 =	vld [tilespmem:s26+$0xFFFFFFF0];
	v13 =	vor.u32 v6, v11;
	v14 =	vadd.s32 s23, v14;
	v15 =	vshll.u32 v16, $0xA;
	[tilespmem:v17+s14+$0x0] =	vst.idx.msk $0xffff, v0;
	(pc) =	sbr.rel @p0 .LBB2_10-.Ltmp4, $4  }
0x69: {  	s25 =	sadd.s32 $0x1, s25;
	v11 =	vld [tilespmem:s26+$0x0];
	v16 =	vshll.u32 v19, $0xA;
	v14 =	vor.u32 v7, v14;
	v17 =	vadd.s32 s23, v15;
	[tilespmem:v20+s14+$0x0] =	vst.idx.msk $0xffff, v0  }
0x6a: {  	v15 =	vld [tilespmem:s26+$0x10];
	v19 =	vshll.u32 v23, $0xA;
	v20 =	vadd.s32 s23, v16;
	s23 =	sshll.u32 s25, $0x7;
	[tilespmem:v21+s14+$0x0] =	vst.idx.msk $0xffff, v0;
	v18 =	vor.u32 v8, v17  }
0x6b: {  	v21 =	vshll.u32 v24, $0xA;
	v16 =	vld [tilespmem:s26+$0x20];
	v23 =	vadd.s32 s23, v19;
	v17 =	vor.u32 v1, v20;
	[tilespmem:v22+s14+$0x0] =	vst.idx.msk $0xffff, v0  }
0x6c: {  	v19 =	vld [tilespmem:s26+$0xFFFFFFC0];
	v21 =	vadd.s32 s23, v21;
	v22 =	vshll.u32 v25, $0xA;
	v20 =	vor.u32 v9, v23;
	s26 =	sadd.s32 $0x80, s26;
	[tilespmem:v26+s14+$0x0] =	vst.idx.msk $0xffff, v0  }
0x6d: {  	_ =	sdelay $0x3  }
0x6e: {  	v21 =	vor.u32 v3, v21;
	v22 =	vadd.s32 s23, v22;
	v12 =	vshll.u32 v12, $0xA;
	[tilespmem:v13+s14+$0x0] =	vst.idx.msk $0xffff, v0  }
0x6f: {  	[tilespmem:v14+s14+$0x0] =	vst.idx.msk $0xffff, v0;
	v13 =	vor.u32 v4, v22;
	v12 =	vadd.s32 s23, v12;
	v11 =	vshll.u32 v11, $0xA  }
0x70: {  	[tilespmem:v18+s14+$0x0] =	vst.idx.msk $0xffff, v0;
	v12 =	vor.u32 v5, v12;
	v11 =	vadd.s32 s23, v11;
	v14 =	vshll.u32 v15, $0xA  }
0x71: {  	[tilespmem:v17+s14+$0x0] =	vst.idx.msk $0xffff, v0;
	v11 =	vor.u32 v6, v11;
	v14 =	vadd.s32 s23, v14;
	v15 =	vshll.u32 v16, $0xA  }
0x72: {  	[tilespmem:v20+s14+$0x0] =	vst.idx.msk $0xffff, v0;
	v16 =	vshll.u32 v19, $0xA;
	v14 =	vor.u32 v7, v14;
	v15 =	vadd.s32 s23, v15  }
0x73: {  	v16 =	vadd.s32 s23, v16;
	[tilespmem:v21+s14+$0x0] =	vst.idx.msk $0xffff, v0;
	v15 =	vor.u32 v8, v15  }
0x74: {  	v16 =	vor.u32 v1, v16;
	[tilespmem:v13+s14+$0x0] =	vst.idx.msk $0xffff, v0  }
0x75: {  	[tilespmem:v12+s14+$0x0] =	vst.idx.msk $0xffff, v0  }
0x76: {  	[tilespmem:v11+s14+$0x0] =	vst.idx.msk $0xffff, v0  }
0x77: {  	[tilespmem:v14+s14+$0x0] =	vst.idx.msk $0xffff, v0  }
0x78: {  	[tilespmem:v15+s14+$0x0] =	vst.idx.msk $0xffff, v0  }
0x79: {  	s30 =	simm.s32 $0x40;
	[tilespmem:v16+s14+$0x0] =	vst.idx.msk $0xffff, v0  }
0x7a: {  	v11 =	vld [tilespmem:s30+$0x30]  }
0x7b: {  	v12 =	vld [tilespmem:s30+$0xFFFFFFD0]  }
0x7c: {  	v13 =	vld [tilespmem:s30+$0xFFFFFFE0]  }
0x7d: {  	v14 =	vld [tilespmem:s30+$0xFFFFFFF0]  }
0x7e: {  	v15 =	vld [tilespmem:s30+$0x0]  }
0x7f: {  	v16 =	vld [tilespmem:s30+$0x10]  }
0x80: {  	v18 =	vld [tilespmem:s30+$0x20]  }
0x81: {  	v20 =	vld [tilespmem:s30+$0xFFFFFFC0];
	_ =	sdelay $0x1  }
0x82: {  	v17 =	vmul.f32 $3.100000000e+01, v11;
	v19 =	vmul.f32 $3.100000000e+01, v12  }
0x83: {  	v21 =	vmul.f32 $3.100000000e+01, v13;
	v22 =	vmul.f32 $3.100000000e+01, v14  }
0x84: {  	v23 =	vmul.f32 $3.100000000e+01, v15;
	v24 =	vmul.f32 $3.100000000e+01, v16  }
0x85: {  	v25 =	vmul.f32 $3.100000000e+01, v18;
	v26 =	vmul.f32 $3.100000000e+01, v20  }
0x86: {  	v17 =	vtrunc.f32 v17;
	v19 =	vtrunc.f32 v19  }
0x87: {  	v21 =	vtrunc.f32 v21;
	v22 =	vtrunc.f32 v22  }
0x88: {  	v23 =	vtrunc.f32 v23;
	v17 =	vcvt.f32.s32 v17  }
0x89: {  	v24 =	vtrunc.f32 v24;
	v26 =	vtrunc.f32 v26  }
0x8a: {  	v25 =	vtrunc.f32 v25;
	v19 =	vcvt.f32.s32 v19;
	v17 =	vadd.s32 $0x1, v17  }
0x8b: {  	v26 =	vcvt.f32.s32 v26;
	v21 =	vcvt.f32.s32 v21;
	vm0 =	vgt.s32 v17, $0x1  }
0x8c: {  	v22 =	vcvt.f32.s32 v22;
	v23 =	vcvt.f32.s32 v23;
	v17 =	vnsel vm0, $0x1, v17  }
0x8d: {  	v24 =	vcvt.f32.s32 v24;
	v25 =	vcvt.f32.s32 v25;
	v17 =	vmin.u32 v17, $0x20  }
0x8e: {  	v19 =	vadd.s32 $0x1, v19;
	v26 =	vadd.s32 $0x1, v26;
	v27 =	vadd.s32 $0x1, v17  }
0x8f: {  	v21 =	vadd.s32 $0x1, v21;
	vm1 =	vgt.s32 v19, $0x1;
	vm0 =	vgt.s32 v26, $0x1  }
0x90: {  	v22 =	vadd.s32 $0x1, v22;
	v19 =	vnsel vm1, $0x1, v19;
	v26 =	vnsel vm0, $0x1, v26  }
0x91: {  	vm1 =	vgt.s32 v22, $0x1;
	v29 =	vmin.u32 v19, $0x20;
	v26 =	vmin.u32 v26, $0x20  }
0x92: {  	v19 =	vadd.s32 $0x1, v25;
	v22 =	vnsel vm1, $0x1, v22;
	v25 =	vadd.s32 $0x1, v26;
	v28 =	vld.idx.msk [tilespmem:v17+s11+$0x0], $0xffff  }
0x93: {  	vm0 =	vgt.s32 v21, $0x1;
	v22 =	vmin.u32 v22, $0x20;
	v27 =	vld.idx.msk [tilespmem:v27+s11+$0x0], $0xffff  }
0x94: {  	v23 =	vadd.s32 $0x1, v23;
	v24 =	vadd.s32 $0x1, v24;
	v21 =	vnsel vm0, $0x1, v21  }
0x95: {  	vm1 =	vgt.s32 v24, $0x1;
	vm0 =	vgt.s32 v23, $0x1;
	v21 =	vmin.u32 v21, $0x20  }
0x96: {  	vm2 =	vgt.s32 v19, $0x1;
	v24 =	vnsel vm1, $0x1, v24;
	v31 =	vadd.s32 $0x1, v29;
	v30 =	vld.idx.msk [tilespmem:v26+s11+$0x0], $0xffff  }
0x97: {  	v23 =	vnsel vm0, $0x1, v23;
	v19 =	vnsel vm2, $0x1, v19;
	v32 =	vadd.s32 $0x1, v22;
	v25 =	vld.idx.msk [tilespmem:v25+s11+$0x0], $0xffff  }
0x98: {  	v36 =	vld.idx.msk [tilespmem:v22+s11+$0x0], $0xffff;
	vm0 =	vlt.f32 v11, v28;
	vm1 =	vge.f32 v11, v27;
	v11 =	vadd.s32 $0x1, v21  }
0x99: {  	v35 =	vmin.u32 v24, $0x20;
	v23 =	vmin.u32 v23, $0x20;
	v54 =	vmin.u32 v19, $0x20;
	v27 =	vld.idx.msk [tilespmem:v29+s11+$0x0], $0xffff  }
0x9a: {  	v24 =	vadd.s32 $0x1, v23;
	v33 =	vld.idx.msk [tilespmem:v21+s11+$0x0], $0xffff;
	v28 =	vsel vm0, $0xFFFFFFFF, v2;
	v34 =	vsel vm1, $0x1, v2  }
0x9b: {  	v37 =	vadd.s32 $0x1, v35;
	v31 =	vld.idx.msk [tilespmem:v31+s11+$0x0], $0xffff;
	vm0 =	vlt.f32 v20, v30;
	v28 =	vadd.s32 v28, v34  }
0x9c: {  	v30 =	vld.idx.msk [tilespmem:v32+s11+$0x0], $0xffff;
	vm1 =	vge.f32 v20, v25;
	v19 =	vadd.s32 v17, v28;
	v17 =	vadd.s32 $0x1, v54  }
0x9d: {  	v55 =	vsel vm0, $0xFFFFFFFF, v2;
	v25 =	vsel vm1, $0x1, v2;
	v11 =	vld.idx.msk [tilespmem:v11+s11+$0x0], $0xffff  }
0x9e: {  	v25 =	vadd.s32 v55, v25;
	vm0 =	vlt.f32 v12, v27  }
0x9f: {  	v24 =	vld.idx.msk [tilespmem:v24+s11+$0x0], $0xffff;
	v28 =	vshll.u32 v19, $0xA;
	v27 =	vsel vm0, $0xFFFFFFFF, v2;
	vm0 =	vlt.f32 v13, v33  }
0xa0: {  	v56 =	vld.idx.msk [tilespmem:v37+s11+$0x0], $0xffff;
	v28 =	vadd.s32 s22, v28;
	v20 =	vsel vm0, $0xFFFFFFFF, v2;
	vm0 =	vlt.f32 v14, v36  }
0xa1: {  	vm1 =	vge.f32 v14, v30;
	v17 =	vld.idx.msk [tilespmem:v17+s11+$0x0], $0xffff;
	v36 =	vsel vm0, $0xFFFFFFFF, v2;
	vm0 =	vge.f32 v12, v31  }
0xa2: {  	s31 =	simm.s32 $0xC0;
	v28 =	vor.u32 v9, v28;
	v12 =	vld.idx.msk [tilespmem:v23+s11+$0x0], $0xffff;
	v31 =	vsel vm0, $0x1, v2;
	vm0 =	vge.f32 v13, v11  }
0xa3: {  	v59 =	vld [tilespmem:s31+$0x30];
	v13 =	vadd.s32 v27, v31;
	v27 =	vsel vm1, $0x1, v2;
	v14 =	vsel vm0, $0x1, v2  }
0xa4: {  	v30 =	vld [tilespmem:s31+$0xFFFFFFE0];
	vm0 =	vge.f32 v15, v24;
	v24 =	vadd.s32 v29, v13;
	v14 =	vadd.s32 v20, v14  }
0xa5: {  	v11 =	vld.idx.msk [tilespmem:v35+s11+$0x0], $0xffff;
	v20 =	vadd.s32 v36, v27;
	v58 =	vsel vm0, $0x1, v2;
	vm0 =	vge.f32 v16, v56  }
0xa6: {  	v31 =	vld [tilespmem:s31+$0xFFFFFFD0];
	v27 =	vadd.s32 v26, v25;
	v34 =	vshll.u32 v24, $0xA;
	v25 =	vsel vm0, $0x1, v2  }
0xa7: {  	vm0 =	vge.f32 v18, v17;
	vm1 =	vlt.f32 v15, v12;
	v14 =	vadd.s32 v21, v14  }
0xa8: {  	v57 =	vld.idx.msk [tilespmem:v54+s11+$0x0], $0xffff;
	v15 =	vadd.s32 v22, v20;
	v20 =	vmul.f32 $3.100000000e+01, v59;
	v32 =	vshll.u32 v27, $0xA  }
0xa9: {  	v29 =	vld [tilespmem:s31+$0xFFFFFFF0];
	v22 =	vmul.f32 $3.100000000e+01, v30;
	v34 =	vadd.s32 s22, v34;
	v17 =	vsel vm0, $0x1, v2  }
0xaa: {  	v12 =	vsel vm1, $0xFFFFFFFF, v2;
	v37 =	vshll.u32 v15, $0xA;
	v32 =	vadd.s32 s22, v32  }
0xab: {  	v36 =	vld [tilespmem:s31+$0xFFFFFFC0];
	vm0 =	vlt.f32 v16, v11;
	v11 =	vadd.s32 v12, v58;
	v21 =	vmul.f32 $3.100000000e+01, v31  }
0xac: {  	[tilespmem:v28+s14+$0x0] =	vst.idx.msk $0xffff, v10;
	v20 =	vtrunc.f32 v20;
	v22 =	vtrunc.f32 v22;
	v28 =	vadd.s32 s22, v37  }
0xad: {  	v53 =	vor.u32 v1, v32;
	v12 =	vsel vm0, $0xFFFFFFFF, v2;
	vm0 =	vlt.f32 v18, v57  }
0xae: {  	v13 =	vadd.s32 v23, v11;
	v23 =	vmul.f32 $3.100000000e+01, v29;
	v20 =	vcvt.f32.s32 v20  }
0xaf: {  	v22 =	vcvt.f32.s32 v22;
	v12 =	vadd.s32 v12, v25;
	v16 =	vsel vm0, $0xFFFFFFFF, v2  }
0xb0: {  	v38 =	vshll.u32 v13, $0xA;
	v21 =	vtrunc.f32 v21;
	v41 =	vmul.f32 $3.100000000e+01, v36  }
0xb1: {  	v12 =	vadd.s32 v35, v12;
	v11 =	vadd.s32 v16, v17;
	v35 =	vshll.u32 v14, $0xA  }
0xb2: {  	v18 =	vld [tilespmem:s31+$0x0];
	v20 =	vadd.s32 $0x1, v20;
	v23 =	vtrunc.f32 v23;
	v21 =	vcvt.f32.s32 v21  }
0xb3: {  	v17 =	vld [tilespmem:s31+$0x10];
	v22 =	vadd.s32 $0x1, v22;
	v11 =	vadd.s32 v54, v11;
	v39 =	vshll.u32 v12, $0xA  }
0xb4: {  	v16 =	vld [tilespmem:s31+$0x20];
	vm0 =	vgt.s32 v20, $0x1;
	v23 =	vcvt.f32.s32 v23;
	vm2 =	vgt.s32 v22, $0x1  }
0xb5: {  	v35 =	vadd.s32 s22, v35;
	v54 =	vor.u32 v3, v34;
	v34 =	vor.u32 v5, v28  }
0xb6: {  	v20 =	vnsel vm0, $0x1, v20;
	v43 =	vshll.u32 v11, $0xA;
	v21 =	vadd.s32 $0x1, v21  }
0xb7: {  	v25 =	vmul.f32 $3.100000000e+01, v18;
	v42 =	vmin.u32 v20, $0x20;
	v20 =	vtrunc.f32 v41  }
0xb8: {  	v23 =	vadd.s32 $0x1, v23;
	v20 =	vcvt.f32.s32 v20;
	v26 =	vmul.f32 $3.100000000e+01, v17  }
0xb9: {  	vm1 =	vgt.s32 v21, $0x1;
	v40 =	vmul.f32 $3.100000000e+01, v16;
	v25 =	vtrunc.f32 v25  }
0xba: {  	v60 =	vadd.s32 $0x1, v42;
	vm3 =	vgt.s32 v23, $0x1;
	v25 =	vcvt.f32.s32 v25  }
0xbb: {  	v20 =	vadd.s32 $0x1, v20;
	v26 =	vtrunc.f32 v26;
	v40 =	vtrunc.f32 v40  }
0xbc: {  	vm0 =	vgt.s32 v20, $0x1;
	v26 =	vcvt.f32.s32 v26;
	v25 =	vadd.s32 $0x1, v25  }
0xbd: {  	v40 =	vcvt.f32.s32 v40;
	v20 =	vnsel vm0, $0x1, v20;
	vm0 =	vgt.s32 v25, $0x1  }
0xbe: {  	v45 =	vmin.u32 v20, $0x20;
	v20 =	vnsel vm1, $0x1, v21;
	v21 =	vnsel vm2, $0x1, v22  }
0xbf: {  	v44 =	vld.idx.msk [tilespmem:v42+s11+$0x0], $0xffff;
	v22 =	vnsel vm3, $0x1, v23;
	v26 =	vadd.s32 $0x1, v26;
	v40 =	vadd.s32 $0x1, v40  }
0xc0: {  	v41 =	vld.idx.msk [tilespmem:v60+s11+$0x0], $0xffff;
	v46 =	vnsel vm0, $0x1, v25;
	v25 =	vmin.u32 v21, $0x20;
	v23 =	vmin.u32 v22, $0x20  }
0xc1: {  	v56 =	vadd.s32 $0x1, v45;
	vm4 =	vgt.s32 v26, $0x1;
	vm5 =	vgt.s32 v40, $0x1  }
0xc2: {  	v22 =	vmin.u32 v46, $0x20;
	v47 =	vnsel vm4, $0x1, v26;
	v26 =	vmin.u32 v20, $0x20  }
0xc3: {  	v58 =	vadd.s32 $0x1, v25;
	v48 =	vadd.s32 $0x1, v23;
	v20 =	vnsel vm5, $0x1, v40  }
0xc4: {  	v49 =	vadd.s32 $0x1, v22;
	vm0 =	vlt.f32 v59, v44;
	v57 =	vadd.s32 $0x1, v26;
	v63 =	vld.idx.msk [tilespmem:v45+s11+$0x0], $0xffff  }
0xc5: {  	v21 =	vmin.u32 v47, $0x20;
	v20 =	vmin.u32 v20, $0x20;
	vm1 =	vge.f32 v59, v41;
	v50 =	vld.idx.msk [tilespmem:v25+s11+$0x0], $0xffff  }
0xc6: {  	v61 =	vsel vm0, $0xFFFFFFFF, v2;
	v51 =	vadd.s32 $0x1, v21;
	v62 =	vsel vm1, $0x1, v2;
	v40 =	vld.idx.msk [tilespmem:v56+s11+$0x0], $0xffff  }
0xc7: {  	v52 =	vadd.s32 $0x1, v20;
	v56 =	vor.u32 v4, v35;
	v33 =	vadd.s32 v61, v62;
	v60 =	vld.idx.msk [tilespmem:v26+s11+$0x0], $0xffff  }
0xc8: {  	[tilespmem:v53+s14+$0x0] =	vst.idx.msk $0xffff, v10;
	v41 =	vld.idx.msk [tilespmem:v23+s11+$0x0], $0xffff;
	v61 =	vadd.s32 s22, v38;
	v62 =	vadd.s32 s22, v39;
	v42 =	vadd.s32 v42, v33  }
0xc9: {  	s23 =	simm.s32 $0x80;
	v35 =	vor.u32 v6, v61;
	v33 =	vor.u32 v7, v62;
	v59 =	vshll.u32 v42, $0xA;
	v39 =	vld.idx.msk [tilespmem:v57+s11+$0x0], $0xffff  }
0xca: {  	[tilespmem:v54+s14+$0x0] =	vst.idx.msk $0xffff, v10;
	v55 =	vld.idx.msk [tilespmem:v58+s11+$0x0], $0xffff;
	v46 =	vadd.s32 s23, v59;
	vm0 =	vlt.f32 v36, v63;
	v63 =	vadd.s32 s22, v43  }
0xcb: {  	v57 =	vld.idx.msk [tilespmem:v48+s11+$0x0], $0xffff;
	v46 =	vor.u32 v9, v46;
	v28 =	vsel vm0, $0xFFFFFFFF, v2;
	vm0 =	vlt.f32 v30, v50  }
0xcc: {  	v59 =	vld.idx.msk [tilespmem:v49+s11+$0x0], $0xffff;
	v32 =	vor.u32 v8, v63;
	vm1 =	vlt.f32 v31, v60;
	v60 =	vsel vm0, $0xFFFFFFFF, v2  }
0xcd: {  	[tilespmem:s21+$0x30] =	vst v19;
	v61 =	vld.idx.msk [tilespmem:v51+s11+$0x0], $0xffff;
	vm0 =	vlt.f32 v29, v41;
	v58 =	vsel vm1, $0xFFFFFFFF, v2;
	vm1 =	vge.f32 v36, v40  }
0xce: {  	v62 =	vld.idx.msk [tilespmem:v52+s11+$0x0], $0xffff;
	[tilespmem:v56+s14+$0x0] =	vst.idx.msk $0xffff, v10;
	v19 =	vsel vm0, $0xFFFFFFFF, v2;
	vm0 =	vge.f32 v31, v39;
	v36 =	vsel vm1, $0x1, v2  }
0xcf: {  	v31 =	vld.idx.msk [tilespmem:v22+s11+$0x0], $0xffff;
	v63 =	vsel vm0, $0x1, v2;
	vm0 =	vge.f32 v30, v55;
	v36 =	vadd.s32 v28, v36  }
0xd0: {  	[tilespmem:s21+$0xFFFFFFC0] =	vst v27;
	v28 =	vld.idx.msk [tilespmem:v21+s11+$0x0], $0xffff;
	v27 =	vadd.s32 v58, v63;
	v30 =	vsel vm0, $0x1, v2;
	vm0 =	vge.f32 v29, v57  }
0xd1: {  	[tilespmem:s21+$0xFFFFFFD0] =	vst v24;
	v29 =	vld.idx.msk [tilespmem:v20+s11+$0x0], $0xffff;
	v38 =	vadd.s32 v60, v30;
	v30 =	vsel vm0, $0x1, v2;
	vm0 =	vge.f32 v18, v59  }
0xd2: {  	[tilespmem:v46+s14+$0x0] =	vst.idx.msk $0xffff, v10;
	v30 =	vadd.s32 v19, v30;
	v37 =	vsel vm0, $0x1, v2;
	vm0 =	vge.f32 v17, v61  }
0xd3: {  	s24 =	simm.s32 $0x1;
	s25 =	simm.s32 $0x140;
	s22 =	simm.s32 $0x8;
	[tilespmem:s20+$0x30] =	vst v42;
	v19 =	vadd.s32 v45, v36;
	v36 =	vsel vm0, $0x1, v2;
	vm0 =	vge.f32 v16, v62  }
.LBB2_12:
0xd4: {  	v39 =	vld [tilespmem:s25+$0x30];
	v24 =	vadd.s32 v26, v27;
	vm1 =	vlt.f32 v18, v31;
	v26 =	vsel vm0, $0x1, v2;
	[tilespmem:s21+$0xFFFFFFE0] =	vst v14  }
0xd5: {  	s22 =	sadd.s32 $0x8, s22;
	v14 =	vadd.s32 v25, v38;
	vm0 =	vlt.f32 v17, v28;
	v27 =	vld [tilespmem:s25+$0xFFFFFFD0];
	v18 =	vsel vm1, $0xFFFFFFFF, v2;
	[tilespmem:v34+s14+$0x0] =	vst.idx.msk $0xffff, v10  }
0xd6: {  	p0 =	slt.u32 s22, $0x38;
	v28 =	vld [tilespmem:s25+$0xFFFFFFE0];
	v17 =	vadd.s32 v18, v37;
	v18 =	vsel vm0, $0xFFFFFFFF, v2;
	vm0 =	vlt.f32 v16, v29;
	[tilespmem:s21+$0xFFFFFFF0] =	vst v15  }
0xd7: {  	v15 =	vadd.s32 v23, v30;
	v29 =	vld [tilespmem:s25+$0xFFFFFFF0];
	v16 =	vadd.s32 v18, v36;
	v23 =	vsel vm0, $0xFFFFFFFF, v2;
	[tilespmem:v35+s14+$0x0] =	vst.idx.msk $0xffff, v10  }
0xd8: {  	v18 =	vld [tilespmem:s25+$0x0];
	v21 =	vadd.s32 v21, v16;
	v16 =	vadd.s32 v23, v26;
	[tilespmem:s21+$0x0] =	vst v13;
	v13 =	vadd.s32 v22, v17  }
0xd9: {  	v31 =	vshll.u32 v19, $0xA;
	v17 =	vld [tilespmem:s25+$0x10];
	v22 =	vmul.f32 $3.100000000e+01, v39;
	v20 =	vadd.s32 v20, v16;
	[tilespmem:v33+s14+$0x0] =	vst.idx.msk $0xffff, v10  }
0xda: {  	v34 =	vshll.u32 v14, $0xA;
	v33 =	vshll.u32 v24, $0xA;
	v23 =	vmul.f32 $3.100000000e+01, v27;
	v16 =	vld [tilespmem:s25+$0x20];
	[tilespmem:s21+$0x10] =	vst v12;
	v12 =	vmovc v21  }
0xdb: {  	v35 =	vshll.u32 v15, $0xA;
	v30 =	vld [tilespmem:s25+$0xFFFFFFC0];
	v21 =	vmul.f32 $3.100000000e+01, v28;
	v22 =	vtrunc.f32 v22;
	[tilespmem:v32+s14+$0x0] =	vst.idx.msk $0xffff, v10  }
0xdc: {  	v32 =	vshll.u32 v13, $0xA;
	v25 =	vmul.f32 $3.100000000e+01, v29;
	v22 =	vcvt.f32.s32 v22;
	[tilespmem:s21+$0x20] =	vst v11;
	v11 =	vmovc v20;
	s21 =	smov.u32 s20  }
0xdd: {  	v36 =	vshll.u32 v12, $0xA;
	v20 =	vtrunc.f32 v23;
	v23 =	vmul.f32 $3.100000000e+01, v18  }
0xde: {  	v21 =	vtrunc.f32 v21;
	v26 =	vmul.f32 $3.100000000e+01, v17;
	v22 =	vadd.s32 $0x1, v22  }
0xdf: {  	v25 =	vtrunc.f32 v25;
	v37 =	vmul.f32 $3.100000000e+01, v16;
	vm0 =	vgt.s32 v22, $0x1  }
0xe0: {  	v23 =	vtrunc.f32 v23;
	v38 =	vmul.f32 $3.100000000e+01, v30;
	v22 =	vnsel vm0, $0x1, v22  }
0xe1: {  	v26 =	vtrunc.f32 v26;
	v37 =	vtrunc.f32 v37;
	v40 =	vmin.u32 v22, $0x20  }
0xe2: {  	v20 =	vcvt.f32.s32 v20;
	v22 =	vtrunc.f32 v38;
	v38 =	vadd.s32 $0x1, v40  }
0xe3: {  	v41 =	vshll.u32 v11, $0xA;
	v21 =	vcvt.f32.s32 v21;
	v22 =	vcvt.f32.s32 v22  }
0xe4: {  	v20 =	vadd.s32 $0x1, v20;
	v25 =	vcvt.f32.s32 v25;
	v23 =	vcvt.f32.s32 v23  }
0xe5: {  	v26 =	vcvt.f32.s32 v26;
	v37 =	vcvt.f32.s32 v37;
	v22 =	vadd.s32 $0x1, v22  }
0xe6: {  	v21 =	vadd.s32 $0x1, v21;
	v25 =	vadd.s32 $0x1, v25;
	v23 =	vadd.s32 $0x1, v23;
	v42 =	vld.idx.msk [tilespmem:v40+s11+$0x0], $0xffff  }
0xe7: {  	v26 =	vadd.s32 $0x1, v26;
	v37 =	vadd.s32 $0x1, v37;
	vm0 =	vgt.s32 v22, $0x1;
	v38 =	vld.idx.msk [tilespmem:v38+s11+$0x0], $0xffff  }
0xe8: {  	vm1 =	vgt.s32 v20, $0x1;
	vm2 =	vgt.s32 v21, $0x1;
	vm3 =	vgt.s32 v25, $0x1  }
0xe9: {  	vm4 =	vgt.s32 v23, $0x1;
	vm5 =	vgt.s32 v26, $0x1;
	vm6 =	vgt.s32 v37, $0x1  }
0xea: {  	v20 =	vnsel vm1, $0x1, v20;
	v21 =	vnsel vm2, $0x1, v21;
	v22 =	vnsel vm0, $0x1, v22  }
0xeb: {  	v43 =	vnsel vm3, $0x1, v25;
	v44 =	vnsel vm4, $0x1, v23;
	v45 =	vnsel vm5, $0x1, v26  }
0xec: {  	v26 =	vmin.u32 v20, $0x20;
	v20 =	vnsel vm6, $0x1, v37;
	v46 =	vmin.u32 v22, $0x20  }
0xed: {  	v25 =	vmin.u32 v21, $0x20;
	vm0 =	vlt.f32 v39, v42;
	vm1 =	vge.f32 v39, v38  }
0xee: {  	v23 =	vmin.u32 v43, $0x20;
	v37 =	vsel vm0, $0xFFFFFFFF, v2;
	v38 =	vsel vm1, $0x1, v2  }
0xef: {  	v21 =	vmin.u32 v45, $0x20;
	v22 =	vmin.u32 v44, $0x20;
	v37 =	vadd.s32 v37, v38  }
0xf0: {  	s24 =	sadd.s32 $0x1, s24;
	v20 =	vmin.u32 v20, $0x20;
	v38 =	vadd.s32 $0x1, v46;
	v37 =	vadd.s32 v40, v37  }
0xf1: {  	s26 =	sshll.u32 s24, $0x7;
	v42 =	vadd.s32 $0x1, v25;
	v40 =	vadd.s32 $0x1, v26;
	v43 =	vshll.u32 v37, $0xA;
	v39 =	vld.idx.msk [tilespmem:v46+s11+$0x0], $0xffff  }
0xf2: {  	v45 =	vadd.s32 $0x1, v23;
	v47 =	vadd.s32 $0x1, v22;
	v43 =	vadd.s32 s26, v43;
	v44 =	vld.idx.msk [tilespmem:v26+s11+$0x0], $0xffff  }
0xf3: {  	v49 =	vadd.s32 $0x1, v21;
	v50 =	vadd.s32 $0x1, v20;
	v43 =	vor.u32 v9, v43;
	v48 =	vld.idx.msk [tilespmem:v25+s11+$0x0], $0xffff  }
0xf4: {  	v31 =	vadd.s32 s23, v31;
	v34 =	vadd.s32 s23, v34;
	v33 =	vadd.s32 s23, v33;
	v51 =	vld.idx.msk [tilespmem:v23+s11+$0x0], $0xffff  }
0xf5: {  	v35 =	vadd.s32 s23, v35;
	v32 =	vadd.s32 s23, v32;
	v36 =	vadd.s32 s23, v36;
	v38 =	vld.idx.msk [tilespmem:v38+s11+$0x0], $0xffff  }
0xf6: {  	v52 =	vor.u32 v1, v31;
	v53 =	vor.u32 v3, v33;
	v31 =	vadd.s32 s23, v41;
	s23 =	smov.u32 s26;
	v40 =	vld.idx.msk [tilespmem:v40+s11+$0x0], $0xffff  }
0xf7: {  	v41 =	vor.u32 v4, v34;
	v34 =	vor.u32 v5, v35;
	vm0 =	vlt.f32 v30, v39;
	v39 =	vld.idx.msk [tilespmem:v42+s11+$0x0], $0xffff  }
0xf8: {  	s20 =	sadd.s32 $0x80, s20;
	v42 =	vsel vm0, $0xFFFFFFFF, v2;
	vm0 =	vlt.f32 v27, v44;
	v44 =	vld.idx.msk [tilespmem:v45+s11+$0x0], $0xffff;
	[tilespmem:v43+s14+$0x0] =	vst.idx.msk $0xffff, v10  }
0xf9: {  	v35 =	vor.u32 v6, v32;
	v43 =	vsel vm0, $0xFFFFFFFF, v2;
	vm0 =	vlt.f32 v28, v48;
	v45 =	vld.idx.msk [tilespmem:v47+s11+$0x0], $0xffff;
	[tilespmem:s20+$0x30] =	vst v37  }
0xfa: {  	v33 =	vor.u32 v7, v36;
	v37 =	vsel vm0, $0xFFFFFFFF, v2;
	vm0 =	vlt.f32 v29, v51;
	v47 =	vld.idx.msk [tilespmem:v49+s11+$0x0], $0xffff  }
0xfb: {  	v32 =	vor.u32 v8, v31;
	vm1 =	vge.f32 v30, v38;
	v30 =	vsel vm0, $0xFFFFFFFF, v2;
	v48 =	vld.idx.msk [tilespmem:v50+s11+$0x0], $0xffff  }
0xfc: {  	v36 =	vsel vm1, $0x1, v2;
	vm0 =	vge.f32 v27, v40;
	v31 =	vld.idx.msk [tilespmem:v22+s11+$0x0], $0xffff;
	[tilespmem:v52+s14+$0x0] =	vst.idx.msk $0xffff, v10  }
.Ltmp5:
0xfd: {  	v36 =	vadd.s32 v42, v36;
	v27 =	vsel vm0, $0x1, v2;
	vm0 =	vge.f32 v28, v39;
	v28 =	vld.idx.msk [tilespmem:v21+s11+$0x0], $0xffff;
	[tilespmem:s21+$0xFFFFFFC0] =	vst v19;
	(pc) =	sbr.rel @p0 .LBB2_12-.Ltmp5, $4  }
0xfe: {  	v27 =	vadd.s32 v43, v27;
	v19 =	vsel vm0, $0x1, v2;
	vm0 =	vge.f32 v29, v44;
	v29 =	vld.idx.msk [tilespmem:v20+s11+$0x0], $0xffff  }
0xff: {  	v38 =	vadd.s32 v37, v19;
	v19 =	vsel vm0, $0x1, v2;
	vm0 =	vge.f32 v18, v45;
	[tilespmem:v53+s14+$0x0] =	vst.idx.msk $0xffff, v10  }
0x100: {  	v30 =	vadd.s32 v30, v19;
	v37 =	vsel vm0, $0x1, v2;
	vm0 =	vge.f32 v17, v47;
	[tilespmem:s21+$0xFFFFFFD0] =	vst v24  }
0x101: {  	s25 =	sadd.s32 $0x80, s25;
	v19 =	vadd.s32 v46, v36;
	v36 =	vsel vm0, $0x1, v2;
	vm0 =	vge.f32 v16, v48;
	[tilespmem:v41+s14+$0x0] =	vst.idx.msk $0xffff, v10  }
0x102: {  	_ =	sdelay $0x2  }
0x103: {  	[tilespmem:s21+$0xFFFFFFE0] =	vst v14  }
0x104: {  	[tilespmem:v34+s14+$0x0] =	vst.idx.msk $0xffff, v10  }
0x105: {  	[tilespmem:v35+s14+$0x0] =	vst.idx.msk $0xffff, v10  }
0x106: {  	v14 =	vshll.u32 v19, $0xA;
	[tilespmem:v33+s14+$0x0] =	vst.idx.msk $0xffff, v10  }
0x107: {  	v24 =	vadd.s32 v25, v38;
	vm14 =	vlt.f32 v17, v28;
	[tilespmem:v32+s14+$0x0] =	vst.idx.msk $0xffff, v10;
	v14 =	vadd.s32 s23, v14  }
0x108: {  	[tilespmem:s21+$0xFFFFFFF0] =	vst v15;
	v15 =	vadd.s32 v26, v27;
	v17 =	vshll.u32 v24, $0xA;
	v14 =	vor.u32 v1, v14  }
0x109: {  	vm1 =	vlt.f32 v18, v31;
	[tilespmem:s21+$0x0] =	vst v13;
	v13 =	vshll.u32 v15, $0xA;
	v17 =	vadd.s32 s23, v17  }
0x10a: {  	v23 =	vadd.s32 v23, v30;
	[tilespmem:s21+$0x20] =	vst v11;
	v13 =	vadd.s32 s23, v13;
	v11 =	vor.u32 v4, v17  }
0x10b: {  	v59 =	vsel vm1, $0xFFFFFFFF, v2;
	[tilespmem:s21+$0x10] =	vst v12;
	v61 =	vshll.u32 v23, $0xA;
	v12 =	vor.u32 v3, v13  }
0x10c: {  	vm15 =	vlt.f32 v16, v29;
	v16 =	vadd.s32 s23, v61;
	v13 =	vadd.s32 v59, v37  }
0x10d: {  	v60 =	vsel vm14, $0xFFFFFFFF, v2;
	v16 =	vor.u32 v5, v16;
	v13 =	vadd.s32 v22, v13;
	[tilespmem:v14+s14+$0x0] =	vst.idx.msk $0xffff, v10  }
0x10e: {  	v18 =	vsel vm0, $0x1, v2;
	v17 =	vshll.u32 v13, $0xA;
	v14 =	vadd.s32 v60, v36;
	[tilespmem:s20+$0xFFFFFFC0] =	vst v19  }
0x10f: {  	v17 =	vadd.s32 s23, v17;
	v19 =	vsel vm15, $0xFFFFFFFF, v2;
	v14 =	vadd.s32 v21, v14;
	[tilespmem:v11+s14+$0x0] =	vst.idx.msk $0xffff, v10  }
0x110: {  	v17 =	vor.u32 v6, v17;
	[tilespmem:v12+s14+$0x0] =	vst.idx.msk $0xffff, v10;
	v12 =	vadd.s32 v19, v18;
	v18 =	vshll.u32 v14, $0xA  }
0x111: {  	[tilespmem:s20+$0xFFFFFFD0] =	vst v15;
	v12 =	vadd.s32 v20, v12;
	v15 =	vadd.s32 s23, v18  }
0x112: {  	[tilespmem:v16+s14+$0x0] =	vst.idx.msk $0xffff, v10;
	v11 =	vshll.u32 v12, $0xA;
	v15 =	vor.u32 v7, v15  }
0x113: {  	[tilespmem:s20+$0xFFFFFFE0] =	vst v24;
	v11 =	vadd.s32 s23, v11  }
0x114: {  	[tilespmem:s20+$0xFFFFFFF0] =	vst v23;
	v11 =	vor.u32 v8, v11  }
0x115: {  	[tilespmem:v17+s14+$0x0] =	vst.idx.msk $0xffff, v10  }
0x116: {  	[tilespmem:s20+$0x0] =	vst v13  }
0x117: {  	[tilespmem:v15+s14+$0x0] =	vst.idx.msk $0xffff, v10  }
0x118: {  	[tilespmem:s20+$0x10] =	vst v14  }
0x119: {  	[tilespmem:v11+s14+$0x0] =	vst.idx.msk $0xffff, v10  }
0x11a: {  	s21 =	simm.s32 $0x17040;
	[tilespmem:s20+$0x20] =	vst v12  }
0x11b: {  	[hbm4b:s6+s15] =	stream.strided.scatter [tilespmem:s14], [sflag:$0x1], $0x8400, s16, s15, $0x38;
	[tilespmem:$0x17480] =	vst v63  }
0x11c: {  	v11 =	vld [tilespmem:s21+$0x30]  }
0x11d: {  	v12 =	vld [tilespmem:s21+$0xFFFFFFD0]  }
0x11e: {  	v13 =	vld [tilespmem:s21+$0xFFFFFFE0]  }
0x11f: {  	v14 =	vld [tilespmem:s21+$0xFFFFFFF0]  }
0x120: {  	v15 =	vld [tilespmem:s21+$0x0]  }
0x121: {  	s22 =	simm.s32 $0x0;
	v16 =	vld [tilespmem:s21+$0x10];
	v11 =	vshll.u32 v11, $0xA  }
0x122: {  	v17 =	vld [tilespmem:s21+$0x20];
	v12 =	vshll.u32 v12, $0xA;
	v11 =	vadd.s32 s22, v11  }
0x123: {  	s20 =	simm.s32 $0x170C0;
	v18 =	vld [tilespmem:s21+$0xFFFFFFC0];
	v13 =	vshll.u32 v13, $0xA;
	v12 =	vadd.s32 s22, v12;
	v19 =	vor.u32 v9, v11  }
0x124: {  	v20 =	vld [tilespmem:s20+$0x30];
	v21 =	vor.u32 v3, v12;
	v11 =	vadd.s32 s22, v13;
	v12 =	vshll.u32 v14, $0xA  }
0x125: {  	v22 =	vld [tilespmem:s20+$0xFFFFFFD0];
	v23 =	vor.u32 v4, v11;
	v11 =	vadd.s32 s22, v12;
	v12 =	vshll.u32 v15, $0xA  }
0x126: {  	v24 =	vld [tilespmem:s20+$0xFFFFFFE0];
	v14 =	vshll.u32 v16, $0xA;
	v62 =	vor.u32 v5, v11;
	v11 =	vadd.s32 s22, v12  }
0x127: {  	v14 =	vadd.s32 s22, v14;
	v15 =	vshll.u32 v17, $0xA;
	v12 =	vld [tilespmem:s20+$0xFFFFFFF0];
	v13 =	vor.u32 v6, v11  }
0x128: {  	v16 =	vshll.u32 v18, $0xA;
	v14 =	vor.u32 v7, v14;
	v17 =	vadd.s32 s22, v15;
	v11 =	vld [tilespmem:s20+$0x0];
	[tilespmem:v19+s17+$0x0] =	vst.idx.msk $0xffff, v0  }
0x129: {  	s23 =	simm.s32 $0x80;
	v15 =	vld [tilespmem:s20+$0x10];
	v18 =	vor.u32 v8, v17;
	v19 =	vshll.u32 v20, $0xA;
	v20 =	vadd.s32 s22, v16;
	[tilespmem:v21+s17+$0x0] =	vst.idx.msk $0xffff, v0  }
0x12a: {  	v21 =	vshll.u32 v22, $0xA;
	v16 =	vld [tilespmem:s20+$0x20];
	v63 =	vadd.s32 s23, v19;
	v17 =	vor.u32 v1, v20;
	[tilespmem:v23+s17+$0x0] =	vst.idx.msk $0xffff, v0  }
0x12b: {  	s24 =	simm.s32 $0x8;
	s25 =	simm.s32 $0x1;
	s26 =	simm.s32 $0x17140;
	v22 =	vshll.u32 v24, $0xA;
	v19 =	vld [tilespmem:s20+$0xFFFFFFC0];
	v21 =	vadd.s32 s23, v21;
	v20 =	vor.u32 v9, v63;
	[tilespmem:v62+s17+$0x0] =	vst.idx.msk $0xffff, v0  }
.LBB2_14:
0x12c: {  	v23 =	vld [tilespmem:s26+$0x30];
	s24 =	sadd.s32 $0x8, s24;
	v21 =	vor.u32 v3, v21;
	v22 =	vadd.s32 s23, v22;
	v12 =	vshll.u32 v12, $0xA;
	[tilespmem:v13+s17+$0x0] =	vst.idx.msk $0xffff, v0  }
0x12d: {  	v24 =	vld [tilespmem:s26+$0xFFFFFFD0];
	p0 =	slt.u32 s24, $0x38;
	v22 =	vor.u32 v4, v22;
	v12 =	vadd.s32 s23, v12;
	v11 =	vshll.u32 v11, $0xA;
	[tilespmem:v14+s17+$0x0] =	vst.idx.msk $0xffff, v0  }
0x12e: {  	v25 =	vld [tilespmem:s26+$0xFFFFFFE0];
	v26 =	vor.u32 v5, v12;
	v11 =	vadd.s32 s23, v11;
	v14 =	vshll.u32 v15, $0xA;
	[tilespmem:v18+s17+$0x0] =	vst.idx.msk $0xffff, v0  }
.Ltmp6:
0x12f: {  	v12 =	vld [tilespmem:s26+$0xFFFFFFF0];
	v13 =	vor.u32 v6, v11;
	v14 =	vadd.s32 s23, v14;
	v15 =	vshll.u32 v16, $0xA;
	[tilespmem:v17+s17+$0x0] =	vst.idx.msk $0xffff, v0;
	(pc) =	sbr.rel @p0 .LBB2_14-.Ltmp6, $4  }
0x130: {  	s25 =	sadd.s32 $0x1, s25;
	v11 =	vld [tilespmem:s26+$0x0];
	v16 =	vshll.u32 v19, $0xA;
	v14 =	vor.u32 v7, v14;
	v17 =	vadd.s32 s23, v15;
	[tilespmem:v20+s17+$0x0] =	vst.idx.msk $0xffff, v0  }
0x131: {  	v15 =	vld [tilespmem:s26+$0x10];
	v19 =	vshll.u32 v23, $0xA;
	v20 =	vadd.s32 s23, v16;
	s23 =	sshll.u32 s25, $0x7;
	[tilespmem:v21+s17+$0x0] =	vst.idx.msk $0xffff, v0;
	v18 =	vor.u32 v8, v17  }
0x132: {  	v21 =	vshll.u32 v24, $0xA;
	v16 =	vld [tilespmem:s26+$0x20];
	v23 =	vadd.s32 s23, v19;
	v17 =	vor.u32 v1, v20;
	[tilespmem:v22+s17+$0x0] =	vst.idx.msk $0xffff, v0  }
0x133: {  	v19 =	vld [tilespmem:s26+$0xFFFFFFC0];
	v21 =	vadd.s32 s23, v21;
	v22 =	vshll.u32 v25, $0xA;
	v20 =	vor.u32 v9, v23;
	s26 =	sadd.s32 $0x80, s26;
	[tilespmem:v26+s17+$0x0] =	vst.idx.msk $0xffff, v0  }
0x134: {  	_ =	sdelay $0x3  }
0x135: {  	v21 =	vor.u32 v3, v21;
	v22 =	vadd.s32 s23, v22;
	v12 =	vshll.u32 v12, $0xA;
	[tilespmem:v13+s17+$0x0] =	vst.idx.msk $0xffff, v0  }
0x136: {  	[tilespmem:v14+s17+$0x0] =	vst.idx.msk $0xffff, v0;
	v13 =	vor.u32 v4, v22;
	v12 =	vadd.s32 s23, v12;
	v11 =	vshll.u32 v11, $0xA  }
0x137: {  	[tilespmem:v18+s17+$0x0] =	vst.idx.msk $0xffff, v0;
	v12 =	vor.u32 v5, v12;
	v11 =	vadd.s32 s23, v11;
	v14 =	vshll.u32 v15, $0xA  }
0x138: {  	[tilespmem:v17+s17+$0x0] =	vst.idx.msk $0xffff, v0;
	v11 =	vor.u32 v6, v11;
	v14 =	vadd.s32 s23, v14;
	v15 =	vshll.u32 v16, $0xA  }
0x139: {  	[tilespmem:v20+s17+$0x0] =	vst.idx.msk $0xffff, v0;
	v16 =	vshll.u32 v19, $0xA;
	v14 =	vor.u32 v7, v14;
	v15 =	vadd.s32 s23, v15  }
0x13a: {  	v16 =	vadd.s32 s23, v16;
	[tilespmem:v21+s17+$0x0] =	vst.idx.msk $0xffff, v0;
	v15 =	vor.u32 v8, v15  }
0x13b: {  	v16 =	vor.u32 v1, v16;
	[tilespmem:v13+s17+$0x0] =	vst.idx.msk $0xffff, v0  }
0x13c: {  	[tilespmem:v12+s17+$0x0] =	vst.idx.msk $0xffff, v0  }
0x13d: {  	[tilespmem:v11+s17+$0x0] =	vst.idx.msk $0xffff, v0  }
0x13e: {  	[tilespmem:v14+s17+$0x0] =	vst.idx.msk $0xffff, v0  }
0x13f: {  	[tilespmem:v15+s17+$0x0] =	vst.idx.msk $0xffff, v0  }
0x140: {  	s30 =	simm.s32 $0x470;
	[tilespmem:v16+s17+$0x0] =	vst.idx.msk $0xffff, v0  }
0x141: {  	v11 =	vld [tilespmem:s30+$0x0]  }
0x142: {  	v12 =	vld [tilespmem:s30+$0xFFFFFFA0]  }
0x143: {  	v13 =	vld [tilespmem:s30+$0xFFFFFFB0]  }
0x144: {  	v14 =	vld [tilespmem:s30+$0xFFFFFFC0]  }
0x145: {  	v15 =	vld [tilespmem:s30+$0xFFFFFFD0]  }
0x146: {  	v16 =	vld [tilespmem:s30+$0xFFFFFFE0]  }
0x147: {  	v18 =	vld [tilespmem:s30+$0xFFFFFFF0]  }
0x148: {  	v20 =	vld [tilespmem:s30+$0xFFFFFF90];
	_ =	sdelay $0x1  }
0x149: {  	v17 =	vmul.f32 $3.100000000e+01, v11;
	v19 =	vmul.f32 $3.100000000e+01, v12  }
0x14a: {  	v21 =	vmul.f32 $3.100000000e+01, v13;
	v22 =	vmul.f32 $3.100000000e+01, v14  }
0x14b: {  	v23 =	vmul.f32 $3.100000000e+01, v15;
	v24 =	vmul.f32 $3.100000000e+01, v16  }
0x14c: {  	v25 =	vmul.f32 $3.100000000e+01, v18;
	v26 =	vmul.f32 $3.100000000e+01, v20  }
0x14d: {  	v17 =	vtrunc.f32 v17;
	v19 =	vtrunc.f32 v19  }
0x14e: {  	v21 =	vtrunc.f32 v21;
	v22 =	vtrunc.f32 v22  }
0x14f: {  	v23 =	vtrunc.f32 v23;
	v17 =	vcvt.f32.s32 v17  }
0x150: {  	v24 =	vtrunc.f32 v24;
	v26 =	vtrunc.f32 v26  }
0x151: {  	v25 =	vtrunc.f32 v25;
	v19 =	vcvt.f32.s32 v19;
	v17 =	vadd.s32 $0x1, v17  }
0x152: {  	v26 =	vcvt.f32.s32 v26;
	v21 =	vcvt.f32.s32 v21;
	vm0 =	vgt.s32 v17, $0x1  }
0x153: {  	v22 =	vcvt.f32.s32 v22;
	v23 =	vcvt.f32.s32 v23;
	v17 =	vnsel vm0, $0x1, v17  }
0x154: {  	v24 =	vcvt.f32.s32 v24;
	v25 =	vcvt.f32.s32 v25;
	v17 =	vmin.u32 v17, $0x20  }
0x155: {  	v19 =	vadd.s32 $0x1, v19;
	v26 =	vadd.s32 $0x1, v26;
	v27 =	vadd.s32 $0x1, v17  }
0x156: {  	v21 =	vadd.s32 $0x1, v21;
	vm1 =	vgt.s32 v19, $0x1;
	vm0 =	vgt.s32 v26, $0x1  }
0x157: {  	v22 =	vadd.s32 $0x1, v22;
	v19 =	vnsel vm1, $0x1, v19;
	v26 =	vnsel vm0, $0x1, v26  }
0x158: {  	vm1 =	vgt.s32 v22, $0x1;
	v29 =	vmin.u32 v19, $0x20;
	v26 =	vmin.u32 v26, $0x20  }
0x159: {  	v19 =	vadd.s32 $0x1, v25;
	v22 =	vnsel vm1, $0x1, v22;
	v25 =	vadd.s32 $0x1, v26;
	v28 =	vld.idx.msk [tilespmem:v17+s11+$0x0], $0xffff  }
0x15a: {  	vm0 =	vgt.s32 v21, $0x1;
	v22 =	vmin.u32 v22, $0x20;
	v27 =	vld.idx.msk [tilespmem:v27+s11+$0x0], $0xffff  }
0x15b: {  	v23 =	vadd.s32 $0x1, v23;
	v24 =	vadd.s32 $0x1, v24;
	v21 =	vnsel vm0, $0x1, v21  }
0x15c: {  	vm1 =	vgt.s32 v24, $0x1;
	vm0 =	vgt.s32 v23, $0x1;
	v21 =	vmin.u32 v21, $0x20  }
0x15d: {  	vm2 =	vgt.s32 v19, $0x1;
	v24 =	vnsel vm1, $0x1, v24;
	v31 =	vadd.s32 $0x1, v29;
	v30 =	vld.idx.msk [tilespmem:v26+s11+$0x0], $0xffff  }
0x15e: {  	v23 =	vnsel vm0, $0x1, v23;
	v19 =	vnsel vm2, $0x1, v19;
	v32 =	vadd.s32 $0x1, v22;
	v25 =	vld.idx.msk [tilespmem:v25+s11+$0x0], $0xffff  }
0x15f: {  	v36 =	vld.idx.msk [tilespmem:v22+s11+$0x0], $0xffff;
	vm0 =	vlt.f32 v11, v28;
	vm1 =	vge.f32 v11, v27;
	v11 =	vadd.s32 $0x1, v21  }
0x160: {  	v35 =	vmin.u32 v24, $0x20;
	v23 =	vmin.u32 v23, $0x20;
	v54 =	vmin.u32 v19, $0x20;
	v27 =	vld.idx.msk [tilespmem:v29+s11+$0x0], $0xffff  }
0x161: {  	v24 =	vadd.s32 $0x1, v23;
	v33 =	vld.idx.msk [tilespmem:v21+s11+$0x0], $0xffff;
	v28 =	vsel vm0, $0xFFFFFFFF, v2;
	v34 =	vsel vm1, $0x1, v2  }
0x162: {  	v37 =	vadd.s32 $0x1, v35;
	v31 =	vld.idx.msk [tilespmem:v31+s11+$0x0], $0xffff;
	vm0 =	vlt.f32 v20, v30;
	v28 =	vadd.s32 v28, v34  }
0x163: {  	v30 =	vld.idx.msk [tilespmem:v32+s11+$0x0], $0xffff;
	vm1 =	vge.f32 v20, v25;
	v19 =	vadd.s32 v17, v28;
	v17 =	vadd.s32 $0x1, v54  }
0x164: {  	v55 =	vsel vm0, $0xFFFFFFFF, v2;
	v25 =	vsel vm1, $0x1, v2;
	v11 =	vld.idx.msk [tilespmem:v11+s11+$0x0], $0xffff  }
0x165: {  	v25 =	vadd.s32 v55, v25;
	vm0 =	vlt.f32 v12, v27  }
0x166: {  	v24 =	vld.idx.msk [tilespmem:v24+s11+$0x0], $0xffff;
	v28 =	vshll.u32 v19, $0xA;
	v27 =	vsel vm0, $0xFFFFFFFF, v2;
	vm0 =	vlt.f32 v13, v33  }
0x167: {  	v56 =	vld.idx.msk [tilespmem:v37+s11+$0x0], $0xffff;
	v28 =	vadd.s32 s22, v28;
	v20 =	vsel vm0, $0xFFFFFFFF, v2;
	vm0 =	vlt.f32 v14, v36  }
0x168: {  	vm1 =	vge.f32 v14, v30;
	v17 =	vld.idx.msk [tilespmem:v17+s11+$0x0], $0xffff;
	v36 =	vsel vm0, $0xFFFFFFFF, v2;
	vm0 =	vge.f32 v12, v31  }
0x169: {  	s31 =	simm.s32 $0x4F0;
	v28 =	vor.u32 v9, v28;
	v12 =	vld.idx.msk [tilespmem:v23+s11+$0x0], $0xffff;
	v31 =	vsel vm0, $0x1, v2;
	vm0 =	vge.f32 v13, v11  }
0x16a: {  	v59 =	vld [tilespmem:s31+$0x0];
	v13 =	vadd.s32 v27, v31;
	v27 =	vsel vm1, $0x1, v2;
	v14 =	vsel vm0, $0x1, v2  }
0x16b: {  	v30 =	vld [tilespmem:s31+$0xFFFFFFB0];
	vm0 =	vge.f32 v15, v24;
	v24 =	vadd.s32 v29, v13;
	v14 =	vadd.s32 v20, v14  }
0x16c: {  	v11 =	vld.idx.msk [tilespmem:v35+s11+$0x0], $0xffff;
	v20 =	vadd.s32 v36, v27;
	v58 =	vsel vm0, $0x1, v2;
	vm0 =	vge.f32 v16, v56  }
0x16d: {  	v31 =	vld [tilespmem:s31+$0xFFFFFFA0];
	v27 =	vadd.s32 v26, v25;
	v34 =	vshll.u32 v24, $0xA;
	v25 =	vsel vm0, $0x1, v2  }
0x16e: {  	vm0 =	vge.f32 v18, v17;
	vm1 =	vlt.f32 v15, v12;
	v14 =	vadd.s32 v21, v14  }
0x16f: {  	v57 =	vld.idx.msk [tilespmem:v54+s11+$0x0], $0xffff;
	v15 =	vadd.s32 v22, v20;
	v20 =	vmul.f32 $3.100000000e+01, v59;
	v32 =	vshll.u32 v27, $0xA  }
0x170: {  	v29 =	vld [tilespmem:s31+$0xFFFFFFC0];
	v22 =	vmul.f32 $3.100000000e+01, v30;
	v34 =	vadd.s32 s22, v34;
	v17 =	vsel vm0, $0x1, v2  }
0x171: {  	v12 =	vsel vm1, $0xFFFFFFFF, v2;
	v37 =	vshll.u32 v15, $0xA;
	v32 =	vadd.s32 s22, v32  }
0x172: {  	v36 =	vld [tilespmem:s31+$0xFFFFFF90];
	vm0 =	vlt.f32 v16, v11;
	v11 =	vadd.s32 v12, v58;
	v21 =	vmul.f32 $3.100000000e+01, v31  }
0x173: {  	[tilespmem:v28+s17+$0x0] =	vst.idx.msk $0xffff, v10;
	v20 =	vtrunc.f32 v20;
	v22 =	vtrunc.f32 v22;
	v28 =	vadd.s32 s22, v37  }
0x174: {  	v53 =	vor.u32 v1, v32;
	v12 =	vsel vm0, $0xFFFFFFFF, v2;
	vm0 =	vlt.f32 v18, v57  }
0x175: {  	v13 =	vadd.s32 v23, v11;
	v23 =	vmul.f32 $3.100000000e+01, v29;
	v20 =	vcvt.f32.s32 v20  }
0x176: {  	v22 =	vcvt.f32.s32 v22;
	v12 =	vadd.s32 v12, v25;
	v16 =	vsel vm0, $0xFFFFFFFF, v2  }
0x177: {  	v38 =	vshll.u32 v13, $0xA;
	v21 =	vtrunc.f32 v21;
	v41 =	vmul.f32 $3.100000000e+01, v36  }
0x178: {  	v12 =	vadd.s32 v35, v12;
	v11 =	vadd.s32 v16, v17;
	v35 =	vshll.u32 v14, $0xA  }
0x179: {  	v18 =	vld [tilespmem:s31+$0xFFFFFFD0];
	v20 =	vadd.s32 $0x1, v20;
	v23 =	vtrunc.f32 v23;
	v21 =	vcvt.f32.s32 v21  }
0x17a: {  	v17 =	vld [tilespmem:s31+$0xFFFFFFE0];
	v22 =	vadd.s32 $0x1, v22;
	v11 =	vadd.s32 v54, v11;
	v39 =	vshll.u32 v12, $0xA  }
0x17b: {  	v16 =	vld [tilespmem:s31+$0xFFFFFFF0];
	vm0 =	vgt.s32 v20, $0x1;
	v23 =	vcvt.f32.s32 v23;
	vm2 =	vgt.s32 v22, $0x1  }
0x17c: {  	v35 =	vadd.s32 s22, v35;
	v54 =	vor.u32 v3, v34;
	v34 =	vor.u32 v5, v28  }
0x17d: {  	v20 =	vnsel vm0, $0x1, v20;
	v43 =	vshll.u32 v11, $0xA;
	v21 =	vadd.s32 $0x1, v21  }
0x17e: {  	v25 =	vmul.f32 $3.100000000e+01, v18;
	v42 =	vmin.u32 v20, $0x20;
	v20 =	vtrunc.f32 v41  }
0x17f: {  	v23 =	vadd.s32 $0x1, v23;
	v20 =	vcvt.f32.s32 v20;
	v26 =	vmul.f32 $3.100000000e+01, v17  }
0x180: {  	vm1 =	vgt.s32 v21, $0x1;
	v40 =	vmul.f32 $3.100000000e+01, v16;
	v25 =	vtrunc.f32 v25  }
0x181: {  	v60 =	vadd.s32 $0x1, v42;
	vm3 =	vgt.s32 v23, $0x1;
	v25 =	vcvt.f32.s32 v25  }
0x182: {  	v20 =	vadd.s32 $0x1, v20;
	v26 =	vtrunc.f32 v26;
	v40 =	vtrunc.f32 v40  }
0x183: {  	vm0 =	vgt.s32 v20, $0x1;
	v26 =	vcvt.f32.s32 v26;
	v25 =	vadd.s32 $0x1, v25  }
0x184: {  	v40 =	vcvt.f32.s32 v40;
	v20 =	vnsel vm0, $0x1, v20;
	vm0 =	vgt.s32 v25, $0x1  }
0x185: {  	v45 =	vmin.u32 v20, $0x20;
	v20 =	vnsel vm1, $0x1, v21;
	v21 =	vnsel vm2, $0x1, v22  }
0x186: {  	v44 =	vld.idx.msk [tilespmem:v42+s11+$0x0], $0xffff;
	v22 =	vnsel vm3, $0x1, v23;
	v26 =	vadd.s32 $0x1, v26;
	v40 =	vadd.s32 $0x1, v40  }
0x187: {  	v41 =	vld.idx.msk [tilespmem:v60+s11+$0x0], $0xffff;
	v46 =	vnsel vm0, $0x1, v25;
	v25 =	vmin.u32 v21, $0x20;
	v23 =	vmin.u32 v22, $0x20  }
0x188: {  	v56 =	vadd.s32 $0x1, v45;
	vm4 =	vgt.s32 v26, $0x1;
	vm5 =	vgt.s32 v40, $0x1  }
0x189: {  	v22 =	vmin.u32 v46, $0x20;
	v47 =	vnsel vm4, $0x1, v26;
	v26 =	vmin.u32 v20, $0x20  }
0x18a: {  	v58 =	vadd.s32 $0x1, v25;
	v48 =	vadd.s32 $0x1, v23;
	v20 =	vnsel vm5, $0x1, v40  }
0x18b: {  	v49 =	vadd.s32 $0x1, v22;
	vm0 =	vlt.f32 v59, v44;
	v57 =	vadd.s32 $0x1, v26;
	v63 =	vld.idx.msk [tilespmem:v45+s11+$0x0], $0xffff  }
0x18c: {  	v21 =	vmin.u32 v47, $0x20;
	v20 =	vmin.u32 v20, $0x20;
	vm1 =	vge.f32 v59, v41;
	v50 =	vld.idx.msk [tilespmem:v25+s11+$0x0], $0xffff  }
0x18d: {  	v61 =	vsel vm0, $0xFFFFFFFF, v2;
	v51 =	vadd.s32 $0x1, v21;
	v62 =	vsel vm1, $0x1, v2;
	v40 =	vld.idx.msk [tilespmem:v56+s11+$0x0], $0xffff  }
0x18e: {  	v52 =	vadd.s32 $0x1, v20;
	v56 =	vor.u32 v4, v35;
	v33 =	vadd.s32 v61, v62;
	v60 =	vld.idx.msk [tilespmem:v26+s11+$0x0], $0xffff  }
0x18f: {  	[tilespmem:v53+s17+$0x0] =	vst.idx.msk $0xffff, v10;
	v41 =	vld.idx.msk [tilespmem:v23+s11+$0x0], $0xffff;
	v61 =	vadd.s32 s22, v38;
	v62 =	vadd.s32 s22, v39;
	v42 =	vadd.s32 v42, v33  }
0x190: {  	s23 =	simm.s32 $0x80;
	v35 =	vor.u32 v6, v61;
	v33 =	vor.u32 v7, v62;
	v59 =	vshll.u32 v42, $0xA;
	v39 =	vld.idx.msk [tilespmem:v57+s11+$0x0], $0xffff  }
0x191: {  	[tilespmem:v54+s17+$0x0] =	vst.idx.msk $0xffff, v10;
	v55 =	vld.idx.msk [tilespmem:v58+s11+$0x0], $0xffff;
	v46 =	vadd.s32 s23, v59;
	vm0 =	vlt.f32 v36, v63;
	v63 =	vadd.s32 s22, v43  }
0x192: {  	v57 =	vld.idx.msk [tilespmem:v48+s11+$0x0], $0xffff;
	v46 =	vor.u32 v9, v46;
	v28 =	vsel vm0, $0xFFFFFFFF, v2;
	vm0 =	vlt.f32 v30, v50  }
0x193: {  	v59 =	vld.idx.msk [tilespmem:v49+s11+$0x0], $0xffff;
	v32 =	vor.u32 v8, v63;
	vm1 =	vlt.f32 v31, v60;
	v60 =	vsel vm0, $0xFFFFFFFF, v2  }
0x194: {  	[tilespmem:s21+$0x30] =	vst v19;
	v61 =	vld.idx.msk [tilespmem:v51+s11+$0x0], $0xffff;
	vm0 =	vlt.f32 v29, v41;
	v58 =	vsel vm1, $0xFFFFFFFF, v2;
	vm1 =	vge.f32 v36, v40  }
0x195: {  	v62 =	vld.idx.msk [tilespmem:v52+s11+$0x0], $0xffff;
	[tilespmem:v56+s17+$0x0] =	vst.idx.msk $0xffff, v10;
	v19 =	vsel vm0, $0xFFFFFFFF, v2;
	vm0 =	vge.f32 v31, v39;
	v36 =	vsel vm1, $0x1, v2  }
0x196: {  	v31 =	vld.idx.msk [tilespmem:v22+s11+$0x0], $0xffff;
	v63 =	vsel vm0, $0x1, v2;
	vm0 =	vge.f32 v30, v55;
	v36 =	vadd.s32 v28, v36  }
0x197: {  	[tilespmem:s21+$0xFFFFFFC0] =	vst v27;
	v28 =	vld.idx.msk [tilespmem:v21+s11+$0x0], $0xffff;
	v27 =	vadd.s32 v58, v63;
	v30 =	vsel vm0, $0x1, v2;
	vm0 =	vge.f32 v29, v57  }
0x198: {  	[tilespmem:s21+$0xFFFFFFD0] =	vst v24;
	v29 =	vld.idx.msk [tilespmem:v20+s11+$0x0], $0xffff;
	v38 =	vadd.s32 v60, v30;
	v30 =	vsel vm0, $0x1, v2;
	vm0 =	vge.f32 v18, v59  }
0x199: {  	[tilespmem:v46+s17+$0x0] =	vst.idx.msk $0xffff, v10;
	v30 =	vadd.s32 v19, v30;
	v37 =	vsel vm0, $0x1, v2;
	vm0 =	vge.f32 v17, v61  }
0x19a: {  	s24 =	simm.s32 $0x1;
	s25 =	simm.s32 $0x570;
	s22 =	simm.s32 $0x8;
	[tilespmem:s20+$0x30] =	vst v42;
	v19 =	vadd.s32 v45, v36;
	v36 =	vsel vm0, $0x1, v2;
	vm0 =	vge.f32 v16, v62  }
.LBB2_16:
0x19b: {  	v39 =	vld [tilespmem:s25+$0x0];
	v24 =	vadd.s32 v26, v27;
	vm1 =	vlt.f32 v18, v31;
	v26 =	vsel vm0, $0x1, v2;
	[tilespmem:s21+$0xFFFFFFE0] =	vst v14  }
0x19c: {  	s22 =	sadd.s32 $0x8, s22;
	v14 =	vadd.s32 v25, v38;
	vm0 =	vlt.f32 v17, v28;
	v27 =	vld [tilespmem:s25+$0xFFFFFFA0];
	v18 =	vsel vm1, $0xFFFFFFFF, v2;
	[tilespmem:v34+s17+$0x0] =	vst.idx.msk $0xffff, v10  }
0x19d: {  	p0 =	slt.u32 s22, $0x38;
	v28 =	vld [tilespmem:s25+$0xFFFFFFB0];
	v17 =	vadd.s32 v18, v37;
	v18 =	vsel vm0, $0xFFFFFFFF, v2;
	vm0 =	vlt.f32 v16, v29;
	[tilespmem:s21+$0xFFFFFFF0] =	vst v15  }
0x19e: {  	v15 =	vadd.s32 v23, v30;
	v29 =	vld [tilespmem:s25+$0xFFFFFFC0];
	v16 =	vadd.s32 v18, v36;
	v23 =	vsel vm0, $0xFFFFFFFF, v2;
	[tilespmem:v35+s17+$0x0] =	vst.idx.msk $0xffff, v10  }
0x19f: {  	v18 =	vld [tilespmem:s25+$0xFFFFFFD0];
	v21 =	vadd.s32 v21, v16;
	v16 =	vadd.s32 v23, v26;
	[tilespmem:s21+$0x0] =	vst v13;
	v13 =	vadd.s32 v22, v17  }
0x1a0: {  	v31 =	vshll.u32 v19, $0xA;
	v17 =	vld [tilespmem:s25+$0xFFFFFFE0];
	v22 =	vmul.f32 $3.100000000e+01, v39;
	v20 =	vadd.s32 v20, v16;
	[tilespmem:v33+s17+$0x0] =	vst.idx.msk $0xffff, v10  }
0x1a1: {  	v34 =	vshll.u32 v14, $0xA;
	v33 =	vshll.u32 v24, $0xA;
	v23 =	vmul.f32 $3.100000000e+01, v27;
	v16 =	vld [tilespmem:s25+$0xFFFFFFF0];
	[tilespmem:s21+$0x10] =	vst v12;
	v12 =	vmovc v21  }
0x1a2: {  	v35 =	vshll.u32 v15, $0xA;
	v30 =	vld [tilespmem:s25+$0xFFFFFF90];
	v21 =	vmul.f32 $3.100000000e+01, v28;
	v22 =	vtrunc.f32 v22;
	[tilespmem:v32+s17+$0x0] =	vst.idx.msk $0xffff, v10  }
0x1a3: {  	v32 =	vshll.u32 v13, $0xA;
	v25 =	vmul.f32 $3.100000000e+01, v29;
	v22 =	vcvt.f32.s32 v22;
	[tilespmem:s21+$0x20] =	vst v11;
	v11 =	vmovc v20;
	s21 =	smov.u32 s20  }
0x1a4: {  	v36 =	vshll.u32 v12, $0xA;
	v20 =	vtrunc.f32 v23;
	v23 =	vmul.f32 $3.100000000e+01, v18  }
0x1a5: {  	v21 =	vtrunc.f32 v21;
	v26 =	vmul.f32 $3.100000000e+01, v17;
	v22 =	vadd.s32 $0x1, v22  }
0x1a6: {  	v25 =	vtrunc.f32 v25;
	v37 =	vmul.f32 $3.100000000e+01, v16;
	vm0 =	vgt.s32 v22, $0x1  }
0x1a7: {  	v23 =	vtrunc.f32 v23;
	v38 =	vmul.f32 $3.100000000e+01, v30;
	v22 =	vnsel vm0, $0x1, v22  }
0x1a8: {  	v26 =	vtrunc.f32 v26;
	v37 =	vtrunc.f32 v37;
	v40 =	vmin.u32 v22, $0x20  }
0x1a9: {  	v20 =	vcvt.f32.s32 v20;
	v22 =	vtrunc.f32 v38;
	v38 =	vadd.s32 $0x1, v40  }
0x1aa: {  	v41 =	vshll.u32 v11, $0xA;
	v21 =	vcvt.f32.s32 v21;
	v22 =	vcvt.f32.s32 v22  }
0x1ab: {  	v20 =	vadd.s32 $0x1, v20;
	v25 =	vcvt.f32.s32 v25;
	v23 =	vcvt.f32.s32 v23  }
0x1ac: {  	v26 =	vcvt.f32.s32 v26;
	v37 =	vcvt.f32.s32 v37;
	v22 =	vadd.s32 $0x1, v22  }
0x1ad: {  	v21 =	vadd.s32 $0x1, v21;
	v25 =	vadd.s32 $0x1, v25;
	v23 =	vadd.s32 $0x1, v23;
	v42 =	vld.idx.msk [tilespmem:v40+s11+$0x0], $0xffff  }
0x1ae: {  	v26 =	vadd.s32 $0x1, v26;
	v37 =	vadd.s32 $0x1, v37;
	vm0 =	vgt.s32 v22, $0x1;
	v38 =	vld.idx.msk [tilespmem:v38+s11+$0x0], $0xffff  }
0x1af: {  	vm1 =	vgt.s32 v20, $0x1;
	vm2 =	vgt.s32 v21, $0x1;
	vm3 =	vgt.s32 v25, $0x1  }
0x1b0: {  	vm4 =	vgt.s32 v23, $0x1;
	vm5 =	vgt.s32 v26, $0x1;
	vm6 =	vgt.s32 v37, $0x1  }
0x1b1: {  	v20 =	vnsel vm1, $0x1, v20;
	v21 =	vnsel vm2, $0x1, v21;
	v22 =	vnsel vm0, $0x1, v22  }
0x1b2: {  	v43 =	vnsel vm3, $0x1, v25;
	v44 =	vnsel vm4, $0x1, v23;
	v45 =	vnsel vm5, $0x1, v26  }
0x1b3: {  	v26 =	vmin.u32 v20, $0x20;
	v20 =	vnsel vm6, $0x1, v37;
	v46 =	vmin.u32 v22, $0x20  }
0x1b4: {  	v25 =	vmin.u32 v21, $0x20;
	vm0 =	vlt.f32 v39, v42;
	vm1 =	vge.f32 v39, v38  }
0x1b5: {  	v23 =	vmin.u32 v43, $0x20;
	v37 =	vsel vm0, $0xFFFFFFFF, v2;
	v38 =	vsel vm1, $0x1, v2  }
0x1b6: {  	v21 =	vmin.u32 v45, $0x20;
	v22 =	vmin.u32 v44, $0x20;
	v37 =	vadd.s32 v37, v38  }
0x1b7: {  	s24 =	sadd.s32 $0x1, s24;
	v20 =	vmin.u32 v20, $0x20;
	v38 =	vadd.s32 $0x1, v46;
	v37 =	vadd.s32 v40, v37  }
0x1b8: {  	s26 =	sshll.u32 s24, $0x7;
	v42 =	vadd.s32 $0x1, v25;
	v40 =	vadd.s32 $0x1, v26;
	v43 =	vshll.u32 v37, $0xA;
	v39 =	vld.idx.msk [tilespmem:v46+s11+$0x0], $0xffff  }
0x1b9: {  	v45 =	vadd.s32 $0x1, v23;
	v47 =	vadd.s32 $0x1, v22;
	v43 =	vadd.s32 s26, v43;
	v44 =	vld.idx.msk [tilespmem:v26+s11+$0x0], $0xffff  }
0x1ba: {  	v49 =	vadd.s32 $0x1, v21;
	v50 =	vadd.s32 $0x1, v20;
	v43 =	vor.u32 v9, v43;
	v48 =	vld.idx.msk [tilespmem:v25+s11+$0x0], $0xffff  }
0x1bb: {  	v31 =	vadd.s32 s23, v31;
	v34 =	vadd.s32 s23, v34;
	v33 =	vadd.s32 s23, v33;
	v51 =	vld.idx.msk [tilespmem:v23+s11+$0x0], $0xffff  }
0x1bc: {  	v35 =	vadd.s32 s23, v35;
	v32 =	vadd.s32 s23, v32;
	v36 =	vadd.s32 s23, v36;
	v38 =	vld.idx.msk [tilespmem:v38+s11+$0x0], $0xffff  }
0x1bd: {  	v52 =	vor.u32 v1, v31;
	v53 =	vor.u32 v3, v33;
	v31 =	vadd.s32 s23, v41;
	s23 =	smov.u32 s26;
	v40 =	vld.idx.msk [tilespmem:v40+s11+$0x0], $0xffff  }
0x1be: {  	v41 =	vor.u32 v4, v34;
	v34 =	vor.u32 v5, v35;
	vm0 =	vlt.f32 v30, v39;
	v39 =	vld.idx.msk [tilespmem:v42+s11+$0x0], $0xffff  }
0x1bf: {  	s20 =	sadd.s32 $0x80, s20;
	v42 =	vsel vm0, $0xFFFFFFFF, v2;
	vm0 =	vlt.f32 v27, v44;
	v44 =	vld.idx.msk [tilespmem:v45+s11+$0x0], $0xffff;
	[tilespmem:v43+s17+$0x0] =	vst.idx.msk $0xffff, v10  }
0x1c0: {  	v35 =	vor.u32 v6, v32;
	v43 =	vsel vm0, $0xFFFFFFFF, v2;
	vm0 =	vlt.f32 v28, v48;
	v45 =	vld.idx.msk [tilespmem:v47+s11+$0x0], $0xffff;
	[tilespmem:s20+$0x30] =	vst v37  }
0x1c1: {  	v33 =	vor.u32 v7, v36;
	v37 =	vsel vm0, $0xFFFFFFFF, v2;
	vm0 =	vlt.f32 v29, v51;
	v47 =	vld.idx.msk [tilespmem:v49+s11+$0x0], $0xffff  }
0x1c2: {  	v32 =	vor.u32 v8, v31;
	vm1 =	vge.f32 v30, v38;
	v30 =	vsel vm0, $0xFFFFFFFF, v2;
	v48 =	vld.idx.msk [tilespmem:v50+s11+$0x0], $0xffff  }
0x1c3: {  	v36 =	vsel vm1, $0x1, v2;
	vm0 =	vge.f32 v27, v40;
	v31 =	vld.idx.msk [tilespmem:v22+s11+$0x0], $0xffff;
	[tilespmem:v52+s17+$0x0] =	vst.idx.msk $0xffff, v10  }
.Ltmp7:
0x1c4: {  	v36 =	vadd.s32 v42, v36;
	v27 =	vsel vm0, $0x1, v2;
	vm0 =	vge.f32 v28, v39;
	v28 =	vld.idx.msk [tilespmem:v21+s11+$0x0], $0xffff;
	[tilespmem:s21+$0xFFFFFFC0] =	vst v19;
	(pc) =	sbr.rel @p0 .LBB2_16-.Ltmp7, $4  }
0x1c5: {  	v27 =	vadd.s32 v43, v27;
	v19 =	vsel vm0, $0x1, v2;
	vm0 =	vge.f32 v29, v44;
	v29 =	vld.idx.msk [tilespmem:v20+s11+$0x0], $0xffff  }
0x1c6: {  	v38 =	vadd.s32 v37, v19;
	v19 =	vsel vm0, $0x1, v2;
	vm0 =	vge.f32 v18, v45;
	[tilespmem:v53+s17+$0x0] =	vst.idx.msk $0xffff, v10  }
0x1c7: {  	v30 =	vadd.s32 v30, v19;
	v37 =	vsel vm0, $0x1, v2;
	vm0 =	vge.f32 v17, v47;
	[tilespmem:s21+$0xFFFFFFD0] =	vst v24  }
0x1c8: {  	s25 =	sadd.s32 $0x80, s25;
	v19 =	vadd.s32 v46, v36;
	v36 =	vsel vm0, $0x1, v2;
	vm0 =	vge.f32 v16, v48;
	[tilespmem:v41+s17+$0x0] =	vst.idx.msk $0xffff, v10  }
0x1c9: {  	_ =	sdelay $0x2  }
0x1ca: {  	[tilespmem:s21+$0xFFFFFFE0] =	vst v14  }
0x1cb: {  	[tilespmem:v34+s17+$0x0] =	vst.idx.msk $0xffff, v10  }
0x1cc: {  	v47 =	vshll.u32 v19, $0xA;
	v48 =	vadd.s32 v26, v27;
	[tilespmem:v35+s17+$0x0] =	vst.idx.msk $0xffff, v10  }
0x1cd: {  	vm1 =	vlt.f32 v18, v31;
	v24 =	vadd.s32 v25, v38;
	[tilespmem:v33+s17+$0x0] =	vst.idx.msk $0xffff, v10;
	v14 =	vadd.s32 s23, v47  }
0x1ce: {  	vm14 =	vlt.f32 v17, v28;
	[tilespmem:v32+s17+$0x0] =	vst.idx.msk $0xffff, v10;
	v50 =	vshll.u32 v48, $0xA;
	v14 =	vor.u32 v1, v14  }
0x1cf: {  	v23 =	vadd.s32 v23, v30;
	[tilespmem:s21+$0x0] =	vst v13;
	v52 =	vshll.u32 v24, $0xA;
	v13 =	vadd.s32 s23, v50  }
0x1d0: {  	[tilespmem:s21+$0xFFFFFFF0] =	vst v15;
	v56 =	vshll.u32 v23, $0xA;
	v17 =	vadd.s32 s23, v52;
	v53 =	vor.u32 v3, v13  }
0x1d1: {  	v51 =	vsel vm1, $0xFFFFFFFF, v2;
	[tilespmem:s21+$0x20] =	vst v11;
	v57 =	vadd.s32 s23, v56;
	v11 =	vor.u32 v4, v17  }
0x1d2: {  	[tilespmem:s21+$0x10] =	vst v12;
	vm15 =	vlt.f32 v16, v29;
	v54 =	vadd.s32 v51, v37;
	v16 =	vor.u32 v5, v57  }
0x1d3: {  	v49 =	vsel vm0, $0x1, v2;
	v55 =	vsel vm14, $0xFFFFFFFF, v2;
	v13 =	vadd.s32 v22, v54;
	[tilespmem:v14+s17+$0x0] =	vst.idx.msk $0xffff, v10  }
0x1d4: {  	v58 =	vadd.s32 v55, v36;
	v60 =	vsel vm15, $0xFFFFFFFF, v2;
	v59 =	vshll.u32 v13, $0xA;
	[tilespmem:s20+$0xFFFFFFC0] =	vst v19  }
0x1d5: {  	v61 =	vadd.s32 v60, v49;
	v17 =	vadd.s32 s23, v59;
	v14 =	vadd.s32 v21, v58;
	[tilespmem:v53+s17+$0x0] =	vst.idx.msk $0xffff, v10  }
0x1d6: {  	v12 =	vadd.s32 v20, v61;
	v17 =	vor.u32 v6, v17;
	v62 =	vshll.u32 v14, $0xA;
	[tilespmem:v11+s17+$0x0] =	vst.idx.msk $0xffff, v10  }
0x1d7: {  	v11 =	vshll.u32 v12, $0xA;
	[tilespmem:v16+s17+$0x0] =	vst.idx.msk $0xffff, v10;
	v63 =	vadd.s32 s23, v62  }
0x1d8: {  	[tilespmem:s20+$0xFFFFFFD0] =	vst v48;
	v11 =	vadd.s32 s23, v11;
	v15 =	vor.u32 v7, v63  }
0x1d9: {  	[tilespmem:s20+$0xFFFFFFE0] =	vst v24;
	v11 =	vor.u32 v8, v11  }
0x1da: {  	[tilespmem:s20+$0xFFFFFFF0] =	vst v23  }
0x1db: {  	[tilespmem:v17+s17+$0x0] =	vst.idx.msk $0xffff, v10  }
0x1dc: {  	[tilespmem:s20+$0x0] =	vst v13  }
0x1dd: {  	[tilespmem:v15+s17+$0x0] =	vst.idx.msk $0xffff, v10  }
0x1de: {  	[tilespmem:v11+s17+$0x0] =	vst.idx.msk $0xffff, v10  }
0x1df: {  	[tilespmem:s20+$0x10] =	vst v14  }
0x1e0: {  	s22 =	simm.s32 $0xC70;
	s21 =	simm.s32 $0x870;
	[tilespmem:s20+$0x20] =	vst v12;
	s20 =	simm.s32 $0x0  }
0x1e1: {  	[hbm4b:s7+s15] =	stream.strided.scatter [tilespmem:s17], [sflag:$0x2], $0x8400, s16, s15, $0x38;
	[tilespmem:$0x17480] =	vst v63  }
.LBB2_18:
0x1e2: {  	_ =	swait.ge [sflag:s13], $0x8400  }
0x1e3: {  	[sflag:s13] =	ssyncset.done $0x0  }
0x1e4: {  	s23 =	simm.s32 $0x16C40;
	[sflag:s13] =	ssyncadd.s32 $0xFFFF7C00  }
0x1e5: {  	v11 =	vld [tilespmem:s23+$0x30]  }
0x1e6: {  	v12 =	vld [tilespmem:s23+$0xFFFFFFD0]  }
0x1e7: {  	v13 =	vld [tilespmem:s23+$0xFFFFFFE0]  }
0x1e8: {  	v14 =	vld [tilespmem:s23+$0xFFFFFFF0]  }
0x1e9: {  	v15 =	vld [tilespmem:s23+$0x0]  }
0x1ea: {  	s24 =	simm.s32 $0x0;
	v16 =	vld [tilespmem:s23+$0x10];
	v11 =	vshll.u32 v11, $0xA  }
0x1eb: {  	v17 =	vld [tilespmem:s23+$0x20];
	v12 =	vshll.u32 v12, $0xA;
	v11 =	vadd.s32 s24, v11  }
0x1ec: {  	s26 =	simm.s32 $0x16CC0;
	v18 =	vld [tilespmem:s23+$0xFFFFFFC0];
	v13 =	vshll.u32 v13, $0xA;
	v12 =	vadd.s32 s24, v12;
	v19 =	vor.u32 v9, v11  }
0x1ed: {  	v20 =	vld [tilespmem:s26+$0x30];
	v21 =	vor.u32 v3, v12;
	v11 =	vadd.s32 s24, v13;
	v12 =	vshll.u32 v14, $0xA  }
0x1ee: {  	v22 =	vld [tilespmem:s26+$0xFFFFFFD0];
	v23 =	vor.u32 v4, v11;
	v11 =	vadd.s32 s24, v12;
	v12 =	vshll.u32 v15, $0xA  }
0x1ef: {  	v24 =	vld [tilespmem:s26+$0xFFFFFFE0];
	v14 =	vshll.u32 v16, $0xA;
	v25 =	vor.u32 v5, v11;
	v11 =	vadd.s32 s24, v12  }
0x1f0: {  	v14 =	vadd.s32 s24, v14;
	v15 =	vshll.u32 v17, $0xA;
	v12 =	vld [tilespmem:s26+$0xFFFFFFF0];
	v13 =	vor.u32 v6, v11  }
0x1f1: {  	v16 =	vshll.u32 v18, $0xA;
	v14 =	vor.u32 v7, v14;
	v17 =	vadd.s32 s24, v15;
	v11 =	vld [tilespmem:s26+$0x0];
	[tilespmem:v19+s14+$0x0] =	vst.idx.msk $0xffff, v0  }
0x1f2: {  	s23 =	simm.s32 $0x80;
	v15 =	vld [tilespmem:s26+$0x10];
	v18 =	vor.u32 v8, v17;
	v19 =	vshll.u32 v20, $0xA;
	v20 =	vadd.s32 s24, v16;
	[tilespmem:v21+s14+$0x0] =	vst.idx.msk $0xffff, v0  }
0x1f3: {  	v21 =	vshll.u32 v22, $0xA;
	v16 =	vld [tilespmem:s26+$0x20];
	v26 =	vadd.s32 s23, v19;
	v17 =	vor.u32 v1, v20;
	[tilespmem:v23+s14+$0x0] =	vst.idx.msk $0xffff, v0  }
0x1f4: {  	s25 =	simm.s32 $0x1;
	s24 =	simm.s32 $0x8;
	v22 =	vshll.u32 v24, $0xA;
	v19 =	vld [tilespmem:s26+$0xFFFFFFC0];
	v21 =	vadd.s32 s23, v21;
	s26 =	simm.s32 $0x16D40;
	v20 =	vor.u32 v9, v26;
	[tilespmem:v25+s14+$0x0] =	vst.idx.msk $0xffff, v0  }
.LBB2_19:
0x1f5: {  	v23 =	vld [tilespmem:s26+$0x30];
	s24 =	sadd.s32 $0x8, s24;
	v21 =	vor.u32 v3, v21;
	v22 =	vadd.s32 s23, v22;
	v12 =	vshll.u32 v12, $0xA;
	[tilespmem:v13+s14+$0x0] =	vst.idx.msk $0xffff, v0  }
0x1f6: {  	v24 =	vld [tilespmem:s26+$0xFFFFFFD0];
	p0 =	slt.u32 s24, $0x38;
	v22 =	vor.u32 v4, v22;
	v12 =	vadd.s32 s23, v12;
	v11 =	vshll.u32 v11, $0xA;
	[tilespmem:v14+s14+$0x0] =	vst.idx.msk $0xffff, v0  }
0x1f7: {  	v25 =	vld [tilespmem:s26+$0xFFFFFFE0];
	v26 =	vor.u32 v5, v12;
	v11 =	vadd.s32 s23, v11;
	v14 =	vshll.u32 v15, $0xA;
	[tilespmem:v18+s14+$0x0] =	vst.idx.msk $0xffff, v0  }
.Ltmp8:
0x1f8: {  	v12 =	vld [tilespmem:s26+$0xFFFFFFF0];
	v13 =	vor.u32 v6, v11;
	v14 =	vadd.s32 s23, v14;
	v15 =	vshll.u32 v16, $0xA;
	[tilespmem:v17+s14+$0x0] =	vst.idx.msk $0xffff, v0;
	(pc) =	sbr.rel @p0 .LBB2_19-.Ltmp8, $4  }
0x1f9: {  	s25 =	sadd.s32 $0x1, s25;
	v11 =	vld [tilespmem:s26+$0x0];
	v16 =	vshll.u32 v19, $0xA;
	v14 =	vor.u32 v7, v14;
	v17 =	vadd.s32 s23, v15;
	[tilespmem:v20+s14+$0x0] =	vst.idx.msk $0xffff, v0  }
0x1fa: {  	v15 =	vld [tilespmem:s26+$0x10];
	v19 =	vshll.u32 v23, $0xA;
	v20 =	vadd.s32 s23, v16;
	s23 =	sshll.u32 s25, $0x7;
	[tilespmem:v21+s14+$0x0] =	vst.idx.msk $0xffff, v0;
	v18 =	vor.u32 v8, v17  }
0x1fb: {  	v21 =	vshll.u32 v24, $0xA;
	v16 =	vld [tilespmem:s26+$0x20];
	v23 =	vadd.s32 s23, v19;
	v17 =	vor.u32 v1, v20;
	[tilespmem:v22+s14+$0x0] =	vst.idx.msk $0xffff, v0  }
0x1fc: {  	v19 =	vld [tilespmem:s26+$0xFFFFFFC0];
	v21 =	vadd.s32 s23, v21;
	v22 =	vshll.u32 v25, $0xA;
	v20 =	vor.u32 v9, v23;
	s26 =	sadd.s32 $0x80, s26;
	[tilespmem:v26+s14+$0x0] =	vst.idx.msk $0xffff, v0  }
0x1fd: {  	_ =	sdelay $0x3  }
0x1fe: {  	v21 =	vor.u32 v3, v21;
	v22 =	vadd.s32 s23, v22;
	v12 =	vshll.u32 v12, $0xA;
	[tilespmem:v13+s14+$0x0] =	vst.idx.msk $0xffff, v0  }
0x1ff: {  	[tilespmem:v14+s14+$0x0] =	vst.idx.msk $0xffff, v0;
	v13 =	vor.u32 v4, v22;
	v12 =	vadd.s32 s23, v12;
	v11 =	vshll.u32 v11, $0xA  }
0x200: {  	[tilespmem:v18+s14+$0x0] =	vst.idx.msk $0xffff, v0;
	v12 =	vor.u32 v5, v12;
	v11 =	vadd.s32 s23, v11;
	v14 =	vshll.u32 v15, $0xA  }
0x201: {  	[tilespmem:v17+s14+$0x0] =	vst.idx.msk $0xffff, v0;
	v11 =	vor.u32 v6, v11;
	v14 =	vadd.s32 s23, v14;
	v15 =	vshll.u32 v16, $0xA  }
0x202: {  	[tilespmem:v20+s14+$0x0] =	vst.idx.msk $0xffff, v0;
	v16 =	vshll.u32 v19, $0xA;
	v14 =	vor.u32 v7, v14;
	v15 =	vadd.s32 s23, v15  }
0x203: {  	v16 =	vadd.s32 s23, v16;
	[tilespmem:v21+s14+$0x0] =	vst.idx.msk $0xffff, v0;
	v15 =	vor.u32 v8, v15  }
0x204: {  	v16 =	vor.u32 v1, v16;
	[tilespmem:v13+s14+$0x0] =	vst.idx.msk $0xffff, v0  }
0x205: {  	[tilespmem:v12+s14+$0x0] =	vst.idx.msk $0xffff, v0  }
0x206: {  	[tilespmem:v11+s14+$0x0] =	vst.idx.msk $0xffff, v0  }
0x207: {  	[tilespmem:v14+s14+$0x0] =	vst.idx.msk $0xffff, v0  }
0x208: {  	[tilespmem:v15+s14+$0x0] =	vst.idx.msk $0xffff, v0  }
0x209: {  	[tilespmem:v16+s14+$0x0] =	vst.idx.msk $0xffff, v0  }
0x20a: {  	v12 =	vld [tilespmem:s21+$0x0]  }
0x20b: {  	v13 =	vld [tilespmem:s21+$0xFFFFFFA0]  }
0x20c: {  	v14 =	vld [tilespmem:s21+$0xFFFFFFB0]  }
0x20d: {  	v15 =	vld [tilespmem:s21+$0xFFFFFFC0]  }
0x20e: {  	v16 =	vld [tilespmem:s21+$0xFFFFFFD0]  }
0x20f: {  	v17 =	vld [tilespmem:s21+$0xFFFFFFE0]  }
0x210: {  	v11 =	vld [tilespmem:s21+$0xFFFFFFF0]  }
0x211: {  	v20 =	vld [tilespmem:s21+$0xFFFFFF90];
	_ =	sdelay $0x1  }
0x212: {  	v18 =	vmul.f32 $3.100000000e+01, v12;
	v19 =	vmul.f32 $3.100000000e+01, v13  }
0x213: {  	v21 =	vmul.f32 $3.100000000e+01, v14;
	v22 =	vmul.f32 $3.100000000e+01, v15  }
0x214: {  	v23 =	vmul.f32 $3.100000000e+01, v16;
	v24 =	vmul.f32 $3.100000000e+01, v17  }
0x215: {  	v25 =	vmul.f32 $3.100000000e+01, v11;
	v26 =	vmul.f32 $3.100000000e+01, v20  }
0x216: {  	v18 =	vtrunc.f32 v18;
	v19 =	vtrunc.f32 v19  }
0x217: {  	v21 =	vtrunc.f32 v21;
	v22 =	vtrunc.f32 v22  }
0x218: {  	v23 =	vtrunc.f32 v23;
	v18 =	vcvt.f32.s32 v18  }
0x219: {  	v24 =	vtrunc.f32 v24;
	v26 =	vtrunc.f32 v26  }
0x21a: {  	v25 =	vtrunc.f32 v25;
	v19 =	vcvt.f32.s32 v19;
	v18 =	vadd.s32 $0x1, v18  }
0x21b: {  	v26 =	vcvt.f32.s32 v26;
	v21 =	vcvt.f32.s32 v21;
	vm0 =	vgt.s32 v18, $0x1  }
0x21c: {  	v22 =	vcvt.f32.s32 v22;
	v23 =	vcvt.f32.s32 v23;
	v18 =	vnsel vm0, $0x1, v18  }
0x21d: {  	v24 =	vcvt.f32.s32 v24;
	v25 =	vcvt.f32.s32 v25;
	v18 =	vmin.u32 v18, $0x20  }
0x21e: {  	v19 =	vadd.s32 $0x1, v19;
	v26 =	vadd.s32 $0x1, v26;
	v27 =	vadd.s32 $0x1, v18  }
0x21f: {  	v21 =	vadd.s32 $0x1, v21;
	vm1 =	vgt.s32 v19, $0x1;
	vm0 =	vgt.s32 v26, $0x1  }
0x220: {  	v22 =	vadd.s32 $0x1, v22;
	v19 =	vnsel vm1, $0x1, v19;
	v26 =	vnsel vm0, $0x1, v26  }
0x221: {  	vm1 =	vgt.s32 v22, $0x1;
	v29 =	vmin.u32 v19, $0x20;
	v26 =	vmin.u32 v26, $0x20  }
0x222: {  	v19 =	vadd.s32 $0x1, v25;
	v22 =	vnsel vm1, $0x1, v22;
	v25 =	vadd.s32 $0x1, v26;
	v28 =	vld.idx.msk [tilespmem:v18+s11+$0x0], $0xffff  }
0x223: {  	vm0 =	vgt.s32 v21, $0x1;
	v22 =	vmin.u32 v22, $0x20;
	v27 =	vld.idx.msk [tilespmem:v27+s11+$0x0], $0xffff  }
0x224: {  	v23 =	vadd.s32 $0x1, v23;
	v24 =	vadd.s32 $0x1, v24;
	v21 =	vnsel vm0, $0x1, v21  }
0x225: {  	vm1 =	vgt.s32 v24, $0x1;
	vm0 =	vgt.s32 v23, $0x1;
	v21 =	vmin.u32 v21, $0x20  }
0x226: {  	vm2 =	vgt.s32 v19, $0x1;
	v24 =	vnsel vm1, $0x1, v24;
	v31 =	vadd.s32 $0x1, v29;
	v30 =	vld.idx.msk [tilespmem:v26+s11+$0x0], $0xffff  }
0x227: {  	v23 =	vnsel vm0, $0x1, v23;
	v19 =	vnsel vm2, $0x1, v19;
	v32 =	vadd.s32 $0x1, v22;
	v25 =	vld.idx.msk [tilespmem:v25+s11+$0x0], $0xffff  }
0x228: {  	v36 =	vld.idx.msk [tilespmem:v22+s11+$0x0], $0xffff;
	vm0 =	vlt.f32 v12, v28;
	vm1 =	vge.f32 v12, v27;
	v12 =	vadd.s32 $0x1, v21  }
0x229: {  	v35 =	vmin.u32 v24, $0x20;
	v23 =	vmin.u32 v23, $0x20;
	v54 =	vmin.u32 v19, $0x20;
	v27 =	vld.idx.msk [tilespmem:v29+s11+$0x0], $0xffff  }
0x22a: {  	v24 =	vadd.s32 $0x1, v23;
	v33 =	vld.idx.msk [tilespmem:v21+s11+$0x0], $0xffff;
	v28 =	vsel vm0, $0xFFFFFFFF, v2;
	v34 =	vsel vm1, $0x1, v2  }
0x22b: {  	v37 =	vadd.s32 $0x1, v35;
	v31 =	vld.idx.msk [tilespmem:v31+s11+$0x0], $0xffff;
	vm0 =	vlt.f32 v20, v30;
	v28 =	vadd.s32 v28, v34  }
0x22c: {  	v30 =	vld.idx.msk [tilespmem:v32+s11+$0x0], $0xffff;
	vm1 =	vge.f32 v20, v25;
	v19 =	vadd.s32 v18, v28;
	v18 =	vadd.s32 $0x1, v54  }
0x22d: {  	v55 =	vsel vm0, $0xFFFFFFFF, v2;
	v25 =	vsel vm1, $0x1, v2;
	v12 =	vld.idx.msk [tilespmem:v12+s11+$0x0], $0xffff  }
0x22e: {  	v25 =	vadd.s32 v55, v25;
	vm0 =	vlt.f32 v13, v27  }
0x22f: {  	s28 =	simm.s32 $0x0;
	v24 =	vld.idx.msk [tilespmem:v24+s11+$0x0], $0xffff;
	v28 =	vshll.u32 v19, $0xA;
	v27 =	vsel vm0, $0xFFFFFFFF, v2;
	vm0 =	vlt.f32 v14, v33  }
0x230: {  	v56 =	vld.idx.msk [tilespmem:v37+s11+$0x0], $0xffff;
	v28 =	vadd.s32 s28, v28;
	v20 =	vsel vm0, $0xFFFFFFFF, v2;
	vm0 =	vlt.f32 v15, v36  }
0x231: {  	vm1 =	vge.f32 v15, v30;
	v18 =	vld.idx.msk [tilespmem:v18+s11+$0x0], $0xffff;
	v36 =	vsel vm0, $0xFFFFFFFF, v2;
	vm0 =	vge.f32 v13, v31  }
0x232: {  	s31 =	sadd.s32 $0x80, s21;
	v28 =	vor.u32 v9, v28;
	v13 =	vld.idx.msk [tilespmem:v23+s11+$0x0], $0xffff;
	v31 =	vsel vm0, $0x1, v2;
	vm0 =	vge.f32 v14, v12  }
0x233: {  	v59 =	vld [tilespmem:s31+$0x0];
	v14 =	vadd.s32 v27, v31;
	v27 =	vsel vm1, $0x1, v2;
	v15 =	vsel vm0, $0x1, v2  }
0x234: {  	v30 =	vld [tilespmem:s31+$0xFFFFFFB0];
	vm0 =	vge.f32 v16, v24;
	v24 =	vadd.s32 v29, v14;
	v15 =	vadd.s32 v20, v15  }
0x235: {  	v12 =	vld.idx.msk [tilespmem:v35+s11+$0x0], $0xffff;
	v20 =	vadd.s32 v36, v27;
	v58 =	vsel vm0, $0x1, v2;
	vm0 =	vge.f32 v17, v56  }
0x236: {  	v31 =	vld [tilespmem:s31+$0xFFFFFFA0];
	v27 =	vadd.s32 v26, v25;
	v34 =	vshll.u32 v24, $0xA;
	v25 =	vsel vm0, $0x1, v2  }
0x237: {  	vm0 =	vge.f32 v11, v18;
	vm1 =	vlt.f32 v16, v13;
	v14 =	vadd.s32 v21, v15  }
0x238: {  	v57 =	vld.idx.msk [tilespmem:v54+s11+$0x0], $0xffff;
	v15 =	vadd.s32 v22, v20;
	v20 =	vmul.f32 $3.100000000e+01, v59;
	v32 =	vshll.u32 v27, $0xA  }
0x239: {  	v22 =	vmul.f32 $3.100000000e+01, v30;
	v34 =	vadd.s32 s28, v34;
	v16 =	vsel vm0, $0x1, v2  }
0x23a: {  	v29 =	vld [tilespmem:s31+$0xFFFFFFC0];
	v13 =	vsel vm1, $0xFFFFFFFF, v2;
	v37 =	vshll.u32 v15, $0xA;
	v32 =	vadd.s32 s28, v32  }
0x23b: {  	v36 =	vld [tilespmem:s31+$0xFFFFFF90];
	vm0 =	vlt.f32 v17, v12;
	v12 =	vadd.s32 v13, v58;
	v21 =	vmul.f32 $3.100000000e+01, v31  }
0x23c: {  	[tilespmem:v28+s14+$0x0] =	vst.idx.msk $0xffff, v10;
	v20 =	vtrunc.f32 v20;
	v22 =	vtrunc.f32 v22;
	v28 =	vadd.s32 s28, v37  }
0x23d: {  	v18 =	vld [tilespmem:s31+$0xFFFFFFD0];
	v53 =	vor.u32 v1, v32;
	v13 =	vsel vm0, $0xFFFFFFFF, v2;
	vm0 =	vlt.f32 v11, v57  }
0x23e: {  	v20 =	vcvt.f32.s32 v20;
	v22 =	vcvt.f32.s32 v22;
	v11 =	vadd.s32 v13, v25  }
0x23f: {  	v17 =	vsel vm0, $0xFFFFFFFF, v2;
	v13 =	vadd.s32 v23, v12;
	v23 =	vmul.f32 $3.100000000e+01, v29  }
0x240: {  	v21 =	vtrunc.f32 v21;
	v41 =	vmul.f32 $3.100000000e+01, v36;
	v12 =	vadd.s32 v35, v11  }
0x241: {  	v11 =	vadd.s32 v17, v16;
	v35 =	vshll.u32 v14, $0xA;
	v38 =	vshll.u32 v13, $0xA  }
0x242: {  	v25 =	vmul.f32 $3.100000000e+01, v18;
	v20 =	vadd.s32 $0x1, v20;
	v21 =	vcvt.f32.s32 v21  }
0x243: {  	v22 =	vadd.s32 $0x1, v22;
	v11 =	vadd.s32 v54, v11;
	v39 =	vshll.u32 v12, $0xA  }
0x244: {  	v17 =	vld [tilespmem:s31+$0xFFFFFFE0];
	v23 =	vtrunc.f32 v23;
	vm0 =	vgt.s32 v20, $0x1;
	vm2 =	vgt.s32 v22, $0x1  }
0x245: {  	v16 =	vld [tilespmem:s31+$0xFFFFFFF0];
	v35 =	vadd.s32 s28, v35;
	v54 =	vor.u32 v3, v34;
	v34 =	vor.u32 v5, v28  }
0x246: {  	v25 =	vtrunc.f32 v25;
	v20 =	vnsel vm0, $0x1, v20;
	v43 =	vshll.u32 v11, $0xA  }
0x247: {  	v21 =	vadd.s32 $0x1, v21;
	v23 =	vcvt.f32.s32 v23;
	v42 =	vmin.u32 v20, $0x20  }
0x248: {  	v20 =	vtrunc.f32 v41;
	v25 =	vcvt.f32.s32 v25;
	vm1 =	vgt.s32 v21, $0x1  }
0x249: {  	v60 =	vadd.s32 $0x1, v42;
	v20 =	vcvt.f32.s32 v20;
	v26 =	vmul.f32 $3.100000000e+01, v17  }
0x24a: {  	v23 =	vadd.s32 $0x1, v23;
	v40 =	vmul.f32 $3.100000000e+01, v16;
	v25 =	vadd.s32 $0x1, v25  }
0x24b: {  	vm3 =	vgt.s32 v23, $0x1;
	v20 =	vadd.s32 $0x1, v20;
	v26 =	vtrunc.f32 v26  }
0x24c: {  	v40 =	vtrunc.f32 v40;
	vm0 =	vgt.s32 v20, $0x1;
	v26 =	vcvt.f32.s32 v26  }
0x24d: {  	v40 =	vcvt.f32.s32 v40;
	v20 =	vnsel vm0, $0x1, v20;
	vm0 =	vgt.s32 v25, $0x1  }
0x24e: {  	v45 =	vmin.u32 v20, $0x20;
	v20 =	vnsel vm1, $0x1, v21;
	v21 =	vnsel vm2, $0x1, v22  }
0x24f: {  	v44 =	vld.idx.msk [tilespmem:v42+s11+$0x0], $0xffff;
	v22 =	vnsel vm3, $0x1, v23;
	v46 =	vnsel vm0, $0x1, v25;
	v26 =	vadd.s32 $0x1, v26  }
0x250: {  	v41 =	vld.idx.msk [tilespmem:v60+s11+$0x0], $0xffff;
	v40 =	vadd.s32 $0x1, v40;
	v25 =	vmin.u32 v21, $0x20;
	v23 =	vmin.u32 v22, $0x20  }
0x251: {  	v22 =	vmin.u32 v46, $0x20;
	v56 =	vadd.s32 $0x1, v45;
	vm4 =	vgt.s32 v26, $0x1  }
0x252: {  	vm5 =	vgt.s32 v40, $0x1;
	v47 =	vnsel vm4, $0x1, v26;
	v26 =	vmin.u32 v20, $0x20  }
0x253: {  	v58 =	vadd.s32 $0x1, v25;
	v48 =	vadd.s32 $0x1, v23;
	v49 =	vadd.s32 $0x1, v22  }
0x254: {  	v20 =	vnsel vm5, $0x1, v40;
	vm0 =	vlt.f32 v59, v44;
	v57 =	vadd.s32 $0x1, v26;
	v63 =	vld.idx.msk [tilespmem:v45+s11+$0x0], $0xffff  }
0x255: {  	v21 =	vmin.u32 v47, $0x20;
	v20 =	vmin.u32 v20, $0x20;
	vm1 =	vge.f32 v59, v41;
	v50 =	vld.idx.msk [tilespmem:v25+s11+$0x0], $0xffff  }
0x256: {  	v61 =	vsel vm0, $0xFFFFFFFF, v2;
	v51 =	vadd.s32 $0x1, v21;
	v62 =	vsel vm1, $0x1, v2;
	v40 =	vld.idx.msk [tilespmem:v56+s11+$0x0], $0xffff  }
0x257: {  	v52 =	vadd.s32 $0x1, v20;
	v56 =	vor.u32 v4, v35;
	v33 =	vadd.s32 v61, v62;
	v60 =	vld.idx.msk [tilespmem:v26+s11+$0x0], $0xffff  }
0x258: {  	[tilespmem:v53+s14+$0x0] =	vst.idx.msk $0xffff, v10;
	v41 =	vld.idx.msk [tilespmem:v23+s11+$0x0], $0xffff;
	v61 =	vadd.s32 s28, v38;
	v62 =	vadd.s32 s28, v39;
	v42 =	vadd.s32 v42, v33  }
0x259: {  	s26 =	simm.s32 $0x80;
	v35 =	vor.u32 v6, v61;
	v33 =	vor.u32 v7, v62;
	v59 =	vshll.u32 v42, $0xA;
	v39 =	vld.idx.msk [tilespmem:v57+s11+$0x0], $0xffff  }
0x25a: {  	[tilespmem:v54+s14+$0x0] =	vst.idx.msk $0xffff, v10;
	v55 =	vld.idx.msk [tilespmem:v58+s11+$0x0], $0xffff;
	v46 =	vadd.s32 s26, v59;
	vm0 =	vlt.f32 v36, v63;
	v63 =	vadd.s32 s28, v43  }
0x25b: {  	v57 =	vld.idx.msk [tilespmem:v48+s11+$0x0], $0xffff;
	v46 =	vor.u32 v9, v46;
	v28 =	vsel vm0, $0xFFFFFFFF, v2;
	vm0 =	vlt.f32 v30, v50  }
0x25c: {  	s25 =	simm.s32 $0x16C40;
	v59 =	vld.idx.msk [tilespmem:v49+s11+$0x0], $0xffff;
	v32 =	vor.u32 v8, v63;
	vm1 =	vlt.f32 v31, v60;
	v60 =	vsel vm0, $0xFFFFFFFF, v2  }
0x25d: {  	[tilespmem:s25+$0x30] =	vst v19;
	v61 =	vld.idx.msk [tilespmem:v51+s11+$0x0], $0xffff;
	vm0 =	vlt.f32 v29, v41;
	v58 =	vsel vm1, $0xFFFFFFFF, v2;
	vm1 =	vge.f32 v36, v40  }
0x25e: {  	v62 =	vld.idx.msk [tilespmem:v52+s11+$0x0], $0xffff;
	[tilespmem:v56+s14+$0x0] =	vst.idx.msk $0xffff, v10;
	v19 =	vsel vm0, $0xFFFFFFFF, v2;
	vm0 =	vge.f32 v31, v39;
	v36 =	vsel vm1, $0x1, v2  }
0x25f: {  	v31 =	vld.idx.msk [tilespmem:v22+s11+$0x0], $0xffff;
	v63 =	vsel vm0, $0x1, v2;
	vm0 =	vge.f32 v30, v55;
	v36 =	vadd.s32 v28, v36  }
0x260: {  	[tilespmem:s25+$0xFFFFFFC0] =	vst v27;
	v28 =	vld.idx.msk [tilespmem:v21+s11+$0x0], $0xffff;
	v27 =	vadd.s32 v58, v63;
	v30 =	vsel vm0, $0x1, v2;
	vm0 =	vge.f32 v29, v57  }
0x261: {  	[tilespmem:s25+$0xFFFFFFD0] =	vst v24;
	v29 =	vld.idx.msk [tilespmem:v20+s11+$0x0], $0xffff;
	v38 =	vadd.s32 v60, v30;
	v30 =	vsel vm0, $0x1, v2;
	vm0 =	vge.f32 v18, v59  }
0x262: {  	s29 =	simm.s32 $0x8;
	s23 =	sshll.u32 s20, $0x1;
	s28 =	simm.s32 $0x16CC0;
	[tilespmem:v46+s14+$0x0] =	vst.idx.msk $0xffff, v10;
	v30 =	vadd.s32 v19, v30;
	v37 =	vsel vm0, $0x1, v2;
	vm0 =	vge.f32 v17, v61  }
0x263: {  	s30 =	simm.s32 $0x1;
	s24 =	sadd.s32 $0x2, s23;
	s31 =	sadd.s32 $0x80, s31;
	[tilespmem:s28+$0x30] =	vst v42;
	v19 =	vadd.s32 v45, v36;
	v36 =	vsel vm0, $0x1, v2;
	vm0 =	vge.f32 v16, v62  }
.LBB2_21:
0x264: {  	v39 =	vld [tilespmem:s31+$0x0];
	v24 =	vadd.s32 v26, v27;
	vm1 =	vlt.f32 v18, v31;
	v26 =	vsel vm0, $0x1, v2;
	[tilespmem:s25+$0xFFFFFFE0] =	vst v14  }
0x265: {  	s29 =	sadd.s32 $0x8, s29;
	v14 =	vadd.s32 v25, v38;
	vm0 =	vlt.f32 v17, v28;
	v27 =	vld [tilespmem:s31+$0xFFFFFFA0];
	v18 =	vsel vm1, $0xFFFFFFFF, v2;
	[tilespmem:v34+s14+$0x0] =	vst.idx.msk $0xffff, v10  }
0x266: {  	p0 =	slt.u32 s29, $0x38;
	v28 =	vld [tilespmem:s31+$0xFFFFFFB0];
	v17 =	vadd.s32 v18, v37;
	v18 =	vsel vm0, $0xFFFFFFFF, v2;
	vm0 =	vlt.f32 v16, v29;
	[tilespmem:s25+$0xFFFFFFF0] =	vst v15  }
0x267: {  	v15 =	vadd.s32 v23, v30;
	v29 =	vld [tilespmem:s31+$0xFFFFFFC0];
	v16 =	vadd.s32 v18, v36;
	v23 =	vsel vm0, $0xFFFFFFFF, v2;
	[tilespmem:v35+s14+$0x0] =	vst.idx.msk $0xffff, v10  }
0x268: {  	v18 =	vld [tilespmem:s31+$0xFFFFFFD0];
	v21 =	vadd.s32 v21, v16;
	v16 =	vadd.s32 v23, v26;
	[tilespmem:s25+$0x0] =	vst v13;
	v13 =	vadd.s32 v22, v17  }
0x269: {  	v31 =	vshll.u32 v19, $0xA;
	v17 =	vld [tilespmem:s31+$0xFFFFFFE0];
	v22 =	vmul.f32 $3.100000000e+01, v39;
	v20 =	vadd.s32 v20, v16;
	[tilespmem:v33+s14+$0x0] =	vst.idx.msk $0xffff, v10  }
0x26a: {  	v34 =	vshll.u32 v14, $0xA;
	v33 =	vshll.u32 v24, $0xA;
	v23 =	vmul.f32 $3.100000000e+01, v27;
	v16 =	vld [tilespmem:s31+$0xFFFFFFF0];
	[tilespmem:s25+$0x10] =	vst v12;
	v12 =	vmovc v21  }
0x26b: {  	v35 =	vshll.u32 v15, $0xA;
	v30 =	vld [tilespmem:s31+$0xFFFFFF90];
	v21 =	vmul.f32 $3.100000000e+01, v28;
	v22 =	vtrunc.f32 v22;
	[tilespmem:v32+s14+$0x0] =	vst.idx.msk $0xffff, v10  }
0x26c: {  	v32 =	vshll.u32 v13, $0xA;
	v25 =	vmul.f32 $3.100000000e+01, v29;
	v22 =	vcvt.f32.s32 v22;
	[tilespmem:s25+$0x20] =	vst v11;
	v11 =	vmovc v20;
	s25 =	smov.u32 s28  }
0x26d: {  	v36 =	vshll.u32 v12, $0xA;
	v20 =	vtrunc.f32 v23;
	v23 =	vmul.f32 $3.100000000e+01, v18  }
0x26e: {  	v21 =	vtrunc.f32 v21;
	v26 =	vmul.f32 $3.100000000e+01, v17;
	v22 =	vadd.s32 $0x1, v22  }
0x26f: {  	v25 =	vtrunc.f32 v25;
	v37 =	vmul.f32 $3.100000000e+01, v16;
	vm0 =	vgt.s32 v22, $0x1  }
0x270: {  	v23 =	vtrunc.f32 v23;
	v38 =	vmul.f32 $3.100000000e+01, v30;
	v22 =	vnsel vm0, $0x1, v22  }
0x271: {  	v26 =	vtrunc.f32 v26;
	v37 =	vtrunc.f32 v37;
	v40 =	vmin.u32 v22, $0x20  }
0x272: {  	v20 =	vcvt.f32.s32 v20;
	v22 =	vtrunc.f32 v38;
	v38 =	vadd.s32 $0x1, v40  }
0x273: {  	v41 =	vshll.u32 v11, $0xA;
	v21 =	vcvt.f32.s32 v21;
	v22 =	vcvt.f32.s32 v22  }
0x274: {  	v20 =	vadd.s32 $0x1, v20;
	v25 =	vcvt.f32.s32 v25;
	v23 =	vcvt.f32.s32 v23  }
0x275: {  	v26 =	vcvt.f32.s32 v26;
	v37 =	vcvt.f32.s32 v37;
	v22 =	vadd.s32 $0x1, v22  }
0x276: {  	v21 =	vadd.s32 $0x1, v21;
	v25 =	vadd.s32 $0x1, v25;
	v23 =	vadd.s32 $0x1, v23;
	v42 =	vld.idx.msk [tilespmem:v40+s11+$0x0], $0xffff  }
0x277: {  	v26 =	vadd.s32 $0x1, v26;
	v37 =	vadd.s32 $0x1, v37;
	vm0 =	vgt.s32 v22, $0x1;
	v38 =	vld.idx.msk [tilespmem:v38+s11+$0x0], $0xffff  }
0x278: {  	vm1 =	vgt.s32 v20, $0x1;
	vm2 =	vgt.s32 v21, $0x1;
	vm3 =	vgt.s32 v25, $0x1  }
0x279: {  	vm4 =	vgt.s32 v23, $0x1;
	vm5 =	vgt.s32 v26, $0x1;
	vm6 =	vgt.s32 v37, $0x1  }
0x27a: {  	v20 =	vnsel vm1, $0x1, v20;
	v21 =	vnsel vm2, $0x1, v21;
	v22 =	vnsel vm0, $0x1, v22  }
0x27b: {  	v43 =	vnsel vm3, $0x1, v25;
	v44 =	vnsel vm4, $0x1, v23;
	v45 =	vnsel vm5, $0x1, v26  }
0x27c: {  	v26 =	vmin.u32 v20, $0x20;
	v20 =	vnsel vm6, $0x1, v37;
	v46 =	vmin.u32 v22, $0x20  }
0x27d: {  	v25 =	vmin.u32 v21, $0x20;
	vm0 =	vlt.f32 v39, v42;
	vm1 =	vge.f32 v39, v38  }
0x27e: {  	v23 =	vmin.u32 v43, $0x20;
	v37 =	vsel vm0, $0xFFFFFFFF, v2;
	v38 =	vsel vm1, $0x1, v2  }
0x27f: {  	v21 =	vmin.u32 v45, $0x20;
	v22 =	vmin.u32 v44, $0x20;
	v37 =	vadd.s32 v37, v38  }
0x280: {  	s30 =	sadd.s32 $0x1, s30;
	v20 =	vmin.u32 v20, $0x20;
	v38 =	vadd.s32 $0x1, v46;
	v37 =	vadd.s32 v40, v37  }
0x281: {  	s1 =	sshll.u32 s30, $0x7;
	v42 =	vadd.s32 $0x1, v25;
	v40 =	vadd.s32 $0x1, v26;
	v43 =	vshll.u32 v37, $0xA;
	v39 =	vld.idx.msk [tilespmem:v46+s11+$0x0], $0xffff  }
0x282: {  	v45 =	vadd.s32 $0x1, v23;
	v47 =	vadd.s32 $0x1, v22;
	v43 =	vadd.s32 s1, v43;
	v44 =	vld.idx.msk [tilespmem:v26+s11+$0x0], $0xffff  }
0x283: {  	v49 =	vadd.s32 $0x1, v21;
	v50 =	vadd.s32 $0x1, v20;
	v43 =	vor.u32 v9, v43;
	v48 =	vld.idx.msk [tilespmem:v25+s11+$0x0], $0xffff  }
0x284: {  	v31 =	vadd.s32 s26, v31;
	v34 =	vadd.s32 s26, v34;
	v33 =	vadd.s32 s26, v33;
	v51 =	vld.idx.msk [tilespmem:v23+s11+$0x0], $0xffff  }
0x285: {  	v35 =	vadd.s32 s26, v35;
	v32 =	vadd.s32 s26, v32;
	v36 =	vadd.s32 s26, v36;
	v38 =	vld.idx.msk [tilespmem:v38+s11+$0x0], $0xffff  }
0x286: {  	v52 =	vor.u32 v1, v31;
	v53 =	vor.u32 v3, v33;
	v31 =	vadd.s32 s26, v41;
	s26 =	smov.u32 s1;
	v40 =	vld.idx.msk [tilespmem:v40+s11+$0x0], $0xffff  }
0x287: {  	v41 =	vor.u32 v4, v34;
	v34 =	vor.u32 v5, v35;
	vm0 =	vlt.f32 v30, v39;
	v39 =	vld.idx.msk [tilespmem:v42+s11+$0x0], $0xffff  }
0x288: {  	s28 =	sadd.s32 $0x80, s28;
	v42 =	vsel vm0, $0xFFFFFFFF, v2;
	vm0 =	vlt.f32 v27, v44;
	v44 =	vld.idx.msk [tilespmem:v45+s11+$0x0], $0xffff;
	[tilespmem:v43+s14+$0x0] =	vst.idx.msk $0xffff, v10  }
0x289: {  	v35 =	vor.u32 v6, v32;
	v43 =	vsel vm0, $0xFFFFFFFF, v2;
	vm0 =	vlt.f32 v28, v48;
	v45 =	vld.idx.msk [tilespmem:v47+s11+$0x0], $0xffff;
	[tilespmem:s28+$0x30] =	vst v37  }
0x28a: {  	v33 =	vor.u32 v7, v36;
	v37 =	vsel vm0, $0xFFFFFFFF, v2;
	vm0 =	vlt.f32 v29, v51;
	v47 =	vld.idx.msk [tilespmem:v49+s11+$0x0], $0xffff  }
0x28b: {  	v32 =	vor.u32 v8, v31;
	vm1 =	vge.f32 v30, v38;
	v30 =	vsel vm0, $0xFFFFFFFF, v2;
	v48 =	vld.idx.msk [tilespmem:v50+s11+$0x0], $0xffff  }
0x28c: {  	v36 =	vsel vm1, $0x1, v2;
	vm0 =	vge.f32 v27, v40;
	v31 =	vld.idx.msk [tilespmem:v22+s11+$0x0], $0xffff;
	[tilespmem:v52+s14+$0x0] =	vst.idx.msk $0xffff, v10  }
.Ltmp9:
0x28d: {  	v36 =	vadd.s32 v42, v36;
	v27 =	vsel vm0, $0x1, v2;
	vm0 =	vge.f32 v28, v39;
	v28 =	vld.idx.msk [tilespmem:v21+s11+$0x0], $0xffff;
	[tilespmem:s25+$0xFFFFFFC0] =	vst v19;
	(pc) =	sbr.rel @p0 .LBB2_21-.Ltmp9, $4  }
0x28e: {  	v27 =	vadd.s32 v43, v27;
	v19 =	vsel vm0, $0x1, v2;
	vm0 =	vge.f32 v29, v44;
	v29 =	vld.idx.msk [tilespmem:v20+s11+$0x0], $0xffff  }
0x28f: {  	v38 =	vadd.s32 v37, v19;
	v19 =	vsel vm0, $0x1, v2;
	vm0 =	vge.f32 v18, v45;
	[tilespmem:v53+s14+$0x0] =	vst.idx.msk $0xffff, v10  }
0x290: {  	v30 =	vadd.s32 v30, v19;
	v37 =	vsel vm0, $0x1, v2;
	vm0 =	vge.f32 v17, v47;
	[tilespmem:s25+$0xFFFFFFD0] =	vst v24  }
0x291: {  	s31 =	sadd.s32 $0x80, s31;
	v19 =	vadd.s32 v46, v36;
	v36 =	vsel vm0, $0x1, v2;
	vm0 =	vge.f32 v16, v48;
	[tilespmem:v41+s14+$0x0] =	vst.idx.msk $0xffff, v10  }
0x292: {  	_ =	sdelay $0x2  }
0x293: {  	[tilespmem:s25+$0xFFFFFFE0] =	vst v14  }
0x294: {  	[tilespmem:v34+s14+$0x0] =	vst.idx.msk $0xffff, v10  }
0x295: {  	[tilespmem:v35+s14+$0x0] =	vst.idx.msk $0xffff, v10  }
0x296: {  	v14 =	vshll.u32 v19, $0xA;
	[tilespmem:v33+s14+$0x0] =	vst.idx.msk $0xffff, v10  }
0x297: {  	v24 =	vadd.s32 v25, v38;
	vm14 =	vlt.f32 v17, v28;
	[tilespmem:v32+s14+$0x0] =	vst.idx.msk $0xffff, v10;
	v14 =	vadd.s32 s26, v14  }
0x298: {  	[tilespmem:s25+$0xFFFFFFF0] =	vst v15;
	v15 =	vadd.s32 v26, v27;
	v17 =	vshll.u32 v24, $0xA;
	v14 =	vor.u32 v1, v14  }
0x299: {  	vm1 =	vlt.f32 v18, v31;
	[tilespmem:s25+$0x0] =	vst v13;
	v13 =	vshll.u32 v15, $0xA;
	v17 =	vadd.s32 s26, v17  }
0x29a: {  	v23 =	vadd.s32 v23, v30;
	[tilespmem:s25+$0x20] =	vst v11;
	v13 =	vadd.s32 s26, v13;
	v11 =	vor.u32 v4, v17  }
0x29b: {  	v58 =	vsel vm1, $0xFFFFFFFF, v2;
	[tilespmem:s25+$0x10] =	vst v12;
	v60 =	vshll.u32 v23, $0xA;
	v12 =	vor.u32 v3, v13  }
0x29c: {  	vm15 =	vlt.f32 v16, v29;
	v16 =	vadd.s32 s26, v60;
	v13 =	vadd.s32 v58, v37  }
0x29d: {  	v59 =	vsel vm14, $0xFFFFFFFF, v2;
	v16 =	vor.u32 v5, v16;
	v13 =	vadd.s32 v22, v13;
	[tilespmem:v14+s14+$0x0] =	vst.idx.msk $0xffff, v10  }
0x29e: {  	v18 =	vsel vm0, $0x1, v2;
	v17 =	vshll.u32 v13, $0xA;
	v14 =	vadd.s32 v59, v36;
	[tilespmem:s28+$0xFFFFFFC0] =	vst v19  }
0x29f: {  	v17 =	vadd.s32 s26, v17;
	v19 =	vsel vm15, $0xFFFFFFFF, v2;
	v14 =	vadd.s32 v21, v14;
	[tilespmem:v11+s14+$0x0] =	vst.idx.msk $0xffff, v10  }
0x2a0: {  	v17 =	vor.u32 v6, v17;
	[tilespmem:v12+s14+$0x0] =	vst.idx.msk $0xffff, v10;
	v12 =	vadd.s32 v19, v18;
	v18 =	vshll.u32 v14, $0xA  }
0x2a1: {  	[tilespmem:s28+$0xFFFFFFD0] =	vst v15;
	v12 =	vadd.s32 v20, v12;
	v15 =	vadd.s32 s26, v18  }
0x2a2: {  	[tilespmem:v16+s14+$0x0] =	vst.idx.msk $0xffff, v10;
	v11 =	vshll.u32 v12, $0xA;
	v15 =	vor.u32 v7, v15  }
0x2a3: {  	[tilespmem:s28+$0xFFFFFFE0] =	vst v24;
	v11 =	vadd.s32 s26, v11  }
0x2a4: {  	[tilespmem:s28+$0xFFFFFFF0] =	vst v23;
	v11 =	vor.u32 v8, v11  }
0x2a5: {  	[tilespmem:v17+s14+$0x0] =	vst.idx.msk $0xffff, v10  }
0x2a6: {  	[tilespmem:s28+$0x0] =	vst v13  }
0x2a7: {  	s1 =	sadd.s32 s8, s24;
	[tilespmem:v15+s14+$0x0] =	vst.idx.msk $0xffff, v10  }
0x2a8: {  	s1 =	sshll.u32 s1, $0x7;
	[tilespmem:s28+$0x10] =	vst v14  }
0x2a9: {  	s1 =	sand.u32 $0x1FFFFF80, s1;
	[tilespmem:v11+s14+$0x0] =	vst.idx.msk $0xffff, v10  }
0x2aa: {  	s1 =	sadd.s32 s3, s1;
	[tilespmem:s28+$0x20] =	vst v12  }
0x2ab: {  	[hbm4b:s1+s15] =	stream.strided.scatter [tilespmem:s14], [sflag:$0x1], $0x8400, s16, s15, $0x38;
	[tilespmem:$0x17480] =	vst v63  }
0x2ac: {  	_ =	swait.ge [sflag:s18], $0x8400  }
0x2ad: {  	[sflag:s18] =	ssyncset.done $0x0  }
0x2ae: {  	s30 =	simm.s32 $0x17040;
	[sflag:s18] =	ssyncadd.s32 $0xFFFF7C00  }
0x2af: {  	v11 =	vld [tilespmem:s30+$0x30]  }
0x2b0: {  	v12 =	vld [tilespmem:s30+$0xFFFFFFD0]  }
0x2b1: {  	v13 =	vld [tilespmem:s30+$0xFFFFFFE0]  }
0x2b2: {  	v14 =	vld [tilespmem:s30+$0xFFFFFFF0]  }
0x2b3: {  	v15 =	vld [tilespmem:s30+$0x0]  }
0x2b4: {  	s31 =	simm.s32 $0x0;
	v16 =	vld [tilespmem:s30+$0x10];
	v11 =	vshll.u32 v11, $0xA  }
0x2b5: {  	v17 =	vld [tilespmem:s30+$0x20];
	v12 =	vshll.u32 v12, $0xA;
	v11 =	vadd.s32 s31, v11  }
0x2b6: {  	s28 =	simm.s32 $0x170C0;
	v18 =	vld [tilespmem:s30+$0xFFFFFFC0];
	v13 =	vshll.u32 v13, $0xA;
	v12 =	vadd.s32 s31, v12;
	v19 =	vor.u32 v9, v11  }
0x2b7: {  	v20 =	vld [tilespmem:s28+$0x30];
	v21 =	vor.u32 v3, v12;
	v11 =	vadd.s32 s31, v13;
	v12 =	vshll.u32 v14, $0xA  }
0x2b8: {  	v22 =	vld [tilespmem:s28+$0xFFFFFFD0];
	v23 =	vor.u32 v4, v11;
	v11 =	vadd.s32 s31, v12;
	v12 =	vshll.u32 v15, $0xA  }
0x2b9: {  	v61 =	vld [tilespmem:s28+$0xFFFFFFE0];
	v14 =	vshll.u32 v16, $0xA;
	v62 =	vor.u32 v5, v11;
	v11 =	vadd.s32 s31, v12  }
0x2ba: {  	v14 =	vadd.s32 s31, v14;
	v15 =	vshll.u32 v17, $0xA;
	v12 =	vld [tilespmem:s28+$0xFFFFFFF0];
	v13 =	vor.u32 v6, v11  }
0x2bb: {  	v16 =	vshll.u32 v18, $0xA;
	v14 =	vor.u32 v7, v14;
	v17 =	vadd.s32 s31, v15;
	v11 =	vld [tilespmem:s28+$0x0];
	[tilespmem:v19+s17+$0x0] =	vst.idx.msk $0xffff, v0  }
0x2bc: {  	s24 =	simm.s32 $0x80;
	v15 =	vld [tilespmem:s28+$0x10];
	v18 =	vor.u32 v8, v17;
	v19 =	vshll.u32 v20, $0xA;
	v20 =	vadd.s32 s31, v16;
	[tilespmem:v21+s17+$0x0] =	vst.idx.msk $0xffff, v0  }
0x2bd: {  	v21 =	vshll.u32 v22, $0xA;
	v16 =	vld [tilespmem:s28+$0x20];
	v63 =	vadd.s32 s24, v19;
	v17 =	vor.u32 v1, v20;
	[tilespmem:v23+s17+$0x0] =	vst.idx.msk $0xffff, v0  }
0x2be: {  	s25 =	simm.s32 $0x8;
	s26 =	simm.s32 $0x1;
	v22 =	vshll.u32 v61, $0xA;
	v19 =	vld [tilespmem:s28+$0xFFFFFFC0];
	v21 =	vadd.s32 s24, v21;
	s28 =	simm.s32 $0x17140;
	v20 =	vor.u32 v9, v63;
	[tilespmem:v62+s17+$0x0] =	vst.idx.msk $0xffff, v0  }
.LBB2_23:
0x2bf: {  	v23 =	vld [tilespmem:s28+$0x30];
	s25 =	sadd.s32 $0x8, s25;
	v21 =	vor.u32 v3, v21;
	v22 =	vadd.s32 s24, v22;
	v12 =	vshll.u32 v12, $0xA;
	[tilespmem:v13+s17+$0x0] =	vst.idx.msk $0xffff, v0  }
0x2c0: {  	v24 =	vld [tilespmem:s28+$0xFFFFFFD0];
	p0 =	slt.u32 s25, $0x38;
	v22 =	vor.u32 v4, v22;
	v12 =	vadd.s32 s24, v12;
	v11 =	vshll.u32 v11, $0xA;
	[tilespmem:v14+s17+$0x0] =	vst.idx.msk $0xffff, v0  }
0x2c1: {  	v25 =	vld [tilespmem:s28+$0xFFFFFFE0];
	v26 =	vor.u32 v5, v12;
	v11 =	vadd.s32 s24, v11;
	v14 =	vshll.u32 v15, $0xA;
	[tilespmem:v18+s17+$0x0] =	vst.idx.msk $0xffff, v0  }
.Ltmp10:
0x2c2: {  	v12 =	vld [tilespmem:s28+$0xFFFFFFF0];
	v13 =	vor.u32 v6, v11;
	v14 =	vadd.s32 s24, v14;
	v15 =	vshll.u32 v16, $0xA;
	[tilespmem:v17+s17+$0x0] =	vst.idx.msk $0xffff, v0;
	(pc) =	sbr.rel @p0 .LBB2_23-.Ltmp10, $4  }
0x2c3: {  	s26 =	sadd.s32 $0x1, s26;
	v11 =	vld [tilespmem:s28+$0x0];
	v16 =	vshll.u32 v19, $0xA;
	v14 =	vor.u32 v7, v14;
	v17 =	vadd.s32 s24, v15;
	[tilespmem:v20+s17+$0x0] =	vst.idx.msk $0xffff, v0  }
0x2c4: {  	v15 =	vld [tilespmem:s28+$0x10];
	v19 =	vshll.u32 v23, $0xA;
	v20 =	vadd.s32 s24, v16;
	s24 =	sshll.u32 s26, $0x7;
	[tilespmem:v21+s17+$0x0] =	vst.idx.msk $0xffff, v0;
	v18 =	vor.u32 v8, v17  }
0x2c5: {  	v21 =	vshll.u32 v24, $0xA;
	v16 =	vld [tilespmem:s28+$0x20];
	v23 =	vadd.s32 s24, v19;
	v17 =	vor.u32 v1, v20;
	[tilespmem:v22+s17+$0x0] =	vst.idx.msk $0xffff, v0  }
0x2c6: {  	v19 =	vld [tilespmem:s28+$0xFFFFFFC0];
	v21 =	vadd.s32 s24, v21;
	v22 =	vshll.u32 v25, $0xA;
	v20 =	vor.u32 v9, v23;
	s28 =	sadd.s32 $0x80, s28;
	[tilespmem:v26+s17+$0x0] =	vst.idx.msk $0xffff, v0  }
0x2c7: {  	_ =	sdelay $0x3  }
0x2c8: {  	v21 =	vor.u32 v3, v21;
	v22 =	vadd.s32 s24, v22;
	v12 =	vshll.u32 v12, $0xA;
	[tilespmem:v13+s17+$0x0] =	vst.idx.msk $0xffff, v0  }
0x2c9: {  	[tilespmem:v14+s17+$0x0] =	vst.idx.msk $0xffff, v0;
	v13 =	vor.u32 v4, v22;
	v12 =	vadd.s32 s24, v12;
	v11 =	vshll.u32 v11, $0xA  }
0x2ca: {  	[tilespmem:v18+s17+$0x0] =	vst.idx.msk $0xffff, v0;
	v12 =	vor.u32 v5, v12;
	v11 =	vadd.s32 s24, v11;
	v14 =	vshll.u32 v15, $0xA  }
0x2cb: {  	[tilespmem:v17+s17+$0x0] =	vst.idx.msk $0xffff, v0;
	v11 =	vor.u32 v6, v11;
	v14 =	vadd.s32 s24, v14;
	v15 =	vshll.u32 v16, $0xA  }
0x2cc: {  	[tilespmem:v20+s17+$0x0] =	vst.idx.msk $0xffff, v0;
	v16 =	vshll.u32 v19, $0xA;
	v14 =	vor.u32 v7, v14;
	v15 =	vadd.s32 s24, v15  }
0x2cd: {  	v16 =	vadd.s32 s24, v16;
	[tilespmem:v21+s17+$0x0] =	vst.idx.msk $0xffff, v0;
	v15 =	vor.u32 v8, v15  }
0x2ce: {  	v16 =	vor.u32 v1, v16;
	[tilespmem:v13+s17+$0x0] =	vst.idx.msk $0xffff, v0  }
0x2cf: {  	[tilespmem:v12+s17+$0x0] =	vst.idx.msk $0xffff, v0  }
0x2d0: {  	[tilespmem:v11+s17+$0x0] =	vst.idx.msk $0xffff, v0  }
0x2d1: {  	[tilespmem:v14+s17+$0x0] =	vst.idx.msk $0xffff, v0  }
0x2d2: {  	[tilespmem:v15+s17+$0x0] =	vst.idx.msk $0xffff, v0  }
0x2d3: {  	[tilespmem:v16+s17+$0x0] =	vst.idx.msk $0xffff, v0  }
0x2d4: {  	v12 =	vld [tilespmem:s22+$0x0]  }
0x2d5: {  	v13 =	vld [tilespmem:s22+$0xFFFFFFA0]  }
0x2d6: {  	v14 =	vld [tilespmem:s22+$0xFFFFFFB0]  }
0x2d7: {  	v15 =	vld [tilespmem:s22+$0xFFFFFFC0]  }
0x2d8: {  	v16 =	vld [tilespmem:s22+$0xFFFFFFD0]  }
0x2d9: {  	v17 =	vld [tilespmem:s22+$0xFFFFFFE0]  }
0x2da: {  	v11 =	vld [tilespmem:s22+$0xFFFFFFF0]  }
0x2db: {  	v20 =	vld [tilespmem:s22+$0xFFFFFF90];
	_ =	sdelay $0x1  }
0x2dc: {  	v18 =	vmul.f32 $3.100000000e+01, v12;
	v19 =	vmul.f32 $3.100000000e+01, v13  }
0x2dd: {  	v21 =	vmul.f32 $3.100000000e+01, v14;
	v22 =	vmul.f32 $3.100000000e+01, v15  }
0x2de: {  	v23 =	vmul.f32 $3.100000000e+01, v16;
	v24 =	vmul.f32 $3.100000000e+01, v17  }
0x2df: {  	v25 =	vmul.f32 $3.100000000e+01, v11;
	v26 =	vmul.f32 $3.100000000e+01, v20  }
0x2e0: {  	v18 =	vtrunc.f32 v18;
	v19 =	vtrunc.f32 v19  }
0x2e1: {  	v21 =	vtrunc.f32 v21;
	v22 =	vtrunc.f32 v22  }
0x2e2: {  	v23 =	vtrunc.f32 v23;
	v18 =	vcvt.f32.s32 v18  }
0x2e3: {  	v24 =	vtrunc.f32 v24;
	v26 =	vtrunc.f32 v26  }
0x2e4: {  	v25 =	vtrunc.f32 v25;
	v19 =	vcvt.f32.s32 v19;
	v18 =	vadd.s32 $0x1, v18  }
0x2e5: {  	v26 =	vcvt.f32.s32 v26;
	v21 =	vcvt.f32.s32 v21;
	vm0 =	vgt.s32 v18, $0x1  }
0x2e6: {  	v22 =	vcvt.f32.s32 v22;
	v23 =	vcvt.f32.s32 v23;
	v18 =	vnsel vm0, $0x1, v18  }
0x2e7: {  	v24 =	vcvt.f32.s32 v24;
	v25 =	vcvt.f32.s32 v25;
	v18 =	vmin.u32 v18, $0x20  }
0x2e8: {  	v19 =	vadd.s32 $0x1, v19;
	v26 =	vadd.s32 $0x1, v26;
	v27 =	vadd.s32 $0x1, v18  }
0x2e9: {  	v21 =	vadd.s32 $0x1, v21;
	vm1 =	vgt.s32 v19, $0x1;
	vm0 =	vgt.s32 v26, $0x1  }
0x2ea: {  	v22 =	vadd.s32 $0x1, v22;
	v19 =	vnsel vm1, $0x1, v19;
	v26 =	vnsel vm0, $0x1, v26  }
0x2eb: {  	vm1 =	vgt.s32 v22, $0x1;
	v29 =	vmin.u32 v19, $0x20;
	v26 =	vmin.u32 v26, $0x20  }
0x2ec: {  	v19 =	vadd.s32 $0x1, v25;
	v22 =	vnsel vm1, $0x1, v22;
	v25 =	vadd.s32 $0x1, v26;
	v28 =	vld.idx.msk [tilespmem:v18+s11+$0x0], $0xffff  }
0x2ed: {  	vm0 =	vgt.s32 v21, $0x1;
	v22 =	vmin.u32 v22, $0x20;
	v27 =	vld.idx.msk [tilespmem:v27+s11+$0x0], $0xffff  }
0x2ee: {  	v23 =	vadd.s32 $0x1, v23;
	v24 =	vadd.s32 $0x1, v24;
	v21 =	vnsel vm0, $0x1, v21  }
0x2ef: {  	vm1 =	vgt.s32 v24, $0x1;
	vm0 =	vgt.s32 v23, $0x1;
	v21 =	vmin.u32 v21, $0x20  }
0x2f0: {  	vm2 =	vgt.s32 v19, $0x1;
	v24 =	vnsel vm1, $0x1, v24;
	v31 =	vadd.s32 $0x1, v29;
	v30 =	vld.idx.msk [tilespmem:v26+s11+$0x0], $0xffff  }
0x2f1: {  	v23 =	vnsel vm0, $0x1, v23;
	v19 =	vnsel vm2, $0x1, v19;
	v32 =	vadd.s32 $0x1, v22;
	v25 =	vld.idx.msk [tilespmem:v25+s11+$0x0], $0xffff  }
0x2f2: {  	v36 =	vld.idx.msk [tilespmem:v22+s11+$0x0], $0xffff;
	vm0 =	vlt.f32 v12, v28;
	vm1 =	vge.f32 v12, v27;
	v12 =	vadd.s32 $0x1, v21  }
0x2f3: {  	v35 =	vmin.u32 v24, $0x20;
	v23 =	vmin.u32 v23, $0x20;
	v54 =	vmin.u32 v19, $0x20;
	v27 =	vld.idx.msk [tilespmem:v29+s11+$0x0], $0xffff  }
0x2f4: {  	v24 =	vadd.s32 $0x1, v23;
	v33 =	vld.idx.msk [tilespmem:v21+s11+$0x0], $0xffff;
	v28 =	vsel vm0, $0xFFFFFFFF, v2;
	v34 =	vsel vm1, $0x1, v2  }
0x2f5: {  	v37 =	vadd.s32 $0x1, v35;
	v31 =	vld.idx.msk [tilespmem:v31+s11+$0x0], $0xffff;
	vm0 =	vlt.f32 v20, v30;
	v28 =	vadd.s32 v28, v34  }
0x2f6: {  	v30 =	vld.idx.msk [tilespmem:v32+s11+$0x0], $0xffff;
	vm1 =	vge.f32 v20, v25;
	v19 =	vadd.s32 v18, v28;
	v18 =	vadd.s32 $0x1, v54  }
0x2f7: {  	v55 =	vsel vm0, $0xFFFFFFFF, v2;
	v25 =	vsel vm1, $0x1, v2;
	v12 =	vld.idx.msk [tilespmem:v12+s11+$0x0], $0xffff  }
0x2f8: {  	v25 =	vadd.s32 v55, v25;
	vm0 =	vlt.f32 v13, v27  }
0x2f9: {  	s26 =	simm.s32 $0x0;
	v24 =	vld.idx.msk [tilespmem:v24+s11+$0x0], $0xffff;
	v28 =	vshll.u32 v19, $0xA;
	v27 =	vsel vm0, $0xFFFFFFFF, v2;
	vm0 =	vlt.f32 v14, v33  }
0x2fa: {  	v56 =	vld.idx.msk [tilespmem:v37+s11+$0x0], $0xffff;
	v28 =	vadd.s32 s26, v28;
	v20 =	vsel vm0, $0xFFFFFFFF, v2;
	vm0 =	vlt.f32 v15, v36  }
0x2fb: {  	vm1 =	vge.f32 v15, v30;
	v18 =	vld.idx.msk [tilespmem:v18+s11+$0x0], $0xffff;
	v36 =	vsel vm0, $0xFFFFFFFF, v2;
	vm0 =	vge.f32 v13, v31  }
0x2fc: {  	s30 =	sadd.s32 $0x80, s22;
	v28 =	vor.u32 v9, v28;
	v13 =	vld.idx.msk [tilespmem:v23+s11+$0x0], $0xffff;
	v31 =	vsel vm0, $0x1, v2;
	vm0 =	vge.f32 v14, v12  }
0x2fd: {  	v59 =	vld [tilespmem:s30+$0x0];
	v14 =	vadd.s32 v27, v31;
	v27 =	vsel vm1, $0x1, v2;
	v15 =	vsel vm0, $0x1, v2  }
0x2fe: {  	v30 =	vld [tilespmem:s30+$0xFFFFFFB0];
	vm0 =	vge.f32 v16, v24;
	v24 =	vadd.s32 v29, v14;
	v15 =	vadd.s32 v20, v15  }
0x2ff: {  	v12 =	vld.idx.msk [tilespmem:v35+s11+$0x0], $0xffff;
	v20 =	vadd.s32 v36, v27;
	v58 =	vsel vm0, $0x1, v2;
	vm0 =	vge.f32 v17, v56  }
0x300: {  	v31 =	vld [tilespmem:s30+$0xFFFFFFA0];
	v27 =	vadd.s32 v26, v25;
	v34 =	vshll.u32 v24, $0xA;
	v25 =	vsel vm0, $0x1, v2  }
0x301: {  	vm0 =	vge.f32 v11, v18;
	vm1 =	vlt.f32 v16, v13;
	v14 =	vadd.s32 v21, v15  }
0x302: {  	v57 =	vld.idx.msk [tilespmem:v54+s11+$0x0], $0xffff;
	v15 =	vadd.s32 v22, v20;
	v20 =	vmul.f32 $3.100000000e+01, v59;
	v32 =	vshll.u32 v27, $0xA  }
0x303: {  	v22 =	vmul.f32 $3.100000000e+01, v30;
	v34 =	vadd.s32 s26, v34;
	v16 =	vsel vm0, $0x1, v2  }
0x304: {  	v29 =	vld [tilespmem:s30+$0xFFFFFFC0];
	v13 =	vsel vm1, $0xFFFFFFFF, v2;
	v37 =	vshll.u32 v15, $0xA;
	v32 =	vadd.s32 s26, v32  }
0x305: {  	v36 =	vld [tilespmem:s30+$0xFFFFFF90];
	vm0 =	vlt.f32 v17, v12;
	v12 =	vadd.s32 v13, v58;
	v21 =	vmul.f32 $3.100000000e+01, v31  }
0x306: {  	[tilespmem:v28+s17+$0x0] =	vst.idx.msk $0xffff, v10;
	v20 =	vtrunc.f32 v20;
	v22 =	vtrunc.f32 v22;
	v28 =	vadd.s32 s26, v37  }
0x307: {  	v18 =	vld [tilespmem:s30+$0xFFFFFFD0];
	v53 =	vor.u32 v1, v32;
	v13 =	vsel vm0, $0xFFFFFFFF, v2;
	vm0 =	vlt.f32 v11, v57  }
0x308: {  	v20 =	vcvt.f32.s32 v20;
	v22 =	vcvt.f32.s32 v22;
	v11 =	vadd.s32 v13, v25  }
0x309: {  	v17 =	vsel vm0, $0xFFFFFFFF, v2;
	v13 =	vadd.s32 v23, v12;
	v23 =	vmul.f32 $3.100000000e+01, v29  }
0x30a: {  	v21 =	vtrunc.f32 v21;
	v41 =	vmul.f32 $3.100000000e+01, v36;
	v12 =	vadd.s32 v35, v11  }
0x30b: {  	v11 =	vadd.s32 v17, v16;
	v35 =	vshll.u32 v14, $0xA;
	v38 =	vshll.u32 v13, $0xA  }
0x30c: {  	v25 =	vmul.f32 $3.100000000e+01, v18;
	v20 =	vadd.s32 $0x1, v20;
	v21 =	vcvt.f32.s32 v21  }
0x30d: {  	v22 =	vadd.s32 $0x1, v22;
	v11 =	vadd.s32 v54, v11;
	v39 =	vshll.u32 v12, $0xA  }
0x30e: {  	v17 =	vld [tilespmem:s30+$0xFFFFFFE0];
	v23 =	vtrunc.f32 v23;
	vm0 =	vgt.s32 v20, $0x1;
	vm2 =	vgt.s32 v22, $0x1  }
0x30f: {  	v16 =	vld [tilespmem:s30+$0xFFFFFFF0];
	v35 =	vadd.s32 s26, v35;
	v54 =	vor.u32 v3, v34;
	v34 =	vor.u32 v5, v28  }
0x310: {  	v25 =	vtrunc.f32 v25;
	v20 =	vnsel vm0, $0x1, v20;
	v43 =	vshll.u32 v11, $0xA  }
0x311: {  	v21 =	vadd.s32 $0x1, v21;
	v23 =	vcvt.f32.s32 v23;
	v42 =	vmin.u32 v20, $0x20  }
0x312: {  	v20 =	vtrunc.f32 v41;
	v25 =	vcvt.f32.s32 v25;
	vm1 =	vgt.s32 v21, $0x1  }
0x313: {  	v60 =	vadd.s32 $0x1, v42;
	v20 =	vcvt.f32.s32 v20;
	v26 =	vmul.f32 $3.100000000e+01, v17  }
0x314: {  	v23 =	vadd.s32 $0x1, v23;
	v40 =	vmul.f32 $3.100000000e+01, v16;
	v25 =	vadd.s32 $0x1, v25  }
0x315: {  	vm3 =	vgt.s32 v23, $0x1;
	v20 =	vadd.s32 $0x1, v20;
	v26 =	vtrunc.f32 v26  }
0x316: {  	v40 =	vtrunc.f32 v40;
	vm0 =	vgt.s32 v20, $0x1;
	v26 =	vcvt.f32.s32 v26  }
0x317: {  	v40 =	vcvt.f32.s32 v40;
	v20 =	vnsel vm0, $0x1, v20;
	vm0 =	vgt.s32 v25, $0x1  }
0x318: {  	v45 =	vmin.u32 v20, $0x20;
	v20 =	vnsel vm1, $0x1, v21;
	v21 =	vnsel vm2, $0x1, v22  }
0x319: {  	v44 =	vld.idx.msk [tilespmem:v42+s11+$0x0], $0xffff;
	v22 =	vnsel vm3, $0x1, v23;
	v46 =	vnsel vm0, $0x1, v25;
	v26 =	vadd.s32 $0x1, v26  }
0x31a: {  	v41 =	vld.idx.msk [tilespmem:v60+s11+$0x0], $0xffff;
	v40 =	vadd.s32 $0x1, v40;
	v25 =	vmin.u32 v21, $0x20;
	v23 =	vmin.u32 v22, $0x20  }
0x31b: {  	v22 =	vmin.u32 v46, $0x20;
	v56 =	vadd.s32 $0x1, v45;
	vm4 =	vgt.s32 v26, $0x1  }
0x31c: {  	vm5 =	vgt.s32 v40, $0x1;
	v47 =	vnsel vm4, $0x1, v26;
	v26 =	vmin.u32 v20, $0x20  }
0x31d: {  	v58 =	vadd.s32 $0x1, v25;
	v48 =	vadd.s32 $0x1, v23;
	v49 =	vadd.s32 $0x1, v22  }
0x31e: {  	v20 =	vnsel vm5, $0x1, v40;
	vm0 =	vlt.f32 v59, v44;
	v57 =	vadd.s32 $0x1, v26;
	v63 =	vld.idx.msk [tilespmem:v45+s11+$0x0], $0xffff  }
0x31f: {  	v21 =	vmin.u32 v47, $0x20;
	v20 =	vmin.u32 v20, $0x20;
	vm1 =	vge.f32 v59, v41;
	v50 =	vld.idx.msk [tilespmem:v25+s11+$0x0], $0xffff  }
0x320: {  	v61 =	vsel vm0, $0xFFFFFFFF, v2;
	v51 =	vadd.s32 $0x1, v21;
	v62 =	vsel vm1, $0x1, v2;
	v40 =	vld.idx.msk [tilespmem:v56+s11+$0x0], $0xffff  }
0x321: {  	v52 =	vadd.s32 $0x1, v20;
	v56 =	vor.u32 v4, v35;
	v33 =	vadd.s32 v61, v62;
	v60 =	vld.idx.msk [tilespmem:v26+s11+$0x0], $0xffff  }
0x322: {  	[tilespmem:v53+s17+$0x0] =	vst.idx.msk $0xffff, v10;
	v41 =	vld.idx.msk [tilespmem:v23+s11+$0x0], $0xffff;
	v61 =	vadd.s32 s26, v38;
	v62 =	vadd.s32 s26, v39;
	v42 =	vadd.s32 v42, v33  }
0x323: {  	s25 =	simm.s32 $0x80;
	v35 =	vor.u32 v6, v61;
	v33 =	vor.u32 v7, v62;
	v59 =	vshll.u32 v42, $0xA;
	v39 =	vld.idx.msk [tilespmem:v57+s11+$0x0], $0xffff  }
0x324: {  	[tilespmem:v54+s17+$0x0] =	vst.idx.msk $0xffff, v10;
	v55 =	vld.idx.msk [tilespmem:v58+s11+$0x0], $0xffff;
	v46 =	vadd.s32 s25, v59;
	vm0 =	vlt.f32 v36, v63;
	v63 =	vadd.s32 s26, v43  }
0x325: {  	v57 =	vld.idx.msk [tilespmem:v48+s11+$0x0], $0xffff;
	v46 =	vor.u32 v9, v46;
	v28 =	vsel vm0, $0xFFFFFFFF, v2;
	vm0 =	vlt.f32 v30, v50  }
0x326: {  	s24 =	simm.s32 $0x17040;
	v59 =	vld.idx.msk [tilespmem:v49+s11+$0x0], $0xffff;
	v32 =	vor.u32 v8, v63;
	vm1 =	vlt.f32 v31, v60;
	v60 =	vsel vm0, $0xFFFFFFFF, v2  }
0x327: {  	[tilespmem:s24+$0x30] =	vst v19;
	v61 =	vld.idx.msk [tilespmem:v51+s11+$0x0], $0xffff;
	vm0 =	vlt.f32 v29, v41;
	v58 =	vsel vm1, $0xFFFFFFFF, v2;
	vm1 =	vge.f32 v36, v40  }
0x328: {  	v62 =	vld.idx.msk [tilespmem:v52+s11+$0x0], $0xffff;
	[tilespmem:v56+s17+$0x0] =	vst.idx.msk $0xffff, v10;
	v19 =	vsel vm0, $0xFFFFFFFF, v2;
	vm0 =	vge.f32 v31, v39;
	v36 =	vsel vm1, $0x1, v2  }
0x329: {  	v31 =	vld.idx.msk [tilespmem:v22+s11+$0x0], $0xffff;
	v63 =	vsel vm0, $0x1, v2;
	vm0 =	vge.f32 v30, v55;
	v36 =	vadd.s32 v28, v36  }
0x32a: {  	[tilespmem:s24+$0xFFFFFFC0] =	vst v27;
	v28 =	vld.idx.msk [tilespmem:v21+s11+$0x0], $0xffff;
	v27 =	vadd.s32 v58, v63;
	v30 =	vsel vm0, $0x1, v2;
	vm0 =	vge.f32 v29, v57  }
0x32b: {  	[tilespmem:s24+$0xFFFFFFD0] =	vst v24;
	v29 =	vld.idx.msk [tilespmem:v20+s11+$0x0], $0xffff;
	v38 =	vadd.s32 v60, v30;
	v30 =	vsel vm0, $0x1, v2;
	vm0 =	vge.f32 v18, v59  }
0x32c: {  	s23 =	sadd.s32 $0x3, s23;
	s26 =	simm.s32 $0x170C0;
	[tilespmem:v46+s17+$0x0] =	vst.idx.msk $0xffff, v10;
	v30 =	vadd.s32 v19, v30;
	v37 =	vsel vm0, $0x1, v2;
	vm0 =	vge.f32 v17, v61  }
0x32d: {  	s28 =	simm.s32 $0x8;
	s29 =	simm.s32 $0x1;
	s30 =	sadd.s32 $0x80, s30;
	[tilespmem:s26+$0x30] =	vst v42;
	v19 =	vadd.s32 v45, v36;
	v36 =	vsel vm0, $0x1, v2;
	vm0 =	vge.f32 v16, v62  }
.LBB2_25:
0x32e: {  	v39 =	vld [tilespmem:s30+$0x0];
	v24 =	vadd.s32 v26, v27;
	vm1 =	vlt.f32 v18, v31;
	v26 =	vsel vm0, $0x1, v2;
	[tilespmem:s24+$0xFFFFFFE0] =	vst v14  }
0x32f: {  	s28 =	sadd.s32 $0x8, s28;
	v14 =	vadd.s32 v25, v38;
	vm0 =	vlt.f32 v17, v28;
	v27 =	vld [tilespmem:s30+$0xFFFFFFA0];
	v18 =	vsel vm1, $0xFFFFFFFF, v2;
	[tilespmem:v34+s17+$0x0] =	vst.idx.msk $0xffff, v10  }
0x330: {  	p0 =	slt.u32 s28, $0x38;
	v28 =	vld [tilespmem:s30+$0xFFFFFFB0];
	v17 =	vadd.s32 v18, v37;
	v18 =	vsel vm0, $0xFFFFFFFF, v2;
	vm0 =	vlt.f32 v16, v29;
	[tilespmem:s24+$0xFFFFFFF0] =	vst v15  }
0x331: {  	v15 =	vadd.s32 v23, v30;
	v29 =	vld [tilespmem:s30+$0xFFFFFFC0];
	v16 =	vadd.s32 v18, v36;
	v23 =	vsel vm0, $0xFFFFFFFF, v2;
	[tilespmem:v35+s17+$0x0] =	vst.idx.msk $0xffff, v10  }
0x332: {  	v18 =	vld [tilespmem:s30+$0xFFFFFFD0];
	v21 =	vadd.s32 v21, v16;
	v16 =	vadd.s32 v23, v26;
	[tilespmem:s24+$0x0] =	vst v13;
	v13 =	vadd.s32 v22, v17  }
0x333: {  	v31 =	vshll.u32 v19, $0xA;
	v17 =	vld [tilespmem:s30+$0xFFFFFFE0];
	v22 =	vmul.f32 $3.100000000e+01, v39;
	v20 =	vadd.s32 v20, v16;
	[tilespmem:v33+s17+$0x0] =	vst.idx.msk $0xffff, v10  }
0x334: {  	v34 =	vshll.u32 v14, $0xA;
	v33 =	vshll.u32 v24, $0xA;
	v23 =	vmul.f32 $3.100000000e+01, v27;
	v16 =	vld [tilespmem:s30+$0xFFFFFFF0];
	[tilespmem:s24+$0x10] =	vst v12;
	v12 =	vmovc v21  }
0x335: {  	v35 =	vshll.u32 v15, $0xA;
	v30 =	vld [tilespmem:s30+$0xFFFFFF90];
	v21 =	vmul.f32 $3.100000000e+01, v28;
	v22 =	vtrunc.f32 v22;
	[tilespmem:v32+s17+$0x0] =	vst.idx.msk $0xffff, v10  }
0x336: {  	v32 =	vshll.u32 v13, $0xA;
	v25 =	vmul.f32 $3.100000000e+01, v29;
	v22 =	vcvt.f32.s32 v22;
	[tilespmem:s24+$0x20] =	vst v11;
	v11 =	vmovc v20;
	s24 =	smov.u32 s26  }
0x337: {  	v36 =	vshll.u32 v12, $0xA;
	v20 =	vtrunc.f32 v23;
	v23 =	vmul.f32 $3.100000000e+01, v18  }
0x338: {  	v21 =	vtrunc.f32 v21;
	v26 =	vmul.f32 $3.100000000e+01, v17;
	v22 =	vadd.s32 $0x1, v22  }
0x339: {  	v25 =	vtrunc.f32 v25;
	v37 =	vmul.f32 $3.100000000e+01, v16;
	vm0 =	vgt.s32 v22, $0x1  }
0x33a: {  	v23 =	vtrunc.f32 v23;
	v38 =	vmul.f32 $3.100000000e+01, v30;
	v22 =	vnsel vm0, $0x1, v22  }
0x33b: {  	v26 =	vtrunc.f32 v26;
	v37 =	vtrunc.f32 v37;
	v40 =	vmin.u32 v22, $0x20  }
0x33c: {  	v20 =	vcvt.f32.s32 v20;
	v22 =	vtrunc.f32 v38;
	v38 =	vadd.s32 $0x1, v40  }
0x33d: {  	v41 =	vshll.u32 v11, $0xA;
	v21 =	vcvt.f32.s32 v21;
	v22 =	vcvt.f32.s32 v22  }
0x33e: {  	v20 =	vadd.s32 $0x1, v20;
	v25 =	vcvt.f32.s32 v25;
	v23 =	vcvt.f32.s32 v23  }
0x33f: {  	v26 =	vcvt.f32.s32 v26;
	v37 =	vcvt.f32.s32 v37;
	v22 =	vadd.s32 $0x1, v22  }
0x340: {  	v21 =	vadd.s32 $0x1, v21;
	v25 =	vadd.s32 $0x1, v25;
	v23 =	vadd.s32 $0x1, v23;
	v42 =	vld.idx.msk [tilespmem:v40+s11+$0x0], $0xffff  }
0x341: {  	v26 =	vadd.s32 $0x1, v26;
	v37 =	vadd.s32 $0x1, v37;
	vm0 =	vgt.s32 v22, $0x1;
	v38 =	vld.idx.msk [tilespmem:v38+s11+$0x0], $0xffff  }
0x342: {  	vm1 =	vgt.s32 v20, $0x1;
	vm2 =	vgt.s32 v21, $0x1;
	vm3 =	vgt.s32 v25, $0x1  }
0x343: {  	vm4 =	vgt.s32 v23, $0x1;
	vm5 =	vgt.s32 v26, $0x1;
	vm6 =	vgt.s32 v37, $0x1  }
0x344: {  	v20 =	vnsel vm1, $0x1, v20;
	v21 =	vnsel vm2, $0x1, v21;
	v22 =	vnsel vm0, $0x1, v22  }
0x345: {  	v43 =	vnsel vm3, $0x1, v25;
	v44 =	vnsel vm4, $0x1, v23;
	v45 =	vnsel vm5, $0x1, v26  }
0x346: {  	v26 =	vmin.u32 v20, $0x20;
	v20 =	vnsel vm6, $0x1, v37;
	v46 =	vmin.u32 v22, $0x20  }
0x347: {  	v25 =	vmin.u32 v21, $0x20;
	vm0 =	vlt.f32 v39, v42;
	vm1 =	vge.f32 v39, v38  }
0x348: {  	v23 =	vmin.u32 v43, $0x20;
	v37 =	vsel vm0, $0xFFFFFFFF, v2;
	v38 =	vsel vm1, $0x1, v2  }
0x349: {  	v21 =	vmin.u32 v45, $0x20;
	v22 =	vmin.u32 v44, $0x20;
	v37 =	vadd.s32 v37, v38  }
0x34a: {  	s29 =	sadd.s32 $0x1, s29;
	v20 =	vmin.u32 v20, $0x20;
	v38 =	vadd.s32 $0x1, v46;
	v37 =	vadd.s32 v40, v37  }
0x34b: {  	s1 =	sshll.u32 s29, $0x7;
	v42 =	vadd.s32 $0x1, v25;
	v40 =	vadd.s32 $0x1, v26;
	v43 =	vshll.u32 v37, $0xA;
	v39 =	vld.idx.msk [tilespmem:v46+s11+$0x0], $0xffff  }
0x34c: {  	v45 =	vadd.s32 $0x1, v23;
	v47 =	vadd.s32 $0x1, v22;
	v43 =	vadd.s32 s1, v43;
	v44 =	vld.idx.msk [tilespmem:v26+s11+$0x0], $0xffff  }
0x34d: {  	v49 =	vadd.s32 $0x1, v21;
	v50 =	vadd.s32 $0x1, v20;
	v43 =	vor.u32 v9, v43;
	v48 =	vld.idx.msk [tilespmem:v25+s11+$0x0], $0xffff  }
0x34e: {  	v31 =	vadd.s32 s25, v31;
	v34 =	vadd.s32 s25, v34;
	v33 =	vadd.s32 s25, v33;
	v51 =	vld.idx.msk [tilespmem:v23+s11+$0x0], $0xffff  }
0x34f: {  	v35 =	vadd.s32 s25, v35;
	v32 =	vadd.s32 s25, v32;
	v36 =	vadd.s32 s25, v36;
	v38 =	vld.idx.msk [tilespmem:v38+s11+$0x0], $0xffff  }
0x350: {  	v52 =	vor.u32 v1, v31;
	v53 =	vor.u32 v3, v33;
	v31 =	vadd.s32 s25, v41;
	s25 =	smov.u32 s1;
	v40 =	vld.idx.msk [tilespmem:v40+s11+$0x0], $0xffff  }
0x351: {  	v41 =	vor.u32 v4, v34;
	v34 =	vor.u32 v5, v35;
	vm0 =	vlt.f32 v30, v39;
	v39 =	vld.idx.msk [tilespmem:v42+s11+$0x0], $0xffff  }
0x352: {  	s26 =	sadd.s32 $0x80, s26;
	v42 =	vsel vm0, $0xFFFFFFFF, v2;
	vm0 =	vlt.f32 v27, v44;
	v44 =	vld.idx.msk [tilespmem:v45+s11+$0x0], $0xffff;
	[tilespmem:v43+s17+$0x0] =	vst.idx.msk $0xffff, v10  }
0x353: {  	v35 =	vor.u32 v6, v32;
	v43 =	vsel vm0, $0xFFFFFFFF, v2;
	vm0 =	vlt.f32 v28, v48;
	v45 =	vld.idx.msk [tilespmem:v47+s11+$0x0], $0xffff;
	[tilespmem:s26+$0x30] =	vst v37  }
0x354: {  	v33 =	vor.u32 v7, v36;
	v37 =	vsel vm0, $0xFFFFFFFF, v2;
	vm0 =	vlt.f32 v29, v51;
	v47 =	vld.idx.msk [tilespmem:v49+s11+$0x0], $0xffff  }
0x355: {  	v32 =	vor.u32 v8, v31;
	vm1 =	vge.f32 v30, v38;
	v30 =	vsel vm0, $0xFFFFFFFF, v2;
	v48 =	vld.idx.msk [tilespmem:v50+s11+$0x0], $0xffff  }
0x356: {  	v36 =	vsel vm1, $0x1, v2;
	vm0 =	vge.f32 v27, v40;
	v31 =	vld.idx.msk [tilespmem:v22+s11+$0x0], $0xffff;
	[tilespmem:v52+s17+$0x0] =	vst.idx.msk $0xffff, v10  }
.Ltmp11:
0x357: {  	v36 =	vadd.s32 v42, v36;
	v27 =	vsel vm0, $0x1, v2;
	vm0 =	vge.f32 v28, v39;
	v28 =	vld.idx.msk [tilespmem:v21+s11+$0x0], $0xffff;
	[tilespmem:s24+$0xFFFFFFC0] =	vst v19;
	(pc) =	sbr.rel @p0 .LBB2_25-.Ltmp11, $4  }
0x358: {  	v27 =	vadd.s32 v43, v27;
	v19 =	vsel vm0, $0x1, v2;
	vm0 =	vge.f32 v29, v44;
	v29 =	vld.idx.msk [tilespmem:v20+s11+$0x0], $0xffff  }
0x359: {  	v38 =	vadd.s32 v37, v19;
	v19 =	vsel vm0, $0x1, v2;
	vm0 =	vge.f32 v18, v45;
	[tilespmem:v53+s17+$0x0] =	vst.idx.msk $0xffff, v10  }
0x35a: {  	v30 =	vadd.s32 v30, v19;
	v37 =	vsel vm0, $0x1, v2;
	vm0 =	vge.f32 v17, v47;
	[tilespmem:s24+$0xFFFFFFD0] =	vst v24  }
0x35b: {  	s30 =	sadd.s32 $0x80, s30;
	v19 =	vadd.s32 v46, v36;
	v36 =	vsel vm0, $0x1, v2;
	vm0 =	vge.f32 v16, v48;
	[tilespmem:v41+s17+$0x0] =	vst.idx.msk $0xffff, v10  }
0x35c: {  	_ =	sdelay $0x2  }
0x35d: {  	[tilespmem:s24+$0xFFFFFFE0] =	vst v14  }
0x35e: {  	[tilespmem:v34+s17+$0x0] =	vst.idx.msk $0xffff, v10  }
0x35f: {  	v47 =	vshll.u32 v19, $0xA;
	v48 =	vadd.s32 v26, v27;
	[tilespmem:v35+s17+$0x0] =	vst.idx.msk $0xffff, v10  }
0x360: {  	vm1 =	vlt.f32 v18, v31;
	v24 =	vadd.s32 v25, v38;
	[tilespmem:v33+s17+$0x0] =	vst.idx.msk $0xffff, v10;
	v14 =	vadd.s32 s25, v47  }
0x361: {  	vm14 =	vlt.f32 v17, v28;
	[tilespmem:v32+s17+$0x0] =	vst.idx.msk $0xffff, v10;
	v50 =	vshll.u32 v48, $0xA;
	v14 =	vor.u32 v1, v14  }
0x362: {  	v23 =	vadd.s32 v23, v30;
	[tilespmem:s24+$0x0] =	vst v13;
	v52 =	vshll.u32 v24, $0xA;
	v13 =	vadd.s32 s25, v50  }
0x363: {  	[tilespmem:s24+$0xFFFFFFF0] =	vst v15;
	v56 =	vshll.u32 v23, $0xA;
	v17 =	vadd.s32 s25, v52;
	v53 =	vor.u32 v3, v13  }
0x364: {  	v51 =	vsel vm1, $0xFFFFFFFF, v2;
	[tilespmem:s24+$0x20] =	vst v11;
	v57 =	vadd.s32 s25, v56;
	v11 =	vor.u32 v4, v17  }
0x365: {  	[tilespmem:s24+$0x10] =	vst v12;
	vm15 =	vlt.f32 v16, v29;
	v54 =	vadd.s32 v51, v37;
	v16 =	vor.u32 v5, v57  }
0x366: {  	v49 =	vsel vm0, $0x1, v2;
	v55 =	vsel vm14, $0xFFFFFFFF, v2;
	v13 =	vadd.s32 v22, v54;
	[tilespmem:v14+s17+$0x0] =	vst.idx.msk $0xffff, v10  }
0x367: {  	v58 =	vadd.s32 v55, v36;
	v60 =	vsel vm15, $0xFFFFFFFF, v2;
	v59 =	vshll.u32 v13, $0xA;
	[tilespmem:s26+$0xFFFFFFC0] =	vst v19  }
0x368: {  	v61 =	vadd.s32 v60, v49;
	v17 =	vadd.s32 s25, v59;
	v14 =	vadd.s32 v21, v58;
	[tilespmem:v53+s17+$0x0] =	vst.idx.msk $0xffff, v10  }
0x369: {  	v12 =	vadd.s32 v20, v61;
	v17 =	vor.u32 v6, v17;
	v62 =	vshll.u32 v14, $0xA;
	[tilespmem:v11+s17+$0x0] =	vst.idx.msk $0xffff, v10  }
0x36a: {  	v11 =	vshll.u32 v12, $0xA;
	[tilespmem:v16+s17+$0x0] =	vst.idx.msk $0xffff, v10;
	v63 =	vadd.s32 s25, v62  }
0x36b: {  	[tilespmem:s26+$0xFFFFFFD0] =	vst v48;
	v11 =	vadd.s32 s25, v11;
	v15 =	vor.u32 v7, v63  }
0x36c: {  	[tilespmem:s26+$0xFFFFFFE0] =	vst v24;
	v11 =	vor.u32 v8, v11  }
0x36d: {  	[tilespmem:s26+$0xFFFFFFF0] =	vst v23  }
0x36e: {  	s20 =	sadd.s32 $0x1, s20;
	[tilespmem:v17+s17+$0x0] =	vst.idx.msk $0xffff, v10  }
0x36f: {  	p0 =	sne.s32 s20, $0xB;
	[tilespmem:s26+$0x0] =	vst v13  }
.Ltmp12:
0x370: {  	s1 =	sadd.s32 s8, s23;
	[tilespmem:v15+s17+$0x0] =	vst.idx.msk $0xffff, v10;
	(pc) =	sbr.rel @p0 .LBB2_18-.Ltmp12, $4  }
0x371: {  	s1 =	sshll.u32 s1, $0x7;
	[tilespmem:v11+s17+$0x0] =	vst.idx.msk $0xffff, v10  }
0x372: {  	s1 =	sand.u32 $0x1FFFFF80, s1;
	[tilespmem:s26+$0x10] =	vst v14  }
0x373: {  	s21 =	sadd.s32 $0x800, s21;
	s22 =	sadd.s32 $0x800, s22;
	s1 =	sadd.s32 s3, s1;
	[tilespmem:s26+$0x20] =	vst v12  }
0x374: {  	[hbm4b:s1+s15] =	stream.strided.scatter [tilespmem:s17], [sflag:$0x2], $0x8400, s16, s15, $0x38;
	[tilespmem:$0x17480] =	vst v63  }
0x375: {  	_ =	swait.ge [sflag:s13], $0x8400  }
0x376: {  	[sflag:s13] =	ssyncset.done $0x0  }
0x377: {  	s1 =	simm.s32 $0x16C40;
	[sflag:s13] =	ssyncadd.s32 $0xFFFF7C00  }
0x378: {  	v11 =	vld [tilespmem:s1+$0x30]  }
0x379: {  	v12 =	vld [tilespmem:s1+$0xFFFFFFD0]  }
0x37a: {  	v13 =	vld [tilespmem:s1+$0xFFFFFFE0]  }
0x37b: {  	v14 =	vld [tilespmem:s1+$0xFFFFFFF0]  }
0x37c: {  	v15 =	vld [tilespmem:s1+$0x0]  }
0x37d: {  	s22 =	simm.s32 $0x0;
	v16 =	vld [tilespmem:s1+$0x10];
	v11 =	vshll.u32 v11, $0xA  }
0x37e: {  	v17 =	vld [tilespmem:s1+$0x20];
	v12 =	vshll.u32 v12, $0xA;
	v11 =	vadd.s32 s22, v11  }
0x37f: {  	s31 =	simm.s32 $0x16CC0;
	v18 =	vld [tilespmem:s1+$0xFFFFFFC0];
	v13 =	vshll.u32 v13, $0xA;
	v12 =	vadd.s32 s22, v12;
	v19 =	vor.u32 v9, v11  }
0x380: {  	v20 =	vld [tilespmem:s31+$0x30];
	v21 =	vor.u32 v3, v12;
	v11 =	vadd.s32 s22, v13;
	v12 =	vshll.u32 v14, $0xA  }
0x381: {  	v22 =	vld [tilespmem:s31+$0xFFFFFFD0];
	v23 =	vor.u32 v4, v11;
	v11 =	vadd.s32 s22, v12;
	v12 =	vshll.u32 v15, $0xA  }
0x382: {  	v24 =	vld [tilespmem:s31+$0xFFFFFFE0];
	v14 =	vshll.u32 v16, $0xA;
	v25 =	vor.u32 v5, v11;
	v11 =	vadd.s32 s22, v12  }
0x383: {  	v14 =	vadd.s32 s22, v14;
	v15 =	vshll.u32 v17, $0xA;
	v12 =	vld [tilespmem:s31+$0xFFFFFFF0];
	v13 =	vor.u32 v6, v11  }
0x384: {  	v16 =	vshll.u32 v18, $0xA;
	v14 =	vor.u32 v7, v14;
	v17 =	vadd.s32 s22, v15;
	v11 =	vld [tilespmem:s31+$0x0];
	[tilespmem:v19+s14+$0x0] =	vst.idx.msk $0xffff, v0  }
0x385: {  	s20 =	simm.s32 $0x80;
	v15 =	vld [tilespmem:s31+$0x10];
	v18 =	vor.u32 v8, v17;
	v19 =	vshll.u32 v20, $0xA;
	v20 =	vadd.s32 s22, v16;
	[tilespmem:v21+s14+$0x0] =	vst.idx.msk $0xffff, v0  }
0x386: {  	v21 =	vshll.u32 v22, $0xA;
	v16 =	vld [tilespmem:s31+$0x20];
	v26 =	vadd.s32 s20, v19;
	v17 =	vor.u32 v1, v20;
	[tilespmem:v23+s14+$0x0] =	vst.idx.msk $0xffff, v0  }
0x387: {  	s21 =	simm.s32 $0x8;
	s23 =	simm.s32 $0x1;
	s24 =	simm.s32 $0x16D40;
	v22 =	vshll.u32 v24, $0xA;
	v19 =	vld [tilespmem:s31+$0xFFFFFFC0];
	v21 =	vadd.s32 s20, v21;
	v20 =	vor.u32 v9, v26;
	[tilespmem:v25+s14+$0x0] =	vst.idx.msk $0xffff, v0  }
.LBB2_28:
0x388: {  	v23 =	vld [tilespmem:s24+$0x30];
	s21 =	sadd.s32 $0x8, s21;
	v21 =	vor.u32 v3, v21;
	v22 =	vadd.s32 s20, v22;
	v12 =	vshll.u32 v12, $0xA;
	[tilespmem:v13+s14+$0x0] =	vst.idx.msk $0xffff, v0  }
0x389: {  	v24 =	vld [tilespmem:s24+$0xFFFFFFD0];
	p0 =	slt.u32 s21, $0x38;
	v22 =	vor.u32 v4, v22;
	v12 =	vadd.s32 s20, v12;
	v11 =	vshll.u32 v11, $0xA;
	[tilespmem:v14+s14+$0x0] =	vst.idx.msk $0xffff, v0  }
0x38a: {  	v25 =	vld [tilespmem:s24+$0xFFFFFFE0];
	v26 =	vor.u32 v5, v12;
	v11 =	vadd.s32 s20, v11;
	v14 =	vshll.u32 v15, $0xA;
	[tilespmem:v18+s14+$0x0] =	vst.idx.msk $0xffff, v0  }
.Ltmp13:
0x38b: {  	v12 =	vld [tilespmem:s24+$0xFFFFFFF0];
	v13 =	vor.u32 v6, v11;
	v14 =	vadd.s32 s20, v14;
	v15 =	vshll.u32 v16, $0xA;
	[tilespmem:v17+s14+$0x0] =	vst.idx.msk $0xffff, v0;
	(pc) =	sbr.rel @p0 .LBB2_28-.Ltmp13, $4  }
0x38c: {  	s23 =	sadd.s32 $0x1, s23;
	v11 =	vld [tilespmem:s24+$0x0];
	v16 =	vshll.u32 v19, $0xA;
	v14 =	vor.u32 v7, v14;
	v17 =	vadd.s32 s20, v15;
	[tilespmem:v20+s14+$0x0] =	vst.idx.msk $0xffff, v0  }
0x38d: {  	v15 =	vld [tilespmem:s24+$0x10];
	v19 =	vshll.u32 v23, $0xA;
	v20 =	vadd.s32 s20, v16;
	s20 =	sshll.u32 s23, $0x7;
	[tilespmem:v21+s14+$0x0] =	vst.idx.msk $0xffff, v0;
	v18 =	vor.u32 v8, v17  }
0x38e: {  	v21 =	vshll.u32 v24, $0xA;
	v16 =	vld [tilespmem:s24+$0x20];
	v23 =	vadd.s32 s20, v19;
	v17 =	vor.u32 v1, v20;
	[tilespmem:v22+s14+$0x0] =	vst.idx.msk $0xffff, v0  }
0x38f: {  	v19 =	vld [tilespmem:s24+$0xFFFFFFC0];
	v21 =	vadd.s32 s20, v21;
	v22 =	vshll.u32 v25, $0xA;
	v20 =	vor.u32 v9, v23;
	s24 =	sadd.s32 $0x80, s24;
	[tilespmem:v26+s14+$0x0] =	vst.idx.msk $0xffff, v0  }
0x390: {  	_ =	sdelay $0x3  }
0x391: {  	v21 =	vor.u32 v3, v21;
	v22 =	vadd.s32 s20, v22;
	v12 =	vshll.u32 v12, $0xA;
	[tilespmem:v13+s14+$0x0] =	vst.idx.msk $0xffff, v0  }
0x392: {  	[tilespmem:v14+s14+$0x0] =	vst.idx.msk $0xffff, v0;
	v13 =	vor.u32 v4, v22;
	v12 =	vadd.s32 s20, v12;
	v11 =	vshll.u32 v11, $0xA  }
0x393: {  	[tilespmem:v18+s14+$0x0] =	vst.idx.msk $0xffff, v0;
	v12 =	vor.u32 v5, v12;
	v11 =	vadd.s32 s20, v11;
	v14 =	vshll.u32 v15, $0xA  }
0x394: {  	[tilespmem:v17+s14+$0x0] =	vst.idx.msk $0xffff, v0;
	v11 =	vor.u32 v6, v11;
	v14 =	vadd.s32 s20, v14;
	v15 =	vshll.u32 v16, $0xA  }
0x395: {  	[tilespmem:v20+s14+$0x0] =	vst.idx.msk $0xffff, v0;
	v16 =	vshll.u32 v19, $0xA;
	v14 =	vor.u32 v7, v14;
	v15 =	vadd.s32 s20, v15  }
0x396: {  	v16 =	vadd.s32 s20, v16;
	[tilespmem:v21+s14+$0x0] =	vst.idx.msk $0xffff, v0;
	v15 =	vor.u32 v8, v15  }
0x397: {  	v16 =	vor.u32 v1, v16;
	[tilespmem:v13+s14+$0x0] =	vst.idx.msk $0xffff, v0  }
0x398: {  	[tilespmem:v12+s14+$0x0] =	vst.idx.msk $0xffff, v0  }
0x399: {  	[tilespmem:v11+s14+$0x0] =	vst.idx.msk $0xffff, v0  }
0x39a: {  	[tilespmem:v14+s14+$0x0] =	vst.idx.msk $0xffff, v0  }
0x39b: {  	[tilespmem:v15+s14+$0x0] =	vst.idx.msk $0xffff, v0  }
0x39c: {  	s20 =	simm.s32 $0x0;
	[tilespmem:v16+s14+$0x0] =	vst.idx.msk $0xffff, v0  }
0x39d: {  	v11 =	vld [tilespmem:s20+$0x6070]  }
0x39e: {  	v12 =	vld [tilespmem:s20+$0x6000]  }
0x39f: {  	v13 =	vld [tilespmem:s20+$0x6010]  }
0x3a0: {  	v14 =	vld [tilespmem:s20+$0x6020]  }
0x3a1: {  	v15 =	vld [tilespmem:s20+$0x6030]  }
0x3a2: {  	v16 =	vld [tilespmem:s20+$0x6040]  }
0x3a3: {  	v19 =	vld [tilespmem:s20+$0x6050]  }
0x3a4: {  	v21 =	vld [tilespmem:s20+$0x6060]  }
0x3a5: {  	v17 =	vmul.f32 $3.100000000e+01, v11  }
0x3a6: {  	v18 =	vmul.f32 $3.100000000e+01, v12;
	v20 =	vmul.f32 $3.100000000e+01, v13  }
0x3a7: {  	v22 =	vmul.f32 $3.100000000e+01, v14;
	v23 =	vmul.f32 $3.100000000e+01, v15  }
0x3a8: {  	v24 =	vmul.f32 $3.100000000e+01, v16;
	v25 =	vmul.f32 $3.100000000e+01, v19  }
0x3a9: {  	v26 =	vmul.f32 $3.100000000e+01, v21;
	v17 =	vtrunc.f32 v17  }
0x3aa: {  	v18 =	vtrunc.f32 v18;
	v20 =	vtrunc.f32 v20  }
0x3ab: {  	v22 =	vtrunc.f32 v22;
	v23 =	vtrunc.f32 v23  }
0x3ac: {  	v24 =	vtrunc.f32 v24;
	v17 =	vcvt.f32.s32 v17  }
0x3ad: {  	v18 =	vcvt.f32.s32 v18;
	v20 =	vcvt.f32.s32 v20  }
0x3ae: {  	v22 =	vcvt.f32.s32 v22;
	v23 =	vcvt.f32.s32 v23;
	v17 =	vadd.s32 $0x1, v17  }
0x3af: {  	v24 =	vcvt.f32.s32 v24;
	v18 =	vadd.s32 $0x1, v18;
	vm0 =	vgt.s32 v17, $0x1  }
0x3b0: {  	v20 =	vadd.s32 $0x1, v20;
	v22 =	vadd.s32 $0x1, v22;
	v17 =	vnsel vm0, $0x1, v17  }
0x3b1: {  	v23 =	vadd.s32 $0x1, v23;
	v24 =	vadd.s32 $0x1, v24;
	v17 =	vmin.u32 v17, $0x20  }
0x3b2: {  	vm1 =	vgt.s32 v20, $0x1;
	vm0 =	vgt.s32 v18, $0x1;
	v27 =	vadd.s32 $0x1, v17  }
0x3b3: {  	v20 =	vnsel vm1, $0x1, v20;
	vm1 =	vgt.s32 v23, $0x1;
	v18 =	vnsel vm0, $0x1, v18  }
0x3b4: {  	vm0 =	vgt.s32 v22, $0x1;
	v23 =	vnsel vm1, $0x1, v23;
	v18 =	vmin.u32 v18, $0x20  }
0x3b5: {  	v22 =	vnsel vm0, $0x1, v22;
	vm0 =	vgt.s32 v24, $0x1;
	v31 =	vmin.u32 v23, $0x20  }
0x3b6: {  	v25 =	vtrunc.f32 v25;
	v23 =	vnsel vm0, $0x1, v24;
	v24 =	vadd.s32 $0x1, v18;
	v28 =	vld.idx.msk [tilespmem:v17+s11+$0x0], $0xffff  }
0x3b7: {  	v25 =	vcvt.f32.s32 v25;
	v20 =	vmin.u32 v20, $0x20;
	v27 =	vld.idx.msk [tilespmem:v27+s11+$0x0], $0xffff  }
0x3b8: {  	v26 =	vtrunc.f32 v26;
	v22 =	vmin.u32 v22, $0x20  }
0x3b9: {  	v26 =	vcvt.f32.s32 v26;
	v25 =	vadd.s32 $0x1, v25;
	v32 =	vadd.s32 $0x1, v31;
	v29 =	vld.idx.msk [tilespmem:v18+s11+$0x0], $0xffff  }
0x3ba: {  	vm1 =	vgt.s32 v25, $0x1;
	v30 =	vadd.s32 $0x1, v20;
	v36 =	vld.idx.msk [tilespmem:v31+s11+$0x0], $0xffff  }
0x3bb: {  	v26 =	vadd.s32 $0x1, v26;
	v25 =	vnsel vm1, $0x1, v25;
	v34 =	vmin.u32 v23, $0x20;
	v24 =	vld.idx.msk [tilespmem:v24+s11+$0x0], $0xffff  }
0x3bc: {  	vm0 =	vlt.f32 v11, v28;
	vm1 =	vge.f32 v11, v27;
	v11 =	vadd.s32 $0x1, v22;
	v27 =	vld.idx.msk [tilespmem:v20+s11+$0x0], $0xffff  }
0x3bd: {  	vm2 =	vgt.s32 v26, $0x1;
	v35 =	vmin.u32 v25, $0x20;
	v25 =	vadd.s32 $0x1, v34;
	v33 =	vld.idx.msk [tilespmem:v22+s11+$0x0], $0xffff  }
0x3be: {  	v26 =	vnsel vm2, $0x1, v26;
	v32 =	vld.idx.msk [tilespmem:v32+s11+$0x0], $0xffff;
	v28 =	vsel vm0, $0xFFFFFFFF, v2;
	v23 =	vsel vm1, $0x1, v2  }
0x3bf: {  	v26 =	vmin.u32 v26, $0x20;
	v30 =	vld.idx.msk [tilespmem:v30+s11+$0x0], $0xffff;
	v23 =	vadd.s32 v28, v23;
	v28 =	vadd.s32 $0x1, v35  }
0x3c0: {  	vm0 =	vlt.f32 v12, v29;
	v23 =	vadd.s32 v17, v23;
	v17 =	vadd.s32 $0x1, v26  }
0x3c1: {  	v58 =	vsel vm0, $0xFFFFFFFF, v2;
	vm1 =	vge.f32 v12, v24;
	v11 =	vld.idx.msk [tilespmem:v11+s11+$0x0], $0xffff;
	vm0 =	vlt.f32 v13, v27  }
0x3c2: {  	s21 =	simm.s32 $0x80;
	v25 =	vld.idx.msk [tilespmem:v25+s11+$0x0], $0xffff;
	v24 =	vsel vm1, $0x1, v2;
	v27 =	vsel vm0, $0xFFFFFFFF, v2;
	vm0 =	vlt.f32 v14, v33  }
0x3c3: {  	vm1 =	vge.f32 v15, v32;
	v32 =	vld [tilespmem:s21+$0x6000];
	v12 =	vsel vm0, $0xFFFFFFFF, v2;
	vm0 =	vlt.f32 v15, v36  }
0x3c4: {  	v37 =	vshll.u32 v23, $0xA;
	v28 =	vld.idx.msk [tilespmem:v28+s11+$0x0], $0xffff;
	v59 =	vsel vm0, $0xFFFFFFFF, v2;
	vm0 =	vge.f32 v13, v30  }
0x3c5: {  	v24 =	vadd.s32 v58, v24;
	v37 =	vadd.s32 s22, v37;
	v17 =	vld.idx.msk [tilespmem:v17+s11+$0x0], $0xffff;
	v30 =	vsel vm0, $0x1, v2  }
0x3c6: {  	v29 =	vor.u32 v9, v37;
	v13 =	vld.idx.msk [tilespmem:v34+s11+$0x0], $0xffff;
	vm0 =	vge.f32 v14, v11;
	v14 =	vadd.s32 v27, v30  }
0x3c7: {  	v27 =	vsel vm1, $0x1, v2;
	v15 =	vsel vm0, $0x1, v2;
	vm0 =	vge.f32 v16, v25  }
0x3c8: {  	v25 =	vadd.s32 v20, v14;
	v20 =	vmul.f32 $3.100000000e+01, v32;
	v12 =	vadd.s32 v12, v15  }
0x3c9: {  	v11 =	vld.idx.msk [tilespmem:v35+s11+$0x0], $0xffff;
	v15 =	vadd.s32 v59, v27;
	v27 =	vsel vm0, $0x1, v2;
	vm0 =	vge.f32 v19, v28  }
0x3ca: {  	v60 =	vld [tilespmem:s21+$0x6070];
	v28 =	vadd.s32 v18, v24;
	v62 =	vshll.u32 v25, $0xA;
	v18 =	vsel vm0, $0x1, v2  }
0x3cb: {  	v30 =	vld.idx.msk [tilespmem:v26+s11+$0x0], $0xffff;
	vm0 =	vge.f32 v21, v17;
	vm1 =	vlt.f32 v16, v13;
	v14 =	vadd.s32 v22, v12  }
0x3cc: {  	v33 =	vld [tilespmem:s21+$0x6010];
	v15 =	vadd.s32 v31, v15;
	v61 =	vshll.u32 v28, $0xA;
	v20 =	vtrunc.f32 v20  }
0x3cd: {  	v16 =	vsel vm0, $0x1, v2;
	v13 =	vsel vm1, $0xFFFFFFFF, v2;
	v63 =	vshll.u32 v14, $0xA  }
0x3ce: {  	v38 =	vshll.u32 v15, $0xA;
	vm0 =	vlt.f32 v19, v11;
	v11 =	vadd.s32 v13, v27  }
0x3cf: {  	[tilespmem:v29+s14+$0x0] =	vst.idx.msk $0xffff, v10;
	v31 =	vld [tilespmem:s21+$0x6030];
	v19 =	vmul.f32 $3.100000000e+01, v60;
	v37 =	vadd.s32 s22, v63;
	v29 =	vadd.s32 s22, v38  }
0x3d0: {  	v12 =	vsel vm0, $0xFFFFFFFF, v2;
	vm0 =	vlt.f32 v21, v30;
	v13 =	vadd.s32 v34, v11  }
0x3d1: {  	v21 =	vmul.f32 $3.100000000e+01, v33;
	v34 =	vadd.s32 s22, v61;
	v37 =	vor.u32 v4, v37  }
0x3d2: {  	v12 =	vadd.s32 v12, v18;
	v17 =	vsel vm0, $0xFFFFFFFF, v2;
	v19 =	vtrunc.f32 v19  }
0x3d3: {  	v30 =	vld [tilespmem:s21+$0x6020];
	v39 =	vshll.u32 v13, $0xA;
	v53 =	vor.u32 v1, v34;
	v12 =	vadd.s32 v35, v12  }
0x3d4: {  	v18 =	vld [tilespmem:s21+$0x6040];
	v11 =	vadd.s32 v17, v16;
	v19 =	vcvt.f32.s32 v19;
	v24 =	vmul.f32 $3.100000000e+01, v31  }
0x3d5: {  	v17 =	vld [tilespmem:s21+$0x6050];
	v21 =	vtrunc.f32 v21;
	v35 =	vadd.s32 s22, v62;
	v61 =	vadd.s32 s22, v39  }
0x3d6: {  	v16 =	vld [tilespmem:s21+$0x6060];
	v11 =	vadd.s32 v26, v11;
	v40 =	vshll.u32 v12, $0xA;
	v21 =	vcvt.f32.s32 v21  }
0x3d7: {  	v19 =	vadd.s32 $0x1, v19;
	v24 =	vtrunc.f32 v24;
	v43 =	vshll.u32 v11, $0xA  }
0x3d8: {  	v62 =	vadd.s32 s22, v40;
	v22 =	vmul.f32 $3.100000000e+01, v30;
	vm0 =	vgt.s32 v19, $0x1  }
0x3d9: {  	v24 =	vcvt.f32.s32 v24;
	v21 =	vadd.s32 $0x1, v21;
	v26 =	vmul.f32 $3.100000000e+01, v18  }
0x3da: {  	v19 =	vnsel vm0, $0x1, v19;
	vm1 =	vgt.s32 v21, $0x1;
	v22 =	vtrunc.f32 v22  }
0x3db: {  	v27 =	vmul.f32 $3.100000000e+01, v17;
	v41 =	vmul.f32 $3.100000000e+01, v16;
	v42 =	vmin.u32 v19, $0x20  }
0x3dc: {  	v19 =	vcvt.f32.s32 v20;
	v24 =	vadd.s32 $0x1, v24;
	v26 =	vtrunc.f32 v26  }
0x3dd: {  	v54 =	vadd.s32 $0x1, v42;
	v22 =	vcvt.f32.s32 v22;
	v27 =	vtrunc.f32 v27  }
0x3de: {  	vm3 =	vgt.s32 v24, $0x1;
	v20 =	vtrunc.f32 v41;
	v26 =	vcvt.f32.s32 v26  }
0x3df: {  	v19 =	vadd.s32 $0x1, v19;
	v27 =	vcvt.f32.s32 v27;
	v20 =	vcvt.f32.s32 v20  }
0x3e0: {  	v22 =	vadd.s32 $0x1, v22;
	vm0 =	vgt.s32 v19, $0x1;
	v26 =	vadd.s32 $0x1, v26  }
0x3e1: {  	vm2 =	vgt.s32 v22, $0x1;
	v19 =	vnsel vm0, $0x1, v19;
	v45 =	vadd.s32 $0x1, v27  }
0x3e2: {  	vm0 =	vgt.s32 v26, $0x1;
	v27 =	vmin.u32 v19, $0x20;
	v19 =	vnsel vm1, $0x1, v21  }
0x3e3: {  	v44 =	vld.idx.msk [tilespmem:v42+s11+$0x0], $0xffff;
	v21 =	vnsel vm2, $0x1, v22;
	v46 =	vnsel vm0, $0x1, v26;
	v26 =	vmin.u32 v19, $0x20  }
0x3e4: {  	v43 =	vadd.s32 s22, v43;
	v22 =	vnsel vm3, $0x1, v24;
	v41 =	vld.idx.msk [tilespmem:v54+s11+$0x0], $0xffff;
	v24 =	vmin.u32 v21, $0x20  }
0x3e5: {  	v34 =	vor.u32 v7, v62;
	v20 =	vadd.s32 $0x1, v20;
	v22 =	vmin.u32 v22, $0x20  }
0x3e6: {  	vm4 =	vgt.s32 v45, $0x1;
	vm5 =	vgt.s32 v20, $0x1;
	v58 =	vadd.s32 $0x1, v26  }
0x3e7: {  	v57 =	vadd.s32 $0x1, v27;
	v54 =	vor.u32 v3, v35;
	v35 =	vor.u32 v5, v29;
	v56 =	vld.idx.msk [tilespmem:v27+s11+$0x0], $0xffff  }
0x3e8: {  	v45 =	vnsel vm4, $0x1, v45;
	v19 =	vnsel vm5, $0x1, v20;
	v59 =	vadd.s32 $0x1, v24;
	v47 =	vld.idx.msk [tilespmem:v26+s11+$0x0], $0xffff  }
0x3e9: {  	v21 =	vmin.u32 v46, $0x20;
	vm0 =	vlt.f32 v60, v44;
	vm1 =	vge.f32 v60, v41;
	v50 =	vld.idx.msk [tilespmem:v24+s11+$0x0], $0xffff  }
0x3ea: {  	v48 =	vadd.s32 $0x1, v22;
	v55 =	vsel vm0, $0xFFFFFFFF, v2;
	v44 =	vld.idx.msk [tilespmem:v22+s11+$0x0], $0xffff;
	v41 =	vsel vm1, $0x1, v2  }
0x3eb: {  	v20 =	vmin.u32 v45, $0x20;
	v49 =	vadd.s32 $0x1, v21;
	v63 =	vld.idx.msk [tilespmem:v58+s11+$0x0], $0xffff;
	v36 =	vadd.s32 v55, v41  }
0x3ec: {  	v19 =	vmin.u32 v19, $0x20;
	v51 =	vadd.s32 $0x1, v20;
	v41 =	vld.idx.msk [tilespmem:v57+s11+$0x0], $0xffff;
	v42 =	vadd.s32 v42, v36  }
0x3ed: {  	s23 =	simm.s32 $0x80;
	v52 =	vadd.s32 $0x1, v19;
	v45 =	vld.idx.msk [tilespmem:v59+s11+$0x0], $0xffff;
	v36 =	vor.u32 v6, v61;
	v60 =	vshll.u32 v42, $0xA  }
0x3ee: {  	vm0 =	vlt.f32 v32, v56;
	v46 =	vadd.s32 s23, v60;
	vm1 =	vlt.f32 v33, v47  }
0x3ef: {  	[tilespmem:s20+$0x16C70] =	vst v23;
	v57 =	vld.idx.msk [tilespmem:v48+s11+$0x0], $0xffff;
	v29 =	vsel vm0, $0xFFFFFFFF, v2;
	vm0 =	vlt.f32 v30, v50;
	v46 =	vor.u32 v9, v46  }
0x3f0: {  	[tilespmem:v53+s14+$0x0] =	vst.idx.msk $0xffff, v10;
	v59 =	vld.idx.msk [tilespmem:v49+s11+$0x0], $0xffff;
	v58 =	vsel vm1, $0xFFFFFFFF, v2;
	v60 =	vsel vm0, $0xFFFFFFFF, v2;
	vm0 =	vlt.f32 v31, v44  }
0x3f1: {  	[tilespmem:s20+$0x16C00] =	vst v28;
	v61 =	vld.idx.msk [tilespmem:v51+s11+$0x0], $0xffff;
	vm1 =	vge.f32 v32, v41;
	v23 =	vsel vm0, $0xFFFFFFFF, v2;
	vm0 =	vge.f32 v33, v63  }
0x3f2: {  	[tilespmem:v54+s14+$0x0] =	vst.idx.msk $0xffff, v10;
	v38 =	vld.idx.msk [tilespmem:v52+s11+$0x0], $0xffff;
	v62 =	vsel vm1, $0x1, v2;
	v63 =	vsel vm0, $0x1, v2;
	vm0 =	vge.f32 v30, v45  }
0x3f3: {  	[tilespmem:s20+$0x16C10] =	vst v25;
	v32 =	vor.u32 v8, v43;
	v33 =	vld.idx.msk [tilespmem:v21+s11+$0x0], $0xffff;
	v41 =	vadd.s32 v29, v62;
	v30 =	vsel vm0, $0x1, v2  }
0x3f4: {  	v29 =	vld.idx.msk [tilespmem:v20+s11+$0x0], $0xffff;
	v28 =	vadd.s32 v58, v63;
	vm0 =	vge.f32 v31, v57;
	v39 =	vadd.s32 v60, v30  }
0x3f5: {  	v31 =	vsel vm0, $0x1, v2;
	vm0 =	vge.f32 v18, v59;
	v30 =	vld.idx.msk [tilespmem:v19+s11+$0x0], $0xffff;
	[tilespmem:v46+s14+$0x0] =	vst.idx.msk $0xffff, v10  }
0x3f6: {  	s24 =	simm.s32 $0x1;
	s25 =	simm.s32 $0x400;
	s22 =	simm.s32 $0x8;
	v31 =	vadd.s32 v23, v31;
	v40 =	vsel vm0, $0x1, v2;
	vm0 =	vge.f32 v17, v61;
	[tilespmem:s21+$0x16C70] =	vst v42  }
.LBB2_30:
0x3f7: {  	s26 =	sshra.s32 s25, $0x2;
	v25 =	vadd.s32 v27, v41;
	v27 =	vsel vm0, $0x1, v2;
	vm0 =	vge.f32 v16, v38;
	[tilespmem:v37+s14+$0x0] =	vst.idx.msk $0xffff, v10  }
0x3f8: {  	s22 =	sadd.s32 $0x8, s22;
	v23 =	vadd.s32 v26, v28;
	vm1 =	vlt.f32 v18, v33;
	v37 =	vld [tilespmem:s26+$0x6070];
	v18 =	vsel vm0, $0x1, v2;
	[tilespmem:s20+$0x16C20] =	vst v14  }
0x3f9: {  	p0 =	slt.u32 s22, $0x38;
	v14 =	vadd.s32 v24, v39;
	v24 =	vsel vm1, $0xFFFFFFFF, v2;
	vm0 =	vlt.f32 v17, v29;
	v28 =	vld [tilespmem:s26+$0x6000];
	[tilespmem:v35+s14+$0x0] =	vst.idx.msk $0xffff, v10  }
0x3fa: {  	v17 =	vadd.s32 v24, v40;
	v24 =	vsel vm0, $0xFFFFFFFF, v2;
	vm0 =	vlt.f32 v16, v30;
	v29 =	vld [tilespmem:s26+$0x6010];
	[tilespmem:s20+$0x16C30] =	vst v15  }
0x3fb: {  	v15 =	vadd.s32 v22, v31;
	v16 =	vadd.s32 v24, v27;
	v22 =	vsel vm0, $0xFFFFFFFF, v2;
	v30 =	vld [tilespmem:s26+$0x6020];
	[tilespmem:v36+s14+$0x0] =	vst.idx.msk $0xffff, v10  }
0x3fc: {  	v16 =	vadd.s32 v20, v16;
	v20 =	vadd.s32 v22, v18;
	v31 =	vld [tilespmem:s26+$0x6030];
	[tilespmem:s20+$0x16C40] =	vst v13;
	v13 =	vadd.s32 v21, v17  }
0x3fd: {  	v33 =	vshll.u32 v25, $0xA;
	v19 =	vadd.s32 v19, v20;
	v18 =	vld [tilespmem:s26+$0x6040];
	v21 =	vmul.f32 $3.100000000e+01, v37;
	[tilespmem:v34+s14+$0x0] =	vst.idx.msk $0xffff, v10  }
0x3fe: {  	v35 =	vshll.u32 v14, $0xA;
	v34 =	vshll.u32 v23, $0xA;
	v20 =	vmul.f32 $3.100000000e+01, v28;
	v17 =	vld [tilespmem:s26+$0x6050];
	[tilespmem:s20+$0x16C50] =	vst v12;
	v12 =	vmovc v16  }
0x3ff: {  	v36 =	vshll.u32 v15, $0xA;
	v22 =	vmul.f32 $3.100000000e+01, v29;
	v16 =	vld [tilespmem:s26+$0x6060];
	v21 =	vtrunc.f32 v21;
	[tilespmem:v32+s14+$0x0] =	vst.idx.msk $0xffff, v10  }
0x400: {  	v32 =	vshll.u32 v13, $0xA;
	v24 =	vmul.f32 $3.100000000e+01, v30;
	v21 =	vcvt.f32.s32 v21;
	[tilespmem:s20+$0x16C60] =	vst v11;
	v11 =	vmovc v19;
	s20 =	smov.u32 s21;
	s21 =	smov.u32 s26  }
0x401: {  	v38 =	vshll.u32 v12, $0xA;
	v19 =	vtrunc.f32 v20;
	v20 =	vmul.f32 $3.100000000e+01, v31  }
0x402: {  	v22 =	vtrunc.f32 v22;
	v26 =	vmul.f32 $3.100000000e+01, v18;
	v21 =	vadd.s32 $0x1, v21  }
0x403: {  	v24 =	vtrunc.f32 v24;
	v27 =	vmul.f32 $3.100000000e+01, v17;
	vm0 =	vgt.s32 v21, $0x1  }
0x404: {  	v20 =	vtrunc.f32 v20;
	v39 =	vmul.f32 $3.100000000e+01, v16;
	v21 =	vnsel vm0, $0x1, v21  }
0x405: {  	v26 =	vtrunc.f32 v26;
	v27 =	vtrunc.f32 v27;
	v40 =	vmin.u32 v21, $0x20  }
0x406: {  	v19 =	vcvt.f32.s32 v19;
	v21 =	vtrunc.f32 v39;
	v39 =	vadd.s32 $0x1, v40  }
0x407: {  	v41 =	vshll.u32 v11, $0xA;
	v22 =	vcvt.f32.s32 v22;
	v24 =	vcvt.f32.s32 v24  }
0x408: {  	v19 =	vadd.s32 $0x1, v19;
	v20 =	vcvt.f32.s32 v20;
	v26 =	vcvt.f32.s32 v26  }
0x409: {  	v22 =	vadd.s32 $0x1, v22;
	v27 =	vcvt.f32.s32 v27;
	v21 =	vcvt.f32.s32 v21  }
0x40a: {  	v24 =	vadd.s32 $0x1, v24;
	v20 =	vadd.s32 $0x1, v20;
	v26 =	vadd.s32 $0x1, v26;
	v42 =	vld.idx.msk [tilespmem:v40+s11+$0x0], $0xffff  }
0x40b: {  	vm0 =	vgt.s32 v19, $0x1;
	v27 =	vadd.s32 $0x1, v27;
	v21 =	vadd.s32 $0x1, v21;
	v39 =	vld.idx.msk [tilespmem:v39+s11+$0x0], $0xffff  }
0x40c: {  	vm1 =	vgt.s32 v22, $0x1;
	vm2 =	vgt.s32 v24, $0x1;
	vm3 =	vgt.s32 v20, $0x1  }
0x40d: {  	vm4 =	vgt.s32 v26, $0x1;
	vm5 =	vgt.s32 v27, $0x1;
	vm6 =	vgt.s32 v21, $0x1  }
0x40e: {  	v19 =	vnsel vm0, $0x1, v19;
	v22 =	vnsel vm1, $0x1, v22;
	v24 =	vnsel vm2, $0x1, v24  }
0x40f: {  	v20 =	vnsel vm3, $0x1, v20;
	v43 =	vnsel vm4, $0x1, v26;
	v44 =	vnsel vm5, $0x1, v27  }
0x410: {  	v26 =	vmin.u32 v22, $0x20;
	v27 =	vmin.u32 v19, $0x20;
	v19 =	vnsel vm6, $0x1, v21  }
0x411: {  	v24 =	vmin.u32 v24, $0x20;
	vm0 =	vlt.f32 v37, v42;
	vm1 =	vge.f32 v37, v39  }
0x412: {  	v22 =	vmin.u32 v20, $0x20;
	v37 =	vsel vm0, $0xFFFFFFFF, v2;
	v39 =	vsel vm1, $0x1, v2  }
0x413: {  	v21 =	vmin.u32 v43, $0x20;
	v20 =	vmin.u32 v44, $0x20;
	v37 =	vadd.s32 v37, v39  }
0x414: {  	s24 =	sadd.s32 $0x1, s24;
	v19 =	vmin.u32 v19, $0x20;
	v39 =	vadd.s32 $0x1, v27;
	v40 =	vadd.s32 v40, v37  }
0x415: {  	s1 =	sshll.u32 s24, $0x7;
	v43 =	vadd.s32 $0x1, v24;
	v42 =	vadd.s32 $0x1, v26;
	v44 =	vshll.u32 v40, $0xA;
	v37 =	vld.idx.msk [tilespmem:v27+s11+$0x0], $0xffff  }
0x416: {  	v46 =	vadd.s32 $0x1, v22;
	v47 =	vadd.s32 $0x1, v21;
	v44 =	vadd.s32 s1, v44;
	v45 =	vld.idx.msk [tilespmem:v26+s11+$0x0], $0xffff  }
0x417: {  	v49 =	vadd.s32 $0x1, v20;
	v50 =	vadd.s32 $0x1, v19;
	v44 =	vor.u32 v9, v44;
	v48 =	vld.idx.msk [tilespmem:v24+s11+$0x0], $0xffff  }
0x418: {  	v33 =	vadd.s32 s23, v33;
	v35 =	vadd.s32 s23, v35;
	v34 =	vadd.s32 s23, v34;
	v51 =	vld.idx.msk [tilespmem:v22+s11+$0x0], $0xffff  }
0x419: {  	v36 =	vadd.s32 s23, v36;
	v32 =	vadd.s32 s23, v32;
	v38 =	vadd.s32 s23, v38;
	v39 =	vld.idx.msk [tilespmem:v39+s11+$0x0], $0xffff  }
0x41a: {  	v52 =	vor.u32 v1, v33;
	v53 =	vor.u32 v3, v34;
	v33 =	vadd.s32 s23, v41;
	s23 =	smov.u32 s1;
	v42 =	vld.idx.msk [tilespmem:v42+s11+$0x0], $0xffff  }
0x41b: {  	vm0 =	vlt.f32 v28, v37;
	v37 =	vor.u32 v4, v35;
	v35 =	vor.u32 v5, v36;
	v43 =	vld.idx.msk [tilespmem:v43+s11+$0x0], $0xffff  }
0x41c: {  	v41 =	vsel vm0, $0xFFFFFFFF, v2;
	vm0 =	vlt.f32 v29, v45;
	v45 =	vld.idx.msk [tilespmem:v46+s11+$0x0], $0xffff;
	[tilespmem:v44+s14+$0x0] =	vst.idx.msk $0xffff, v10  }
0x41d: {  	v36 =	vor.u32 v6, v32;
	v44 =	vsel vm0, $0xFFFFFFFF, v2;
	vm0 =	vlt.f32 v30, v48;
	v46 =	vld.idx.msk [tilespmem:v47+s11+$0x0], $0xffff;
	[tilespmem:s21+$0x16C70] =	vst v40  }
0x41e: {  	v34 =	vor.u32 v7, v38;
	v40 =	vsel vm0, $0xFFFFFFFF, v2;
	vm0 =	vlt.f32 v31, v51;
	v47 =	vld.idx.msk [tilespmem:v49+s11+$0x0], $0xffff  }
0x41f: {  	v32 =	vor.u32 v8, v33;
	vm1 =	vge.f32 v28, v39;
	v48 =	vsel vm0, $0xFFFFFFFF, v2;
	v38 =	vld.idx.msk [tilespmem:v50+s11+$0x0], $0xffff  }
.Ltmp14:
0x420: {  	v28 =	vsel vm1, $0x1, v2;
	vm0 =	vge.f32 v29, v42;
	v33 =	vld.idx.msk [tilespmem:v21+s11+$0x0], $0xffff;
	[tilespmem:v52+s14+$0x0] =	vst.idx.msk $0xffff, v10;
	(pc) =	sbr.rel @p0 .LBB2_30-.Ltmp14, $4  }
0x421: {  	v41 =	vadd.s32 v41, v28;
	v28 =	vsel vm0, $0x1, v2;
	vm0 =	vge.f32 v30, v43;
	v29 =	vld.idx.msk [tilespmem:v20+s11+$0x0], $0xffff;
	[tilespmem:s20+$0x16C00] =	vst v25  }
0x422: {  	v28 =	vadd.s32 v44, v28;
	v25 =	vsel vm0, $0x1, v2;
	vm0 =	vge.f32 v31, v45;
	v30 =	vld.idx.msk [tilespmem:v19+s11+$0x0], $0xffff  }
0x423: {  	v39 =	vadd.s32 v40, v25;
	v25 =	vsel vm0, $0x1, v2;
	vm0 =	vge.f32 v18, v46;
	[tilespmem:v53+s14+$0x0] =	vst.idx.msk $0xffff, v10  }
0x424: {  	s25 =	sadd.s32 $0x200, s25;
	v31 =	vadd.s32 v48, v25;
	v40 =	vsel vm0, $0x1, v2;
	vm0 =	vge.f32 v17, v47;
	[tilespmem:s20+$0x16C10] =	vst v23  }
0x425: {  	_ =	sdelay $0x3  }
0x426: {  	[tilespmem:v37+s14+$0x0] =	vst.idx.msk $0xffff, v10  }
0x427: {  	v48 =	vadd.s32 v27, v41;
	[tilespmem:v35+s14+$0x0] =	vst.idx.msk $0xffff, v10  }
0x428: {  	vm13 =	vge.f32 v16, v38;
	v25 =	vadd.s32 v26, v28;
	[tilespmem:v36+s14+$0x0] =	vst.idx.msk $0xffff, v10  }
0x429: {  	v24 =	vadd.s32 v24, v39;
	[tilespmem:v34+s14+$0x0] =	vst.idx.msk $0xffff, v10;
	v22 =	vadd.s32 v22, v31;
	v49 =	vshll.u32 v48, $0xA  }
0x42a: {  	[tilespmem:s20+$0x16C30] =	vst v15;
	v51 =	vshll.u32 v25, $0xA;
	vm14 =	vlt.f32 v17, v29;
	v15 =	vadd.s32 s23, v49  }
0x42b: {  	[tilespmem:s20+$0x16C40] =	vst v13;
	v53 =	vshll.u32 v24, $0xA;
	v13 =	vadd.s32 s23, v51;
	v15 =	vor.u32 v1, v15  }
0x42c: {  	[tilespmem:v32+s14+$0x0] =	vst.idx.msk $0xffff, v10;
	v57 =	vshll.u32 v22, $0xA;
	v17 =	vadd.s32 s23, v53;
	v54 =	vor.u32 v3, v13  }
0x42d: {  	vm1 =	vlt.f32 v18, v33;
	[tilespmem:s20+$0x16C60] =	vst v11;
	v58 =	vadd.s32 s23, v57;
	v11 =	vor.u32 v4, v17  }
0x42e: {  	[tilespmem:s20+$0x16C20] =	vst v14;
	v52 =	vsel vm1, $0xFFFFFFFF, v2;
	vm15 =	vlt.f32 v16, v30;
	v16 =	vor.u32 v5, v58  }
0x42f: {  	v23 =	vsel vm0, $0x1, v2;
	[tilespmem:s20+$0x16C50] =	vst v12;
	v55 =	vadd.s32 v52, v40  }
0x430: {  	v50 =	vsel vm13, $0x1, v2;
	v13 =	vadd.s32 v21, v55;
	v61 =	vsel vm15, $0xFFFFFFFF, v2;
	[tilespmem:v15+s14+$0x0] =	vst.idx.msk $0xffff, v10  }
0x431: {  	v56 =	vsel vm14, $0xFFFFFFFF, v2;
	v60 =	vshll.u32 v13, $0xA;
	v62 =	vadd.s32 v61, v50;
	[tilespmem:v54+s14+$0x0] =	vst.idx.msk $0xffff, v10  }
0x432: {  	v59 =	vadd.s32 v56, v23;
	v17 =	vadd.s32 s23, v60;
	v12 =	vadd.s32 v19, v62;
	[tilespmem:v11+s14+$0x0] =	vst.idx.msk $0xffff, v10  }
0x433: {  	v17 =	vor.u32 v6, v17;
	v15 =	vadd.s32 v20, v59;
	v11 =	vshll.u32 v12, $0xA;
	[tilespmem:v16+s14+$0x0] =	vst.idx.msk $0xffff, v10  }
0x434: {  	[tilespmem:s21+$0x16C00] =	vst v48;
	v63 =	vshll.u32 v15, $0xA;
	v11 =	vadd.s32 s23, v11  }
0x435: {  	[tilespmem:s21+$0x16C10] =	vst v25;
	v14 =	vadd.s32 s23, v63;
	v11 =	vor.u32 v8, v11  }
0x436: {  	[tilespmem:s21+$0x16C20] =	vst v24;
	v14 =	vor.u32 v7, v14  }
0x437: {  	[tilespmem:s21+$0x16C30] =	vst v22  }
0x438: {  	[tilespmem:v17+s14+$0x0] =	vst.idx.msk $0xffff, v10  }
0x439: {  	[tilespmem:s21+$0x16C40] =	vst v13  }
0x43a: {  	[tilespmem:v11+s14+$0x0] =	vst.idx.msk $0xffff, v10  }
0x43b: {  	[tilespmem:v14+s14+$0x0] =	vst.idx.msk $0xffff, v10  }
0x43c: {  	[tilespmem:s21+$0x16C60] =	vst v12  }
0x43d: {  	s19 =	sadd.s32 $0x1, s19;
	[tilespmem:s21+$0x16C50] =	vst v15  }
0x43e: {  	[hbm4b:s9+s15] =	stream.strided.scatter [tilespmem:s14], [sflag:$0x1], $0x8400, s16, s15, $0x38;
	[tilespmem:$0x17480] =	vst v63  }
0x43f: {  	p0 =	sne.s32 s19, s10;
	_ =	swait.ge [sflag:s13], $0x8400  }
.Ltmp15:
0x440: {  	[sflag:s13] =	ssyncset.done $0x0;
	(pc) =	sbr.rel @p0 .LBB2_1-.Ltmp15, $4  }
0x441: {  	[sflag:s13] =	ssyncadd.s32 $0xFFFF7C00  }
0x442: {  	_ =	swait.ge [sflag:s18], $0x8400  }
0x443: {  	[sflag:s18] =	ssyncset.done $0x0  }
0x444: {  	[sflag:s18] =	ssyncadd.s32 $0xFFFF7C00  }
0x445: {  	_ =	sfence.sel $0x180000  }
0x446: {  	[bflag:$0x0] =	sbarrier.arrive $0xFFFF  }
0x447: {  	_ =	strace $0x90000047  }
0x448: {  	[bflag:$0x2] =	sbarrier.arrive $0xFFFF  }
0x449: {  	p0 =	sne.s32 s0, $0x0;
	s0 =	rddreg [dreg:$0x3]  }
0x44a: {  	s0 =	sadd.s32 @!p0 $0x100000, s0  }
0x44b: {  	[sflag:s0] =	ssyncadd.tile.s32 @!p0 $0x1;
	_ =	shalt  }
.Lfunc_end2:
_tile_overlayer_lowered:
.L_overlay_start_2:
0x44c: {  	(tag) =	ssettag $0x2  }
0x44d: {  	s0 =	rddreg [dreg:$0x0];
	s2 =	stileid.u32  }
0x44e: {  	s1 =	rddreg [dreg:$0x1];
	p0 =	sne.s32 s2, $0x0  }
0x44f: {  	s3 =	rddreg [dreg:$0x2];
	[bflag:$0x3] =	sbarrier.arrive $0xFFFF;
	s2 =	simm.s32 @!p0 $0x1C03  }
0x450: {  	[timem:s3], [sflag:s2] =	dma.local @!p0 [hbm:s0], s1  }
0x451: {  	s0 =	simm.s32 @!p0 $0x3  }
0x452: {  	_ =	swait.ge @!p0 [sflag:s0], s1  }
0x453: {  	s1 =	ssub.s32 @!p0 $0x0, s1;
	[sflag:s0] =	ssyncset.done @!p0 $0x0  }
0x454: {  	[sflag:s0] =	ssyncadd.s32 @!p0 s1  }
0x455: {  	[bflag:$0x3] =	sbarrier.arrive $0xFFFF  }
0x456: {  	_ =	shalt  }

</sc_bundles>
